<compile_context>
chip_gen: v7x
topology: tpu7x:2x2x1
jax: 0.10.2.dev20260603
libtpu: 0.0.44.dev20260713+nightly
codegen_flags: <defaults>
</compile_context>

<pallas_src>
import jax
import jax.numpy as jnp
from jax import lax
from jax.experimental import pallas as pl
from jax.experimental.pallas import tpu as pltpu
from jax.experimental.pallas import tpu_sc as plsc

BATCH = 16384
NUM_FEATURES = 5
EMBED_DIM = 32
NC, NS, LANES = 2, 16, 16
NW = NC * NS
BPW = BATCH // NW
NCHUNK = BPW // LANES


def _sc_body(idx_hbm, tableT_hbm, out_hbm, idx_v, tiles, vals, *sems):
    wid = lax.axis_index("s") * NC + lax.axis_index("c")
    base = wid * BPW

    pltpu.sync_copy(idx_hbm.at[pl.ds(base, BPW)], idx_v)

    c_lo = lax.iota(jnp.int32, LANES)

    def lane_scalar(vec, b):
        return jnp.max(jnp.where(c_lo == b, vec, 0))

    def fetch(r, b):
        rb = pl.multiple_of((r >> 7) << 7, 128)
        pltpu.make_async_copy(
            tableT_hbm.at[:, pl.ds(rb, 128)], tiles.at[b], sems[b]
        ).start()

    vec0 = idx_v[pl.ds(0, LANES)]
    for b in range(LANES):
        fetch(lane_scalar(vec0, b), b)

    def chunk(kk, vec_cur):
        nxt = jnp.minimum(kk + 1, NCHUNK - 1)
        vec_next = idx_v[pl.ds(nxt * LANES, LANES)]
        for b in range(LANES):
            k = kk * LANES + b
            pltpu.make_async_copy(
                tableT_hbm.at[:, pl.ds(0, 128)], tiles.at[b], sems[b]
            ).wait()
            r = lane_scalar(vec_cur, b)
            j = jnp.full((LANES,), 1, jnp.int32) * (r & 127)
            v0 = plsc.load_gather(tiles.at[b], [c_lo, j])
            v1 = plsc.load_gather(tiles.at[b], [c_lo + LANES, j])
            vals[pl.ds(k * EMBED_DIM, LANES)] = v0
            vals[pl.ds(k * EMBED_DIM + LANES, LANES)] = v1

            @pl.when(kk < NCHUNK - 1)
            def _():
                fetch(lane_scalar(vec_next, b), b)

        return vec_next

    lax.fori_loop(0, NCHUNK, chunk, vec0)

    pltpu.sync_copy(
        vals, out_hbm.at[pl.ds(base * EMBED_DIM, BPW * EMBED_DIM)]
    )


@jax.jit
def kernel(x, table):
    idx = x[:, NUM_FEATURES].astype(jnp.int32)
    tableT = table.T
    mesh = plsc.VectorSubcoreMesh(core_axis_name="c", subcore_axis_name="s")
    run = pl.kernel(
        _sc_body,
        out_type=jax.ShapeDtypeStruct((BATCH * EMBED_DIM,), jnp.float32),
        mesh=mesh,
        compiler_params=pltpu.CompilerParams(needs_layout_passes=False),
        scratch_types=[
            pltpu.VMEM((BPW,), jnp.int32),
            pltpu.VMEM((LANES, EMBED_DIM, 128), jnp.float32),
            pltpu.VMEM((BPW * EMBED_DIM,), jnp.float32),
        ]
        + [pltpu.SemaphoreType.DMA] * LANES,
    )
    flat = run(idx, tableT)
    emb = flat.reshape(BATCH, EMBED_DIM)
    return jnp.concatenate([x[:, :NUM_FEATURES], emb], axis=1)

# --- scband reference (transcript-rebuilt; emitter-appended) ---
"""Pipeline reference for scband-opcode-embedding-69243462746829 (READ-ONLY COPY).

The authoritative reference and input builder live on the scoring server;
editing this copy changes nothing except your own understanding.
"""

import jax, jax.numpy as jnp
import numpy as np

NUM_OPCODES = 1000000
EMBED_DIM = 32
BATCH = 16384
NUM_FEATURES = 5

def setup_inputs(seed: int = 0) -> dict:
    key = jax.random.key(seed)
    k1, k2 = jax.random.split(key)
    # x: [B, 6]; columns 0..4 are dense features, column 5 is the opcode index
    # stored as float (the torch module casts it with .long()).
    x = jax.random.randint(k1, (BATCH, NUM_FEATURES + 1), 0, NUM_OPCODES).astype(jnp.float32)
    # learned embedding table per init_kwargs
    table = jax.random.normal(k2, (NUM_OPCODES, EMBED_DIM), dtype=jnp.float32) * 0.02
    return {"x": x, "table": table}

def reference(x, table):
    # opcode_embedding = self.embedding(x[:, -1].long())
    idx = x[:, -1].astype(jnp.int32)
    opcode_embedding = jnp.take(table, idx, axis=0)
    # other_features = x[:, :self.num_features]
    other_features = x[:, :NUM_FEATURES]
    # torch.cat((other_features, opcode_embedding), dim=1)
    return jnp.concatenate([other_features, opcode_embedding], axis=1)

if __name__ == "__main__":
    import jax
    _d = setup_inputs()
    print(jax.jit(kernel)(*tuple(_d.values())))

</pallas_src>

<mosaic_0001>
#map = affine_map<(d0, d1) -> (0)>
#map1 = affine_map<(d0, d1) -> (0, 0)>
module attributes {stable_mosaic.version = 14 : i64} {
  func.func @_sc_body(%arg0: i32, %arg1: i32, %arg2: memref<16384xi32, #tpu.memory_space<hbm>>, %arg3: memref<32x1000000xf32, #tpu.memory_space<hbm>>, %arg4: memref<524288xf32, #tpu.memory_space<hbm>>, %arg5: memref<512xi32, #tpu.memory_space<vmem>>, %arg6: memref<16x32x128xf32, #tpu.memory_space<vmem>>, %arg7: memref<16384xf32, #tpu.memory_space<vmem>>, %arg8: memref<!tpu.dma_semaphore, #tpu.memory_space<semaphore_mem>>, %arg9: memref<!tpu.dma_semaphore, #tpu.memory_space<semaphore_mem>>, %arg10: memref<!tpu.dma_semaphore, #tpu.memory_space<semaphore_mem>>, %arg11: memref<!tpu.dma_semaphore, #tpu.memory_space<semaphore_mem>>, %arg12: memref<!tpu.dma_semaphore, #tpu.memory_space<semaphore_mem>>, %arg13: memref<!tpu.dma_semaphore, #tpu.memory_space<semaphore_mem>>, %arg14: memref<!tpu.dma_semaphore, #tpu.memory_space<semaphore_mem>>, %arg15: memref<!tpu.dma_semaphore, #tpu.memory_space<semaphore_mem>>, %arg16: memref<!tpu.dma_semaphore, #tpu.memory_space<semaphore_mem>>, %arg17: memref<!tpu.dma_semaphore, #tpu.memory_space<semaphore_mem>>, %arg18: memref<!tpu.dma_semaphore, #tpu.memory_space<semaphore_mem>>, %arg19: memref<!tpu.dma_semaphore, #tpu.memory_space<semaphore_mem>>, %arg20: memref<!tpu.dma_semaphore, #tpu.memory_space<semaphore_mem>>, %arg21: memref<!tpu.dma_semaphore, #tpu.memory_space<semaphore_mem>>, %arg22: memref<!tpu.dma_semaphore, #tpu.memory_space<semaphore_mem>>, %arg23: memref<!tpu.dma_semaphore, #tpu.memory_space<semaphore_mem>>) attributes {dimension_semantics = [#tpu.dimension_semantics<core_parallel>, #tpu.dimension_semantics<subcore_parallel>], iteration_bounds = array<i64: 2, 16>, scalar_prefetch = 0 : i64, scratch_operands = 19 : i64, tpu.core_type = #tpu.core_type<sc_vector_subcore>, window_params = [{transform_indices = #map}, {transform_indices = #map1}, {transform_indices = #map}]} {
    %mul3A = arith.constant 2 : i32
    %mul3A_0 = arith.muli %arg1, %mul3A : i32
    %add3A = arith.addi %mul3A_0, %arg0 : i32
    %mul3A_1 = arith.constant 512 : i32
    %mul3A_2 = arith.muli %add3A, %mul3A_1 : i32
    "tpu.region"() ({
      %run_scoped3A = tpu.sem_alloc : memref<!tpu.dma_semaphore, #tpu.memory_space<semaphore_mem>>
      %dma_start3A_514 = tpu.memref_slice %arg2[%mul3A_2] : memref<16384xi32, #tpu.memory_space<hbm>> -> memref<512xi32, #tpu.memory_space<hbm>>
      %dma_start3A_515 = tpu.memref_slice %arg2[%mul3A_2] : memref<16384xi32, #tpu.memory_space<hbm>> -> memref<512xi32, #tpu.memory_space<hbm>>
      tpu.enqueue_dma source(%dma_start3A_515 : memref<512xi32, #tpu.memory_space<hbm>>) target(%arg5 : memref<512xi32, #tpu.memory_space<vmem>>) target_semaphore(%run_scoped3A : memref<!tpu.dma_semaphore, #tpu.memory_space<semaphore_mem>>)
      %dma_wait3A = tpu.memref_slice %arg2[%mul3A_2] : memref<16384xi32, #tpu.memory_space<hbm>> -> memref<512xi32, #tpu.memory_space<hbm>>
      %dma_wait3A_516 = tpu.memref_slice %arg2[%mul3A_2] : memref<16384xi32, #tpu.memory_space<hbm>> -> memref<512xi32, #tpu.memory_space<hbm>>
      tpu.wait_dma2 semaphore(%run_scoped3A : memref<!tpu.dma_semaphore, #tpu.memory_space<semaphore_mem>>) src(%dma_wait3A_516 : memref<512xi32, #tpu.memory_space<hbm>>) dst(%arg5 : memref<512xi32, #tpu.memory_space<vmem>>)
      tpu.yield
    }) : () -> ()
    %iota3A = tpu.iota {dimensions = array<i32: 0>} : vector<16xi32>
    %get3A = arith.constant 0 : index
    %get3A_3 = tpu.vector_load %arg5[%get3A] {strides = array<i32>} : memref<512xi32, #tpu.memory_space<vmem>>, vector<16xi32>,
    %eq3A = arith.constant 0 : i32
    %eq3A_4 = vector.broadcast %eq3A : i32 to vector<16xi32>
    %eq3A_5 = arith.cmpi eq, %iota3A, %eq3A_4 : vector<16xi32>
    %jit3A = arith.constant 0 : i32
    %broadcast_in_dim3A = vector.broadcast %jit3A : i32 to vector<16xi32>
    %select_n3A = arith.select %eq3A_5, %get3A_3, %broadcast_in_dim3A : vector<16xi1>, vector<16xi32>
    %reduce_max3A = arith.constant true
    %reduce_max3A_6 = vector.broadcast %reduce_max3A : i1 to vector<16xi1>
    %reduce_max3A_7 = arith.constant -2147483648 : i32
    %reduce_max3A_8 = vector.broadcast %reduce_max3A_7 : i32 to vector<16xi32>
    %reduce_max3A_9 = arith.xori %select_n3A, %reduce_max3A_8 : vector<16xi32>
    %reduce_max3A_10 = tpu.scan <max>, %reduce_max3A_9 masked %reduce_max3A_6 : vector<16xi32>, vector<16xi1> -> vector<16xi32>
    %reduce_max3A_11 = arith.xori %reduce_max3A_10, %reduce_max3A_8 : vector<16xi32>
    %reduce_max3A_12 = vector.extract %reduce_max3A_11[15] : i32 from vector<16xi32>
    %shift_right_arithmetic3A = arith.constant 7 : i32
    %shift_right_arithmetic3A_13 = arith.shrsi %reduce_max3A_12, %shift_right_arithmetic3A : i32
    %shift_left3A = arith.constant 7 : i32
    %shift_left3A_14 = arith.shli %shift_right_arithmetic3A_13, %shift_left3A : i32
    %multiple_of3A = tpu.assume_multiple %shift_left3A_14, 128 : i32
    %dma_start3A = arith.constant 0 : i32
    %dma_start3A_15 = arith.constant 0 : i32
    %dma_start3A_16 = arith.constant 0 : i32
    %dma_start3A_17 = tpu.memref_slice %arg6[%dma_start3A, %dma_start3A_15, %dma_start3A_16] : memref<16x32x128xf32, #tpu.memory_space<vmem>> -> memref<1x32x128xf32, #tpu.memory_space<vmem>>
    %dma_start3A_18 = tpu.memref_squeeze %dma_start3A_17 : memref<1x32x128xf32, #tpu.memory_space<vmem>> -> memref<32x128xf32, #tpu.memory_space<vmem>>
    %dma_start3A_19 = arith.constant 0 : i32
    %dma_start3A_20 = tpu.memref_slice %arg3[%dma_start3A_19, %multiple_of3A] : memref<32x1000000xf32, #tpu.memory_space<hbm>> -> memref<32x128xf32, #tpu.memory_space<hbm>>
    %dma_start3A_21 = arith.constant 0 : i32
    %dma_start3A_22 = arith.constant 0 : i32
    %dma_start3A_23 = tpu.memref_slice %arg6[%dma_start3A, %dma_start3A_21, %dma_start3A_22] : memref<16x32x128xf32, #tpu.memory_space<vmem>> -> memref<1x32x128xf32, #tpu.memory_space<vmem>>
    %dma_start3A_24 = tpu.memref_squeeze %dma_start3A_23 : memref<1x32x128xf32, #tpu.memory_space<vmem>> -> memref<32x128xf32, #tpu.memory_space<vmem>>
    %dma_start3A_25 = arith.constant 0 : i32
    %dma_start3A_26 = tpu.memref_slice %arg3[%dma_start3A_25, %multiple_of3A] : memref<32x1000000xf32, #tpu.memory_space<hbm>> -> memref<32x128xf32, #tpu.memory_space<hbm>>
    tpu.enqueue_dma source(%dma_start3A_26 : memref<32x128xf32, #tpu.memory_space<hbm>>) target(%dma_start3A_24 : memref<32x128xf32, #tpu.memory_space<vmem>>) target_semaphore(%arg8 : memref<!tpu.dma_semaphore, #tpu.memory_space<semaphore_mem>>)
    %eq3A_27 = arith.constant 1 : i32
    %eq3A_28 = vector.broadcast %eq3A_27 : i32 to vector<16xi32>
    %eq3A_29 = arith.cmpi eq, %iota3A, %eq3A_28 : vector<16xi32>
    %jit3A_30 = arith.constant 0 : i32
    %broadcast_in_dim3A_31 = vector.broadcast %jit3A_30 : i32 to vector<16xi32>
    %select_n3A_32 = arith.select %eq3A_29, %get3A_3, %broadcast_in_dim3A_31 : vector<16xi1>, vector<16xi32>
    %reduce_max3A_33 = arith.constant true
    %reduce_max3A_34 = vector.broadcast %reduce_max3A_33 : i1 to vector<16xi1>
    %reduce_max3A_35 = arith.constant -2147483648 : i32
    %reduce_max3A_36 = vector.broadcast %reduce_max3A_35 : i32 to vector<16xi32>
    %reduce_max3A_37 = arith.xori %select_n3A_32, %reduce_max3A_36 : vector<16xi32>
    %reduce_max3A_38 = tpu.scan <max>, %reduce_max3A_37 masked %reduce_max3A_34 : vector<16xi32>, vector<16xi1> -> vector<16xi32>
    %reduce_max3A_39 = arith.xori %reduce_max3A_38, %reduce_max3A_36 : vector<16xi32>
    %reduce_max3A_40 = vector.extract %reduce_max3A_39[15] : i32 from vector<16xi32>
    %shift_right_arithmetic3A_41 = arith.constant 7 : i32
    %shift_right_arithmetic3A_42 = arith.shrsi %reduce_max3A_40, %shift_right_arithmetic3A_41 : i32
    %shift_left3A_43 = arith.constant 7 : i32
    %shift_left3A_44 = arith.shli %shift_right_arithmetic3A_42, %shift_left3A_43 : i32
    %multiple_of3A_45 = tpu.assume_multiple %shift_left3A_44, 128 : i32
    %dma_start3A_46 = arith.constant 1 : i32
    %dma_start3A_47 = arith.constant 0 : i32
    %dma_start3A_48 = arith.constant 0 : i32
    %dma_start3A_49 = tpu.memref_slice %arg6[%dma_start3A_46, %dma_start3A_47, %dma_start3A_48] : memref<16x32x128xf32, #tpu.memory_space<vmem>> -> memref<1x32x128xf32, #tpu.memory_space<vmem>>
    %dma_start3A_50 = tpu.memref_squeeze %dma_start3A_49 : memref<1x32x128xf32, #tpu.memory_space<vmem>> -> memref<32x128xf32, #tpu.memory_space<vmem>>
    %dma_start3A_51 = arith.constant 0 : i32
    %dma_start3A_52 = tpu.memref_slice %arg3[%dma_start3A_51, %multiple_of3A_45] : memref<32x1000000xf32, #tpu.memory_space<hbm>> -> memref<32x128xf32, #tpu.memory_space<hbm>>
    %dma_start3A_53 = arith.constant 0 : i32
    %dma_start3A_54 = arith.constant 0 : i32
    %dma_start3A_55 = tpu.memref_slice %arg6[%dma_start3A_46, %dma_start3A_53, %dma_start3A_54] : memref<16x32x128xf32, #tpu.memory_space<vmem>> -> memref<1x32x128xf32, #tpu.memory_space<vmem>>
    %dma_start3A_56 = tpu.memref_squeeze %dma_start3A_55 : memref<1x32x128xf32, #tpu.memory_space<vmem>> -> memref<32x128xf32, #tpu.memory_space<vmem>>
    %dma_start3A_57 = arith.constant 0 : i32
    %dma_start3A_58 = tpu.memref_slice %arg3[%dma_start3A_57, %multiple_of3A_45] : memref<32x1000000xf32, #tpu.memory_space<hbm>> -> memref<32x128xf32, #tpu.memory_space<hbm>>
    tpu.enqueue_dma source(%dma_start3A_58 : memref<32x128xf32, #tpu.memory_space<hbm>>) target(%dma_start3A_56 : memref<32x128xf32, #tpu.memory_space<vmem>>) target_semaphore(%arg9 : memref<!tpu.dma_semaphore, #tpu.memory_space<semaphore_mem>>)
    %eq3A_59 = arith.constant 2 : i32
    %eq3A_60 = vector.broadcast %eq3A_59 : i32 to vector<16xi32>
    %eq3A_61 = arith.cmpi eq, %iota3A, %eq3A_60 : vector<16xi32>
    %jit3A_62 = arith.constant 0 : i32
    %broadcast_in_dim3A_63 = vector.broadcast %jit3A_62 : i32 to vector<16xi32>
    %select_n3A_64 = arith.select %eq3A_61, %get3A_3, %broadcast_in_dim3A_63 : vector<16xi1>, vector<16xi32>
    %reduce_max3A_65 = arith.constant true
    %reduce_max3A_66 = vector.broadcast %reduce_max3A_65 : i1 to vector<16xi1>
    %reduce_max3A_67 = arith.constant -2147483648 : i32
    %reduce_max3A_68 = vector.broadcast %reduce_max3A_67 : i32 to vector<16xi32>
    %reduce_max3A_69 = arith.xori %select_n3A_64, %reduce_max3A_68 : vector<16xi32>
    %reduce_max3A_70 = tpu.scan <max>, %reduce_max3A_69 masked %reduce_max3A_66 : vector<16xi32>, vector<16xi1> -> vector<16xi32>
    %reduce_max3A_71 = arith.xori %reduce_max3A_70, %reduce_max3A_68 : vector<16xi32>
    %reduce_max3A_72 = vector.extract %reduce_max3A_71[15] : i32 from vector<16xi32>
    %shift_right_arithmetic3A_73 = arith.constant 7 : i32
    %shift_right_arithmetic3A_74 = arith.shrsi %reduce_max3A_72, %shift_right_arithmetic3A_73 : i32
    %shift_left3A_75 = arith.constant 7 : i32
    %shift_left3A_76 = arith.shli %shift_right_arithmetic3A_74, %shift_left3A_75 : i32
    %multiple_of3A_77 = tpu.assume_multiple %shift_left3A_76, 128 : i32
    %dma_start3A_78 = arith.constant 2 : i32
    %dma_start3A_79 = arith.constant 0 : i32
    %dma_start3A_80 = arith.constant 0 : i32
    %dma_start3A_81 = tpu.memref_slice %arg6[%dma_start3A_78, %dma_start3A_79, %dma_start3A_80] : memref<16x32x128xf32, #tpu.memory_space<vmem>> -> memref<1x32x128xf32, #tpu.memory_space<vmem>>
    %dma_start3A_82 = tpu.memref_squeeze %dma_start3A_81 : memref<1x32x128xf32, #tpu.memory_space<vmem>> -> memref<32x128xf32, #tpu.memory_space<vmem>>
    %dma_start3A_83 = arith.constant 0 : i32
    %dma_start3A_84 = tpu.memref_slice %arg3[%dma_start3A_83, %multiple_of3A_77] : memref<32x1000000xf32, #tpu.memory_space<hbm>> -> memref<32x128xf32, #tpu.memory_space<hbm>>
    %dma_start3A_85 = arith.constant 0 : i32
    %dma_start3A_86 = arith.constant 0 : i32
    %dma_start3A_87 = tpu.memref_slice %arg6[%dma_start3A_78, %dma_start3A_85, %dma_start3A_86] : memref<16x32x128xf32, #tpu.memory_space<vmem>> -> memref<1x32x128xf32, #tpu.memory_space<vmem>>
    %dma_start3A_88 = tpu.memref_squeeze %dma_start3A_87 : memref<1x32x128xf32, #tpu.memory_space<vmem>> -> memref<32x128xf32, #tpu.memory_space<vmem>>
    %dma_start3A_89 = arith.constant 0 : i32
    %dma_start3A_90 = tpu.memref_slice %arg3[%dma_start3A_89, %multiple_of3A_77] : memref<32x1000000xf32, #tpu.memory_space<hbm>> -> memref<32x128xf32, #tpu.memory_space<hbm>>
    tpu.enqueue_dma source(%dma_start3A_90 : memref<32x128xf32, #tpu.memory_space<hbm>>) target(%dma_start3A_88 : memref<32x128xf32, #tpu.memory_space<vmem>>) target_semaphore(%arg10 : memref<!tpu.dma_semaphore, #tpu.memory_space<semaphore_mem>>)
    %eq3A_91 = arith.constant 3 : i32
    %eq3A_92 = vector.broadcast %eq3A_91 : i32 to vector<16xi32>
    %eq3A_93 = arith.cmpi eq, %iota3A, %eq3A_92 : vector<16xi32>
    %jit3A_94 = arith.constant 0 : i32
    %broadcast_in_dim3A_95 = vector.broadcast %jit3A_94 : i32 to vector<16xi32>
    %select_n3A_96 = arith.select %eq3A_93, %get3A_3, %broadcast_in_dim3A_95 : vector<16xi1>, vector<16xi32>
    %reduce_max3A_97 = arith.constant true
    %reduce_max3A_98 = vector.broadcast %reduce_max3A_97 : i1 to vector<16xi1>
    %reduce_max3A_99 = arith.constant -2147483648 : i32
    %reduce_max3A_100 = vector.broadcast %reduce_max3A_99 : i32 to vector<16xi32>
    %reduce_max3A_101 = arith.xori %select_n3A_96, %reduce_max3A_100 : vector<16xi32>
    %reduce_max3A_102 = tpu.scan <max>, %reduce_max3A_101 masked %reduce_max3A_98 : vector<16xi32>, vector<16xi1> -> vector<16xi32>
    %reduce_max3A_103 = arith.xori %reduce_max3A_102, %reduce_max3A_100 : vector<16xi32>
    %reduce_max3A_104 = vector.extract %reduce_max3A_103[15] : i32 from vector<16xi32>
    %shift_right_arithmetic3A_105 = arith.constant 7 : i32
    %shift_right_arithmetic3A_106 = arith.shrsi %reduce_max3A_104, %shift_right_arithmetic3A_105 : i32
    %shift_left3A_107 = arith.constant 7 : i32
    %shift_left3A_108 = arith.shli %shift_right_arithmetic3A_106, %shift_left3A_107 : i32
    %multiple_of3A_109 = tpu.assume_multiple %shift_left3A_108, 128 : i32
    %dma_start3A_110 = arith.constant 3 : i32
    %dma_start3A_111 = arith.constant 0 : i32
    %dma_start3A_112 = arith.constant 0 : i32
    %dma_start3A_113 = tpu.memref_slice %arg6[%dma_start3A_110, %dma_start3A_111, %dma_start3A_112] : memref<16x32x128xf32, #tpu.memory_space<vmem>> -> memref<1x32x128xf32, #tpu.memory_space<vmem>>
    %dma_start3A_114 = tpu.memref_squeeze %dma_start3A_113 : memref<1x32x128xf32, #tpu.memory_space<vmem>> -> memref<32x128xf32, #tpu.memory_space<vmem>>
    %dma_start3A_115 = arith.constant 0 : i32
    %dma_start3A_116 = tpu.memref_slice %arg3[%dma_start3A_115, %multiple_of3A_109] : memref<32x1000000xf32, #tpu.memory_space<hbm>> -> memref<32x128xf32, #tpu.memory_space<hbm>>
    %dma_start3A_117 = arith.constant 0 : i32
    %dma_start3A_118 = arith.constant 0 : i32
    %dma_start3A_119 = tpu.memref_slice %arg6[%dma_start3A_110, %dma_start3A_117, %dma_start3A_118] : memref<16x32x128xf32, #tpu.memory_space<vmem>> -> memref<1x32x128xf32, #tpu.memory_space<vmem>>
    %dma_start3A_120 = tpu.memref_squeeze %dma_start3A_119 : memref<1x32x128xf32, #tpu.memory_space<vmem>> -> memref<32x128xf32, #tpu.memory_space<vmem>>
    %dma_start3A_121 = arith.constant 0 : i32
    %dma_start3A_122 = tpu.memref_slice %arg3[%dma_start3A_121, %multiple_of3A_109] : memref<32x1000000xf32, #tpu.memory_space<hbm>> -> memref<32x128xf32, #tpu.memory_space<hbm>>
    tpu.enqueue_dma source(%dma_start3A_122 : memref<32x128xf32, #tpu.memory_space<hbm>>) target(%dma_start3A_120 : memref<32x128xf32, #tpu.memory_space<vmem>>) target_semaphore(%arg11 : memref<!tpu.dma_semaphore, #tpu.memory_space<semaphore_mem>>)
    %eq3A_123 = arith.constant 4 : i32
    %eq3A_124 = vector.broadcast %eq3A_123 : i32 to vector<16xi32>
    %eq3A_125 = arith.cmpi eq, %iota3A, %eq3A_124 : vector<16xi32>
    %jit3A_126 = arith.constant 0 : i32
    %broadcast_in_dim3A_127 = vector.broadcast %jit3A_126 : i32 to vector<16xi32>
    %select_n3A_128 = arith.select %eq3A_125, %get3A_3, %broadcast_in_dim3A_127 : vector<16xi1>, vector<16xi32>
    %reduce_max3A_129 = arith.constant true
    %reduce_max3A_130 = vector.broadcast %reduce_max3A_129 : i1 to vector<16xi1>
    %reduce_max3A_131 = arith.constant -2147483648 : i32
    %reduce_max3A_132 = vector.broadcast %reduce_max3A_131 : i32 to vector<16xi32>
    %reduce_max3A_133 = arith.xori %select_n3A_128, %reduce_max3A_132 : vector<16xi32>
    %reduce_max3A_134 = tpu.scan <max>, %reduce_max3A_133 masked %reduce_max3A_130 : vector<16xi32>, vector<16xi1> -> vector<16xi32>
    %reduce_max3A_135 = arith.xori %reduce_max3A_134, %reduce_max3A_132 : vector<16xi32>
    %reduce_max3A_136 = vector.extract %reduce_max3A_135[15] : i32 from vector<16xi32>
    %shift_right_arithmetic3A_137 = arith.constant 7 : i32
    %shift_right_arithmetic3A_138 = arith.shrsi %reduce_max3A_136, %shift_right_arithmetic3A_137 : i32
    %shift_left3A_139 = arith.constant 7 : i32
    %shift_left3A_140 = arith.shli %shift_right_arithmetic3A_138, %shift_left3A_139 : i32
    %multiple_of3A_141 = tpu.assume_multiple %shift_left3A_140, 128 : i32
    %dma_start3A_142 = arith.constant 4 : i32
    %dma_start3A_143 = arith.constant 0 : i32
    %dma_start3A_144 = arith.constant 0 : i32
    %dma_start3A_145 = tpu.memref_slice %arg6[%dma_start3A_142, %dma_start3A_143, %dma_start3A_144] : memref<16x32x128xf32, #tpu.memory_space<vmem>> -> memref<1x32x128xf32, #tpu.memory_space<vmem>>
    %dma_start3A_146 = tpu.memref_squeeze %dma_start3A_145 : memref<1x32x128xf32, #tpu.memory_space<vmem>> -> memref<32x128xf32, #tpu.memory_space<vmem>>
    %dma_start3A_147 = arith.constant 0 : i32
    %dma_start3A_148 = tpu.memref_slice %arg3[%dma_start3A_147, %multiple_of3A_141] : memref<32x1000000xf32, #tpu.memory_space<hbm>> -> memref<32x128xf32, #tpu.memory_space<hbm>>
    %dma_start3A_149 = arith.constant 0 : i32
    %dma_start3A_150 = arith.constant 0 : i32
    %dma_start3A_151 = tpu.memref_slice %arg6[%dma_start3A_142, %dma_start3A_149, %dma_start3A_150] : memref<16x32x128xf32, #tpu.memory_space<vmem>> -> memref<1x32x128xf32, #tpu.memory_space<vmem>>
    %dma_start3A_152 = tpu.memref_squeeze %dma_start3A_151 : memref<1x32x128xf32, #tpu.memory_space<vmem>> -> memref<32x128xf32, #tpu.memory_space<vmem>>
    %dma_start3A_153 = arith.constant 0 : i32
    %dma_start3A_154 = tpu.memref_slice %arg3[%dma_start3A_153, %multiple_of3A_141] : memref<32x1000000xf32, #tpu.memory_space<hbm>> -> memref<32x128xf32, #tpu.memory_space<hbm>>
    tpu.enqueue_dma source(%dma_start3A_154 : memref<32x128xf32, #tpu.memory_space<hbm>>) target(%dma_start3A_152 : memref<32x128xf32, #tpu.memory_space<vmem>>) target_semaphore(%arg12 : memref<!tpu.dma_semaphore, #tpu.memory_space<semaphore_mem>>)
    %eq3A_155 = arith.constant 5 : i32
    %eq3A_156 = vector.broadcast %eq3A_155 : i32 to vector<16xi32>
    %eq3A_157 = arith.cmpi eq, %iota3A, %eq3A_156 : vector<16xi32>
    %jit3A_158 = arith.constant 0 : i32
    %broadcast_in_dim3A_159 = vector.broadcast %jit3A_158 : i32 to vector<16xi32>
    %select_n3A_160 = arith.select %eq3A_157, %get3A_3, %broadcast_in_dim3A_159 : vector<16xi1>, vector<16xi32>
    %reduce_max3A_161 = arith.constant true
    %reduce_max3A_162 = vector.broadcast %reduce_max3A_161 : i1 to vector<16xi1>
    %reduce_max3A_163 = arith.constant -2147483648 : i32
    %reduce_max3A_164 = vector.broadcast %reduce_max3A_163 : i32 to vector<16xi32>
    %reduce_max3A_165 = arith.xori %select_n3A_160, %reduce_max3A_164 : vector<16xi32>
    %reduce_max3A_166 = tpu.scan <max>, %reduce_max3A_165 masked %reduce_max3A_162 : vector<16xi32>, vector<16xi1> -> vector<16xi32>
    %reduce_max3A_167 = arith.xori %reduce_max3A_166, %reduce_max3A_164 : vector<16xi32>
    %reduce_max3A_168 = vector.extract %reduce_max3A_167[15] : i32 from vector<16xi32>
    %shift_right_arithmetic3A_169 = arith.constant 7 : i32
    %shift_right_arithmetic3A_170 = arith.shrsi %reduce_max3A_168, %shift_right_arithmetic3A_169 : i32
    %shift_left3A_171 = arith.constant 7 : i32
    %shift_left3A_172 = arith.shli %shift_right_arithmetic3A_170, %shift_left3A_171 : i32
    %multiple_of3A_173 = tpu.assume_multiple %shift_left3A_172, 128 : i32
    %dma_start3A_174 = arith.constant 5 : i32
    %dma_start3A_175 = arith.constant 0 : i32
    %dma_start3A_176 = arith.constant 0 : i32
    %dma_start3A_177 = tpu.memref_slice %arg6[%dma_start3A_174, %dma_start3A_175, %dma_start3A_176] : memref<16x32x128xf32, #tpu.memory_space<vmem>> -> memref<1x32x128xf32, #tpu.memory_space<vmem>>
    %dma_start3A_178 = tpu.memref_squeeze %dma_start3A_177 : memref<1x32x128xf32, #tpu.memory_space<vmem>> -> memref<32x128xf32, #tpu.memory_space<vmem>>
    %dma_start3A_179 = arith.constant 0 : i32
    %dma_start3A_180 = tpu.memref_slice %arg3[%dma_start3A_179, %multiple_of3A_173] : memref<32x1000000xf32, #tpu.memory_space<hbm>> -> memref<32x128xf32, #tpu.memory_space<hbm>>
    %dma_start3A_181 = arith.constant 0 : i32
    %dma_start3A_182 = arith.constant 0 : i32
    %dma_start3A_183 = tpu.memref_slice %arg6[%dma_start3A_174, %dma_start3A_181, %dma_start3A_182] : memref<16x32x128xf32, #tpu.memory_space<vmem>> -> memref<1x32x128xf32, #tpu.memory_space<vmem>>
    %dma_start3A_184 = tpu.memref_squeeze %dma_start3A_183 : memref<1x32x128xf32, #tpu.memory_space<vmem>> -> memref<32x128xf32, #tpu.memory_space<vmem>>
    %dma_start3A_185 = arith.constant 0 : i32
    %dma_start3A_186 = tpu.memref_slice %arg3[%dma_start3A_185, %multiple_of3A_173] : memref<32x1000000xf32, #tpu.memory_space<hbm>> -> memref<32x128xf32, #tpu.memory_space<hbm>>
    tpu.enqueue_dma source(%dma_start3A_186 : memref<32x128xf32, #tpu.memory_space<hbm>>) target(%dma_start3A_184 : memref<32x128xf32, #tpu.memory_space<vmem>>) target_semaphore(%arg13 : memref<!tpu.dma_semaphore, #tpu.memory_space<semaphore_mem>>)
    %eq3A_187 = arith.constant 6 : i32
    %eq3A_188 = vector.broadcast %eq3A_187 : i32 to vector<16xi32>
    %eq3A_189 = arith.cmpi eq, %iota3A, %eq3A_188 : vector<16xi32>
    %jit3A_190 = arith.constant 0 : i32
    %broadcast_in_dim3A_191 = vector.broadcast %jit3A_190 : i32 to vector<16xi32>
    %select_n3A_192 = arith.select %eq3A_189, %get3A_3, %broadcast_in_dim3A_191 : vector<16xi1>, vector<16xi32>
    %reduce_max3A_193 = arith.constant true
    %reduce_max3A_194 = vector.broadcast %reduce_max3A_193 : i1 to vector<16xi1>
    %reduce_max3A_195 = arith.constant -2147483648 : i32
    %reduce_max3A_196 = vector.broadcast %reduce_max3A_195 : i32 to vector<16xi32>
    %reduce_max3A_197 = arith.xori %select_n3A_192, %reduce_max3A_196 : vector<16xi32>
    %reduce_max3A_198 = tpu.scan <max>, %reduce_max3A_197 masked %reduce_max3A_194 : vector<16xi32>, vector<16xi1> -> vector<16xi32>
    %reduce_max3A_199 = arith.xori %reduce_max3A_198, %reduce_max3A_196 : vector<16xi32>
    %reduce_max3A_200 = vector.extract %reduce_max3A_199[15] : i32 from vector<16xi32>
    %shift_right_arithmetic3A_201 = arith.constant 7 : i32
    %shift_right_arithmetic3A_202 = arith.shrsi %reduce_max3A_200, %shift_right_arithmetic3A_201 : i32
    %shift_left3A_203 = arith.constant 7 : i32
    %shift_left3A_204 = arith.shli %shift_right_arithmetic3A_202, %shift_left3A_203 : i32
    %multiple_of3A_205 = tpu.assume_multiple %shift_left3A_204, 128 : i32
    %dma_start3A_206 = arith.constant 6 : i32
    %dma_start3A_207 = arith.constant 0 : i32
    %dma_start3A_208 = arith.constant 0 : i32
    %dma_start3A_209 = tpu.memref_slice %arg6[%dma_start3A_206, %dma_start3A_207, %dma_start3A_208] : memref<16x32x128xf32, #tpu.memory_space<vmem>> -> memref<1x32x128xf32, #tpu.memory_space<vmem>>
    %dma_start3A_210 = tpu.memref_squeeze %dma_start3A_209 : memref<1x32x128xf32, #tpu.memory_space<vmem>> -> memref<32x128xf32, #tpu.memory_space<vmem>>
    %dma_start3A_211 = arith.constant 0 : i32
    %dma_start3A_212 = tpu.memref_slice %arg3[%dma_start3A_211, %multiple_of3A_205] : memref<32x1000000xf32, #tpu.memory_space<hbm>> -> memref<32x128xf32, #tpu.memory_space<hbm>>
    %dma_start3A_213 = arith.constant 0 : i32
    %dma_start3A_214 = arith.constant 0 : i32
    %dma_start3A_215 = tpu.memref_slice %arg6[%dma_start3A_206, %dma_start3A_213, %dma_start3A_214] : memref<16x32x128xf32, #tpu.memory_space<vmem>> -> memref<1x32x128xf32, #tpu.memory_space<vmem>>
    %dma_start3A_216 = tpu.memref_squeeze %dma_start3A_215 : memref<1x32x128xf32, #tpu.memory_space<vmem>> -> memref<32x128xf32, #tpu.memory_space<vmem>>
    %dma_start3A_217 = arith.constant 0 : i32
    %dma_start3A_218 = tpu.memref_slice %arg3[%dma_start3A_217, %multiple_of3A_205] : memref<32x1000000xf32, #tpu.memory_space<hbm>> -> memref<32x128xf32, #tpu.memory_space<hbm>>
    tpu.enqueue_dma source(%dma_start3A_218 : memref<32x128xf32, #tpu.memory_space<hbm>>) target(%dma_start3A_216 : memref<32x128xf32, #tpu.memory_space<vmem>>) target_semaphore(%arg14 : memref<!tpu.dma_semaphore, #tpu.memory_space<semaphore_mem>>)
    %eq3A_219 = arith.constant 7 : i32
    %eq3A_220 = vector.broadcast %eq3A_219 : i32 to vector<16xi32>
    %eq3A_221 = arith.cmpi eq, %iota3A, %eq3A_220 : vector<16xi32>
    %jit3A_222 = arith.constant 0 : i32
    %broadcast_in_dim3A_223 = vector.broadcast %jit3A_222 : i32 to vector<16xi32>
    %select_n3A_224 = arith.select %eq3A_221, %get3A_3, %broadcast_in_dim3A_223 : vector<16xi1>, vector<16xi32>
    %reduce_max3A_225 = arith.constant true
    %reduce_max3A_226 = vector.broadcast %reduce_max3A_225 : i1 to vector<16xi1>
    %reduce_max3A_227 = arith.constant -2147483648 : i32
    %reduce_max3A_228 = vector.broadcast %reduce_max3A_227 : i32 to vector<16xi32>
    %reduce_max3A_229 = arith.xori %select_n3A_224, %reduce_max3A_228 : vector<16xi32>
    %reduce_max3A_230 = tpu.scan <max>, %reduce_max3A_229 masked %reduce_max3A_226 : vector<16xi32>, vector<16xi1> -> vector<16xi32>
    %reduce_max3A_231 = arith.xori %reduce_max3A_230, %reduce_max3A_228 : vector<16xi32>
    %reduce_max3A_232 = vector.extract %reduce_max3A_231[15] : i32 from vector<16xi32>
    %shift_right_arithmetic3A_233 = arith.constant 7 : i32
    %shift_right_arithmetic3A_234 = arith.shrsi %reduce_max3A_232, %shift_right_arithmetic3A_233 : i32
    %shift_left3A_235 = arith.constant 7 : i32
    %shift_left3A_236 = arith.shli %shift_right_arithmetic3A_234, %shift_left3A_235 : i32
    %multiple_of3A_237 = tpu.assume_multiple %shift_left3A_236, 128 : i32
    %dma_start3A_238 = arith.constant 7 : i32
    %dma_start3A_239 = arith.constant 0 : i32
    %dma_start3A_240 = arith.constant 0 : i32
    %dma_start3A_241 = tpu.memref_slice %arg6[%dma_start3A_238, %dma_start3A_239, %dma_start3A_240] : memref<16x32x128xf32, #tpu.memory_space<vmem>> -> memref<1x32x128xf32, #tpu.memory_space<vmem>>
    %dma_start3A_242 = tpu.memref_squeeze %dma_start3A_241 : memref<1x32x128xf32, #tpu.memory_space<vmem>> -> memref<32x128xf32, #tpu.memory_space<vmem>>
    %dma_start3A_243 = arith.constant 0 : i32
    %dma_start3A_244 = tpu.memref_slice %arg3[%dma_start3A_243, %multiple_of3A_237] : memref<32x1000000xf32, #tpu.memory_space<hbm>> -> memref<32x128xf32, #tpu.memory_space<hbm>>
    %dma_start3A_245 = arith.constant 0 : i32
    %dma_start3A_246 = arith.constant 0 : i32
    %dma_start3A_247 = tpu.memref_slice %arg6[%dma_start3A_238, %dma_start3A_245, %dma_start3A_246] : memref<16x32x128xf32, #tpu.memory_space<vmem>> -> memref<1x32x128xf32, #tpu.memory_space<vmem>>
    %dma_start3A_248 = tpu.memref_squeeze %dma_start3A_247 : memref<1x32x128xf32, #tpu.memory_space<vmem>> -> memref<32x128xf32, #tpu.memory_space<vmem>>
    %dma_start3A_249 = arith.constant 0 : i32
    %dma_start3A_250 = tpu.memref_slice %arg3[%dma_start3A_249, %multiple_of3A_237] : memref<32x1000000xf32, #tpu.memory_space<hbm>> -> memref<32x128xf32, #tpu.memory_space<hbm>>
    tpu.enqueue_dma source(%dma_start3A_250 : memref<32x128xf32, #tpu.memory_space<hbm>>) target(%dma_start3A_248 : memref<32x128xf32, #tpu.memory_space<vmem>>) target_semaphore(%arg15 : memref<!tpu.dma_semaphore, #tpu.memory_space<semaphore_mem>>)
    %eq3A_251 = arith.constant 8 : i32
    %eq3A_252 = vector.broadcast %eq3A_251 : i32 to vector<16xi32>
    %eq3A_253 = arith.cmpi eq, %iota3A, %eq3A_252 : vector<16xi32>
    %jit3A_254 = arith.constant 0 : i32
    %broadcast_in_dim3A_255 = vector.broadcast %jit3A_254 : i32 to vector<16xi32>
    %select_n3A_256 = arith.select %eq3A_253, %get3A_3, %broadcast_in_dim3A_255 : vector<16xi1>, vector<16xi32>
    %reduce_max3A_257 = arith.constant true
    %reduce_max3A_258 = vector.broadcast %reduce_max3A_257 : i1 to vector<16xi1>
    %reduce_max3A_259 = arith.constant -2147483648 : i32
    %reduce_max3A_260 = vector.broadcast %reduce_max3A_259 : i32 to vector<16xi32>
    %reduce_max3A_261 = arith.xori %select_n3A_256, %reduce_max3A_260 : vector<16xi32>
    %reduce_max3A_262 = tpu.scan <max>, %reduce_max3A_261 masked %reduce_max3A_258 : vector<16xi32>, vector<16xi1> -> vector<16xi32>
    %reduce_max3A_263 = arith.xori %reduce_max3A_262, %reduce_max3A_260 : vector<16xi32>
    %reduce_max3A_264 = vector.extract %reduce_max3A_263[15] : i32 from vector<16xi32>
    %shift_right_arithmetic3A_265 = arith.constant 7 : i32
    %shift_right_arithmetic3A_266 = arith.shrsi %reduce_max3A_264, %shift_right_arithmetic3A_265 : i32
    %shift_left3A_267 = arith.constant 7 : i32
    %shift_left3A_268 = arith.shli %shift_right_arithmetic3A_266, %shift_left3A_267 : i32
    %multiple_of3A_269 = tpu.assume_multiple %shift_left3A_268, 128 : i32
    %dma_start3A_270 = arith.constant 8 : i32
    %dma_start3A_271 = arith.constant 0 : i32
    %dma_start3A_272 = arith.constant 0 : i32
    %dma_start3A_273 = tpu.memref_slice %arg6[%dma_start3A_270, %dma_start3A_271, %dma_start3A_272] : memref<16x32x128xf32, #tpu.memory_space<vmem>> -> memref<1x32x128xf32, #tpu.memory_space<vmem>>
    %dma_start3A_274 = tpu.memref_squeeze %dma_start3A_273 : memref<1x32x128xf32, #tpu.memory_space<vmem>> -> memref<32x128xf32, #tpu.memory_space<vmem>>
    %dma_start3A_275 = arith.constant 0 : i32
    %dma_start3A_276 = tpu.memref_slice %arg3[%dma_start3A_275, %multiple_of3A_269] : memref<32x1000000xf32, #tpu.memory_space<hbm>> -> memref<32x128xf32, #tpu.memory_space<hbm>>
    %dma_start3A_277 = arith.constant 0 : i32
    %dma_start3A_278 = arith.constant 0 : i32
    %dma_start3A_279 = tpu.memref_slice %arg6[%dma_start3A_270, %dma_start3A_277, %dma_start3A_278] : memref<16x32x128xf32, #tpu.memory_space<vmem>> -> memref<1x32x128xf32, #tpu.memory_space<vmem>>
    %dma_start3A_280 = tpu.memref_squeeze %dma_start3A_279 : memref<1x32x128xf32, #tpu.memory_space<vmem>> -> memref<32x128xf32, #tpu.memory_space<vmem>>
    %dma_start3A_281 = arith.constant 0 : i32
    %dma_start3A_282 = tpu.memref_slice %arg3[%dma_start3A_281, %multiple_of3A_269] : memref<32x1000000xf32, #tpu.memory_space<hbm>> -> memref<32x128xf32, #tpu.memory_space<hbm>>
    tpu.enqueue_dma source(%dma_start3A_282 : memref<32x128xf32, #tpu.memory_space<hbm>>) target(%dma_start3A_280 : memref<32x128xf32, #tpu.memory_space<vmem>>) target_semaphore(%arg16 : memref<!tpu.dma_semaphore, #tpu.memory_space<semaphore_mem>>)
    %eq3A_283 = arith.constant 9 : i32
    %eq3A_284 = vector.broadcast %eq3A_283 : i32 to vector<16xi32>
    %eq3A_285 = arith.cmpi eq, %iota3A, %eq3A_284 : vector<16xi32>
    %jit3A_286 = arith.constant 0 : i32
    %broadcast_in_dim3A_287 = vector.broadcast %jit3A_286 : i32 to vector<16xi32>
    %select_n3A_288 = arith.select %eq3A_285, %get3A_3, %broadcast_in_dim3A_287 : vector<16xi1>, vector<16xi32>
    %reduce_max3A_289 = arith.constant true
    %reduce_max3A_290 = vector.broadcast %reduce_max3A_289 : i1 to vector<16xi1>
    %reduce_max3A_291 = arith.constant -2147483648 : i32
    %reduce_max3A_292 = vector.broadcast %reduce_max3A_291 : i32 to vector<16xi32>
    %reduce_max3A_293 = arith.xori %select_n3A_288, %reduce_max3A_292 : vector<16xi32>
    %reduce_max3A_294 = tpu.scan <max>, %reduce_max3A_293 masked %reduce_max3A_290 : vector<16xi32>, vector<16xi1> -> vector<16xi32>
    %reduce_max3A_295 = arith.xori %reduce_max3A_294, %reduce_max3A_292 : vector<16xi32>
    %reduce_max3A_296 = vector.extract %reduce_max3A_295[15] : i32 from vector<16xi32>
    %shift_right_arithmetic3A_297 = arith.constant 7 : i32
    %shift_right_arithmetic3A_298 = arith.shrsi %reduce_max3A_296, %shift_right_arithmetic3A_297 : i32
    %shift_left3A_299 = arith.constant 7 : i32
    %shift_left3A_300 = arith.shli %shift_right_arithmetic3A_298, %shift_left3A_299 : i32
    %multiple_of3A_301 = tpu.assume_multiple %shift_left3A_300, 128 : i32
    %dma_start3A_302 = arith.constant 9 : i32
    %dma_start3A_303 = arith.constant 0 : i32
    %dma_start3A_304 = arith.constant 0 : i32
    %dma_start3A_305 = tpu.memref_slice %arg6[%dma_start3A_302, %dma_start3A_303, %dma_start3A_304] : memref<16x32x128xf32, #tpu.memory_space<vmem>> -> memref<1x32x128xf32, #tpu.memory_space<vmem>>
    %dma_start3A_306 = tpu.memref_squeeze %dma_start3A_305 : memref<1x32x128xf32, #tpu.memory_space<vmem>> -> memref<32x128xf32, #tpu.memory_space<vmem>>
    %dma_start3A_307 = arith.constant 0 : i32
    %dma_start3A_308 = tpu.memref_slice %arg3[%dma_start3A_307, %multiple_of3A_301] : memref<32x1000000xf32, #tpu.memory_space<hbm>> -> memref<32x128xf32, #tpu.memory_space<hbm>>
    %dma_start3A_309 = arith.constant 0 : i32
    %dma_start3A_310 = arith.constant 0 : i32
    %dma_start3A_311 = tpu.memref_slice %arg6[%dma_start3A_302, %dma_start3A_309, %dma_start3A_310] : memref<16x32x128xf32, #tpu.memory_space<vmem>> -> memref<1x32x128xf32, #tpu.memory_space<vmem>>
    %dma_start3A_312 = tpu.memref_squeeze %dma_start3A_311 : memref<1x32x128xf32, #tpu.memory_space<vmem>> -> memref<32x128xf32, #tpu.memory_space<vmem>>
    %dma_start3A_313 = arith.constant 0 : i32
    %dma_start3A_314 = tpu.memref_slice %arg3[%dma_start3A_313, %multiple_of3A_301] : memref<32x1000000xf32, #tpu.memory_space<hbm>> -> memref<32x128xf32, #tpu.memory_space<hbm>>
    tpu.enqueue_dma source(%dma_start3A_314 : memref<32x128xf32, #tpu.memory_space<hbm>>) target(%dma_start3A_312 : memref<32x128xf32, #tpu.memory_space<vmem>>) target_semaphore(%arg17 : memref<!tpu.dma_semaphore, #tpu.memory_space<semaphore_mem>>)
    %eq3A_315 = arith.constant 10 : i32
    %eq3A_316 = vector.broadcast %eq3A_315 : i32 to vector<16xi32>
    %eq3A_317 = arith.cmpi eq, %iota3A, %eq3A_316 : vector<16xi32>
    %jit3A_318 = arith.constant 0 : i32
    %broadcast_in_dim3A_319 = vector.broadcast %jit3A_318 : i32 to vector<16xi32>
    %select_n3A_320 = arith.select %eq3A_317, %get3A_3, %broadcast_in_dim3A_319 : vector<16xi1>, vector<16xi32>
    %reduce_max3A_321 = arith.constant true
    %reduce_max3A_322 = vector.broadcast %reduce_max3A_321 : i1 to vector<16xi1>
    %reduce_max3A_323 = arith.constant -2147483648 : i32
    %reduce_max3A_324 = vector.broadcast %reduce_max3A_323 : i32 to vector<16xi32>
    %reduce_max3A_325 = arith.xori %select_n3A_320, %reduce_max3A_324 : vector<16xi32>
    %reduce_max3A_326 = tpu.scan <max>, %reduce_max3A_325 masked %reduce_max3A_322 : vector<16xi32>, vector<16xi1> -> vector<16xi32>
    %reduce_max3A_327 = arith.xori %reduce_max3A_326, %reduce_max3A_324 : vector<16xi32>
    %reduce_max3A_328 = vector.extract %reduce_max3A_327[15] : i32 from vector<16xi32>
    %shift_right_arithmetic3A_329 = arith.constant 7 : i32
    %shift_right_arithmetic3A_330 = arith.shrsi %reduce_max3A_328, %shift_right_arithmetic3A_329 : i32
    %shift_left3A_331 = arith.constant 7 : i32
    %shift_left3A_332 = arith.shli %shift_right_arithmetic3A_330, %shift_left3A_331 : i32
    %multiple_of3A_333 = tpu.assume_multiple %shift_left3A_332, 128 : i32
    %dma_start3A_334 = arith.constant 10 : i32
    %dma_start3A_335 = arith.constant 0 : i32
    %dma_start3A_336 = arith.constant 0 : i32
    %dma_start3A_337 = tpu.memref_slice %arg6[%dma_start3A_334, %dma_start3A_335, %dma_start3A_336] : memref<16x32x128xf32, #tpu.memory_space<vmem>> -> memref<1x32x128xf32, #tpu.memory_space<vmem>>
    %dma_start3A_338 = tpu.memref_squeeze %dma_start3A_337 : memref<1x32x128xf32, #tpu.memory_space<vmem>> -> memref<32x128xf32, #tpu.memory_space<vmem>>
    %dma_start3A_339 = arith.constant 0 : i32
    %dma_start3A_340 = tpu.memref_slice %arg3[%dma_start3A_339, %multiple_of3A_333] : memref<32x1000000xf32, #tpu.memory_space<hbm>> -> memref<32x128xf32, #tpu.memory_space<hbm>>
    %dma_start3A_341 = arith.constant 0 : i32
    %dma_start3A_342 = arith.constant 0 : i32
    %dma_start3A_343 = tpu.memref_slice %arg6[%dma_start3A_334, %dma_start3A_341, %dma_start3A_342] : memref<16x32x128xf32, #tpu.memory_space<vmem>> -> memref<1x32x128xf32, #tpu.memory_space<vmem>>
    %dma_start3A_344 = tpu.memref_squeeze %dma_start3A_343 : memref<1x32x128xf32, #tpu.memory_space<vmem>> -> memref<32x128xf32, #tpu.memory_space<vmem>>
    %dma_start3A_345 = arith.constant 0 : i32
    %dma_start3A_346 = tpu.memref_slice %arg3[%dma_start3A_345, %multiple_of3A_333] : memref<32x1000000xf32, #tpu.memory_space<hbm>> -> memref<32x128xf32, #tpu.memory_space<hbm>>
    tpu.enqueue_dma source(%dma_start3A_346 : memref<32x128xf32, #tpu.memory_space<hbm>>) target(%dma_start3A_344 : memref<32x128xf32, #tpu.memory_space<vmem>>) target_semaphore(%arg18 : memref<!tpu.dma_semaphore, #tpu.memory_space<semaphore_mem>>)
    %eq3A_347 = arith.constant 11 : i32
    %eq3A_348 = vector.broadcast %eq3A_347 : i32 to vector<16xi32>
    %eq3A_349 = arith.cmpi eq, %iota3A, %eq3A_348 : vector<16xi32>
    %jit3A_350 = arith.constant 0 : i32
    %broadcast_in_dim3A_351 = vector.broadcast %jit3A_350 : i32 to vector<16xi32>
    %select_n3A_352 = arith.select %eq3A_349, %get3A_3, %broadcast_in_dim3A_351 : vector<16xi1>, vector<16xi32>
    %reduce_max3A_353 = arith.constant true
    %reduce_max3A_354 = vector.broadcast %reduce_max3A_353 : i1 to vector<16xi1>
    %reduce_max3A_355 = arith.constant -2147483648 : i32
    %reduce_max3A_356 = vector.broadcast %reduce_max3A_355 : i32 to vector<16xi32>
    %reduce_max3A_357 = arith.xori %select_n3A_352, %reduce_max3A_356 : vector<16xi32>
    %reduce_max3A_358 = tpu.scan <max>, %reduce_max3A_357 masked %reduce_max3A_354 : vector<16xi32>, vector<16xi1> -> vector<16xi32>
    %reduce_max3A_359 = arith.xori %reduce_max3A_358, %reduce_max3A_356 : vector<16xi32>
    %reduce_max3A_360 = vector.extract %reduce_max3A_359[15] : i32 from vector<16xi32>
    %shift_right_arithmetic3A_361 = arith.constant 7 : i32
    %shift_right_arithmetic3A_362 = arith.shrsi %reduce_max3A_360, %shift_right_arithmetic3A_361 : i32
    %shift_left3A_363 = arith.constant 7 : i32
    %shift_left3A_364 = arith.shli %shift_right_arithmetic3A_362, %shift_left3A_363 : i32
    %multiple_of3A_365 = tpu.assume_multiple %shift_left3A_364, 128 : i32
    %dma_start3A_366 = arith.constant 11 : i32
    %dma_start3A_367 = arith.constant 0 : i32
    %dma_start3A_368 = arith.constant 0 : i32
    %dma_start3A_369 = tpu.memref_slice %arg6[%dma_start3A_366, %dma_start3A_367, %dma_start3A_368] : memref<16x32x128xf32, #tpu.memory_space<vmem>> -> memref<1x32x128xf32, #tpu.memory_space<vmem>>
    %dma_start3A_370 = tpu.memref_squeeze %dma_start3A_369 : memref<1x32x128xf32, #tpu.memory_space<vmem>> -> memref<32x128xf32, #tpu.memory_space<vmem>>
    %dma_start3A_371 = arith.constant 0 : i32
    %dma_start3A_372 = tpu.memref_slice %arg3[%dma_start3A_371, %multiple_of3A_365] : memref<32x1000000xf32, #tpu.memory_space<hbm>> -> memref<32x128xf32, #tpu.memory_space<hbm>>
    %dma_start3A_373 = arith.constant 0 : i32
    %dma_start3A_374 = arith.constant 0 : i32
    %dma_start3A_375 = tpu.memref_slice %arg6[%dma_start3A_366, %dma_start3A_373, %dma_start3A_374] : memref<16x32x128xf32, #tpu.memory_space<vmem>> -> memref<1x32x128xf32, #tpu.memory_space<vmem>>
    %dma_start3A_376 = tpu.memref_squeeze %dma_start3A_375 : memref<1x32x128xf32, #tpu.memory_space<vmem>> -> memref<32x128xf32, #tpu.memory_space<vmem>>
    %dma_start3A_377 = arith.constant 0 : i32
    %dma_start3A_378 = tpu.memref_slice %arg3[%dma_start3A_377, %multiple_of3A_365] : memref<32x1000000xf32, #tpu.memory_space<hbm>> -> memref<32x128xf32, #tpu.memory_space<hbm>>
    tpu.enqueue_dma source(%dma_start3A_378 : memref<32x128xf32, #tpu.memory_space<hbm>>) target(%dma_start3A_376 : memref<32x128xf32, #tpu.memory_space<vmem>>) target_semaphore(%arg19 : memref<!tpu.dma_semaphore, #tpu.memory_space<semaphore_mem>>)
    %eq3A_379 = arith.constant 12 : i32
    %eq3A_380 = vector.broadcast %eq3A_379 : i32 to vector<16xi32>
    %eq3A_381 = arith.cmpi eq, %iota3A, %eq3A_380 : vector<16xi32>
    %jit3A_382 = arith.constant 0 : i32
    %broadcast_in_dim3A_383 = vector.broadcast %jit3A_382 : i32 to vector<16xi32>
    %select_n3A_384 = arith.select %eq3A_381, %get3A_3, %broadcast_in_dim3A_383 : vector<16xi1>, vector<16xi32>
    %reduce_max3A_385 = arith.constant true
    %reduce_max3A_386 = vector.broadcast %reduce_max3A_385 : i1 to vector<16xi1>
    %reduce_max3A_387 = arith.constant -2147483648 : i32
    %reduce_max3A_388 = vector.broadcast %reduce_max3A_387 : i32 to vector<16xi32>
    %reduce_max3A_389 = arith.xori %select_n3A_384, %reduce_max3A_388 : vector<16xi32>
    %reduce_max3A_390 = tpu.scan <max>, %reduce_max3A_389 masked %reduce_max3A_386 : vector<16xi32>, vector<16xi1> -> vector<16xi32>
    %reduce_max3A_391 = arith.xori %reduce_max3A_390, %reduce_max3A_388 : vector<16xi32>
    %reduce_max3A_392 = vector.extract %reduce_max3A_391[15] : i32 from vector<16xi32>
    %shift_right_arithmetic3A_393 = arith.constant 7 : i32
    %shift_right_arithmetic3A_394 = arith.shrsi %reduce_max3A_392, %shift_right_arithmetic3A_393 : i32
    %shift_left3A_395 = arith.constant 7 : i32
    %shift_left3A_396 = arith.shli %shift_right_arithmetic3A_394, %shift_left3A_395 : i32
    %multiple_of3A_397 = tpu.assume_multiple %shift_left3A_396, 128 : i32
    %dma_start3A_398 = arith.constant 12 : i32
    %dma_start3A_399 = arith.constant 0 : i32
    %dma_start3A_400 = arith.constant 0 : i32
    %dma_start3A_401 = tpu.memref_slice %arg6[%dma_start3A_398, %dma_start3A_399, %dma_start3A_400] : memref<16x32x128xf32, #tpu.memory_space<vmem>> -> memref<1x32x128xf32, #tpu.memory_space<vmem>>
    %dma_start3A_402 = tpu.memref_squeeze %dma_start3A_401 : memref<1x32x128xf32, #tpu.memory_space<vmem>> -> memref<32x128xf32, #tpu.memory_space<vmem>>
    %dma_start3A_403 = arith.constant 0 : i32
    %dma_start3A_404 = tpu.memref_slice %arg3[%dma_start3A_403, %multiple_of3A_397] : memref<32x1000000xf32, #tpu.memory_space<hbm>> -> memref<32x128xf32, #tpu.memory_space<hbm>>
    %dma_start3A_405 = arith.constant 0 : i32
    %dma_start3A_406 = arith.constant 0 : i32
    %dma_start3A_407 = tpu.memref_slice %arg6[%dma_start3A_398, %dma_start3A_405, %dma_start3A_406] : memref<16x32x128xf32, #tpu.memory_space<vmem>> -> memref<1x32x128xf32, #tpu.memory_space<vmem>>
    %dma_start3A_408 = tpu.memref_squeeze %dma_start3A_407 : memref<1x32x128xf32, #tpu.memory_space<vmem>> -> memref<32x128xf32, #tpu.memory_space<vmem>>
    %dma_start3A_409 = arith.constant 0 : i32
    %dma_start3A_410 = tpu.memref_slice %arg3[%dma_start3A_409, %multiple_of3A_397] : memref<32x1000000xf32, #tpu.memory_space<hbm>> -> memref<32x128xf32, #tpu.memory_space<hbm>>
    tpu.enqueue_dma source(%dma_start3A_410 : memref<32x128xf32, #tpu.memory_space<hbm>>) target(%dma_start3A_408 : memref<32x128xf32, #tpu.memory_space<vmem>>) target_semaphore(%arg20 : memref<!tpu.dma_semaphore, #tpu.memory_space<semaphore_mem>>)
    %eq3A_411 = arith.constant 13 : i32
    %eq3A_412 = vector.broadcast %eq3A_411 : i32 to vector<16xi32>
    %eq3A_413 = arith.cmpi eq, %iota3A, %eq3A_412 : vector<16xi32>
    %jit3A_414 = arith.constant 0 : i32
    %broadcast_in_dim3A_415 = vector.broadcast %jit3A_414 : i32 to vector<16xi32>
    %select_n3A_416 = arith.select %eq3A_413, %get3A_3, %broadcast_in_dim3A_415 : vector<16xi1>, vector<16xi32>
    %reduce_max3A_417 = arith.constant true
    %reduce_max3A_418 = vector.broadcast %reduce_max3A_417 : i1 to vector<16xi1>
    %reduce_max3A_419 = arith.constant -2147483648 : i32
    %reduce_max3A_420 = vector.broadcast %reduce_max3A_419 : i32 to vector<16xi32>
    %reduce_max3A_421 = arith.xori %select_n3A_416, %reduce_max3A_420 : vector<16xi32>
    %reduce_max3A_422 = tpu.scan <max>, %reduce_max3A_421 masked %reduce_max3A_418 : vector<16xi32>, vector<16xi1> -> vector<16xi32>
    %reduce_max3A_423 = arith.xori %reduce_max3A_422, %reduce_max3A_420 : vector<16xi32>
    %reduce_max3A_424 = vector.extract %reduce_max3A_423[15] : i32 from vector<16xi32>
    %shift_right_arithmetic3A_425 = arith.constant 7 : i32
    %shift_right_arithmetic3A_426 = arith.shrsi %reduce_max3A_424, %shift_right_arithmetic3A_425 : i32
    %shift_left3A_427 = arith.constant 7 : i32
    %shift_left3A_428 = arith.shli %shift_right_arithmetic3A_426, %shift_left3A_427 : i32
    %multiple_of3A_429 = tpu.assume_multiple %shift_left3A_428, 128 : i32
    %dma_start3A_430 = arith.constant 13 : i32
    %dma_start3A_431 = arith.constant 0 : i32
    %dma_start3A_432 = arith.constant 0 : i32
    %dma_start3A_433 = tpu.memref_slice %arg6[%dma_start3A_430, %dma_start3A_431, %dma_start3A_432] : memref<16x32x128xf32, #tpu.memory_space<vmem>> -> memref<1x32x128xf32, #tpu.memory_space<vmem>>
    %dma_start3A_434 = tpu.memref_squeeze %dma_start3A_433 : memref<1x32x128xf32, #tpu.memory_space<vmem>> -> memref<32x128xf32, #tpu.memory_space<vmem>>
    %dma_start3A_435 = arith.constant 0 : i32
    %dma_start3A_436 = tpu.memref_slice %arg3[%dma_start3A_435, %multiple_of3A_429] : memref<32x1000000xf32, #tpu.memory_space<hbm>> -> memref<32x128xf32, #tpu.memory_space<hbm>>
    %dma_start3A_437 = arith.constant 0 : i32
    %dma_start3A_438 = arith.constant 0 : i32
    %dma_start3A_439 = tpu.memref_slice %arg6[%dma_start3A_430, %dma_start3A_437, %dma_start3A_438] : memref<16x32x128xf32, #tpu.memory_space<vmem>> -> memref<1x32x128xf32, #tpu.memory_space<vmem>>
    %dma_start3A_440 = tpu.memref_squeeze %dma_start3A_439 : memref<1x32x128xf32, #tpu.memory_space<vmem>> -> memref<32x128xf32, #tpu.memory_space<vmem>>
    %dma_start3A_441 = arith.constant 0 : i32
    %dma_start3A_442 = tpu.memref_slice %arg3[%dma_start3A_441, %multiple_of3A_429] : memref<32x1000000xf32, #tpu.memory_space<hbm>> -> memref<32x128xf32, #tpu.memory_space<hbm>>
    tpu.enqueue_dma source(%dma_start3A_442 : memref<32x128xf32, #tpu.memory_space<hbm>>) target(%dma_start3A_440 : memref<32x128xf32, #tpu.memory_space<vmem>>) target_semaphore(%arg21 : memref<!tpu.dma_semaphore, #tpu.memory_space<semaphore_mem>>)
    %eq3A_443 = arith.constant 14 : i32
    %eq3A_444 = vector.broadcast %eq3A_443 : i32 to vector<16xi32>
    %eq3A_445 = arith.cmpi eq, %iota3A, %eq3A_444 : vector<16xi32>
    %jit3A_446 = arith.constant 0 : i32
    %broadcast_in_dim3A_447 = vector.broadcast %jit3A_446 : i32 to vector<16xi32>
    %select_n3A_448 = arith.select %eq3A_445, %get3A_3, %broadcast_in_dim3A_447 : vector<16xi1>, vector<16xi32>
    %reduce_max3A_449 = arith.constant true
    %reduce_max3A_450 = vector.broadcast %reduce_max3A_449 : i1 to vector<16xi1>
    %reduce_max3A_451 = arith.constant -2147483648 : i32
    %reduce_max3A_452 = vector.broadcast %reduce_max3A_451 : i32 to vector<16xi32>
    %reduce_max3A_453 = arith.xori %select_n3A_448, %reduce_max3A_452 : vector<16xi32>
    %reduce_max3A_454 = tpu.scan <max>, %reduce_max3A_453 masked %reduce_max3A_450 : vector<16xi32>, vector<16xi1> -> vector<16xi32>
    %reduce_max3A_455 = arith.xori %reduce_max3A_454, %reduce_max3A_452 : vector<16xi32>
    %reduce_max3A_456 = vector.extract %reduce_max3A_455[15] : i32 from vector<16xi32>
    %shift_right_arithmetic3A_457 = arith.constant 7 : i32
    %shift_right_arithmetic3A_458 = arith.shrsi %reduce_max3A_456, %shift_right_arithmetic3A_457 : i32
    %shift_left3A_459 = arith.constant 7 : i32
    %shift_left3A_460 = arith.shli %shift_right_arithmetic3A_458, %shift_left3A_459 : i32
    %multiple_of3A_461 = tpu.assume_multiple %shift_left3A_460, 128 : i32
    %dma_start3A_462 = arith.constant 14 : i32
    %dma_start3A_463 = arith.constant 0 : i32
    %dma_start3A_464 = arith.constant 0 : i32
    %dma_start3A_465 = tpu.memref_slice %arg6[%dma_start3A_462, %dma_start3A_463, %dma_start3A_464] : memref<16x32x128xf32, #tpu.memory_space<vmem>> -> memref<1x32x128xf32, #tpu.memory_space<vmem>>
    %dma_start3A_466 = tpu.memref_squeeze %dma_start3A_465 : memref<1x32x128xf32, #tpu.memory_space<vmem>> -> memref<32x128xf32, #tpu.memory_space<vmem>>
    %dma_start3A_467 = arith.constant 0 : i32
    %dma_start3A_468 = tpu.memref_slice %arg3[%dma_start3A_467, %multiple_of3A_461] : memref<32x1000000xf32, #tpu.memory_space<hbm>> -> memref<32x128xf32, #tpu.memory_space<hbm>>
    %dma_start3A_469 = arith.constant 0 : i32
    %dma_start3A_470 = arith.constant 0 : i32
    %dma_start3A_471 = tpu.memref_slice %arg6[%dma_start3A_462, %dma_start3A_469, %dma_start3A_470] : memref<16x32x128xf32, #tpu.memory_space<vmem>> -> memref<1x32x128xf32, #tpu.memory_space<vmem>>
    %dma_start3A_472 = tpu.memref_squeeze %dma_start3A_471 : memref<1x32x128xf32, #tpu.memory_space<vmem>> -> memref<32x128xf32, #tpu.memory_space<vmem>>
    %dma_start3A_473 = arith.constant 0 : i32
    %dma_start3A_474 = tpu.memref_slice %arg3[%dma_start3A_473, %multiple_of3A_461] : memref<32x1000000xf32, #tpu.memory_space<hbm>> -> memref<32x128xf32, #tpu.memory_space<hbm>>
    tpu.enqueue_dma source(%dma_start3A_474 : memref<32x128xf32, #tpu.memory_space<hbm>>) target(%dma_start3A_472 : memref<32x128xf32, #tpu.memory_space<vmem>>) target_semaphore(%arg22 : memref<!tpu.dma_semaphore, #tpu.memory_space<semaphore_mem>>)
    %eq3A_475 = arith.constant 15 : i32
    %eq3A_476 = vector.broadcast %eq3A_475 : i32 to vector<16xi32>
    %eq3A_477 = arith.cmpi eq, %iota3A, %eq3A_476 : vector<16xi32>
    %jit3A_478 = arith.constant 0 : i32
    %broadcast_in_dim3A_479 = vector.broadcast %jit3A_478 : i32 to vector<16xi32>
    %select_n3A_480 = arith.select %eq3A_477, %get3A_3, %broadcast_in_dim3A_479 : vector<16xi1>, vector<16xi32>
    %reduce_max3A_481 = arith.constant true
    %reduce_max3A_482 = vector.broadcast %reduce_max3A_481 : i1 to vector<16xi1>
    %reduce_max3A_483 = arith.constant -2147483648 : i32
    %reduce_max3A_484 = vector.broadcast %reduce_max3A_483 : i32 to vector<16xi32>
    %reduce_max3A_485 = arith.xori %select_n3A_480, %reduce_max3A_484 : vector<16xi32>
    %reduce_max3A_486 = tpu.scan <max>, %reduce_max3A_485 masked %reduce_max3A_482 : vector<16xi32>, vector<16xi1> -> vector<16xi32>
    %reduce_max3A_487 = arith.xori %reduce_max3A_486, %reduce_max3A_484 : vector<16xi32>
    %reduce_max3A_488 = vector.extract %reduce_max3A_487[15] : i32 from vector<16xi32>
    %shift_right_arithmetic3A_489 = arith.constant 7 : i32
    %shift_right_arithmetic3A_490 = arith.shrsi %reduce_max3A_488, %shift_right_arithmetic3A_489 : i32
    %shift_left3A_491 = arith.constant 7 : i32
    %shift_left3A_492 = arith.shli %shift_right_arithmetic3A_490, %shift_left3A_491 : i32
    %multiple_of3A_493 = tpu.assume_multiple %shift_left3A_492, 128 : i32
    %dma_start3A_494 = arith.constant 15 : i32
    %dma_start3A_495 = arith.constant 0 : i32
    %dma_start3A_496 = arith.constant 0 : i32
    %dma_start3A_497 = tpu.memref_slice %arg6[%dma_start3A_494, %dma_start3A_495, %dma_start3A_496] : memref<16x32x128xf32, #tpu.memory_space<vmem>> -> memref<1x32x128xf32, #tpu.memory_space<vmem>>
    %dma_start3A_498 = tpu.memref_squeeze %dma_start3A_497 : memref<1x32x128xf32, #tpu.memory_space<vmem>> -> memref<32x128xf32, #tpu.memory_space<vmem>>
    %dma_start3A_499 = arith.constant 0 : i32
    %dma_start3A_500 = tpu.memref_slice %arg3[%dma_start3A_499, %multiple_of3A_493] : memref<32x1000000xf32, #tpu.memory_space<hbm>> -> memref<32x128xf32, #tpu.memory_space<hbm>>
    %dma_start3A_501 = arith.constant 0 : i32
    %dma_start3A_502 = arith.constant 0 : i32
    %dma_start3A_503 = tpu.memref_slice %arg6[%dma_start3A_494, %dma_start3A_501, %dma_start3A_502] : memref<16x32x128xf32, #tpu.memory_space<vmem>> -> memref<1x32x128xf32, #tpu.memory_space<vmem>>
    %dma_start3A_504 = tpu.memref_squeeze %dma_start3A_503 : memref<1x32x128xf32, #tpu.memory_space<vmem>> -> memref<32x128xf32, #tpu.memory_space<vmem>>
    %dma_start3A_505 = arith.constant 0 : i32
    %dma_start3A_506 = tpu.memref_slice %arg3[%dma_start3A_505, %multiple_of3A_493] : memref<32x1000000xf32, #tpu.memory_space<hbm>> -> memref<32x128xf32, #tpu.memory_space<hbm>>
    tpu.enqueue_dma source(%dma_start3A_506 : memref<32x128xf32, #tpu.memory_space<hbm>>) target(%dma_start3A_504 : memref<32x128xf32, #tpu.memory_space<vmem>>) target_semaphore(%arg23 : memref<!tpu.dma_semaphore, #tpu.memory_space<semaphore_mem>>)
    %scan3A = arith.constant 0 : i32
    %scan3A_507 = arith.constant 32 : i32
    %scan3A_508 = arith.addi %scan3A, %scan3A_507 : i32
    %scan3A_509 = arith.constant 1 : i32
    %scan3A_510 = scf.for %scan3A_514 = %scan3A to %scan3A_508 step %scan3A_509 iter_args(%scan3A_515 = %get3A_3) -> (vector<16xi32>)  : i32 {
      %add3A_516 = arith.constant 1 : i32
      %add3A_517 = arith.addi %scan3A_514, %add3A_516 : i32
      %min3A = arith.constant 31 : i32
      %min3A_518 = arith.minsi %add3A_517, %min3A : i32
      %mul3A_519 = arith.constant 16 : i32
      %mul3A_520 = arith.muli %min3A_518, %mul3A_519 : i32
      %get3A_521 = arith.index_cast %mul3A_520 : i32 to index
      %get3A_522 = tpu.vector_load %arg5[%get3A_521] {strides = array<i32>} : memref<512xi32, #tpu.memory_space<vmem>>, vector<16xi32>,
      %mul3A_523 = arith.constant 16 : i32
      %mul3A_524 = arith.muli %scan3A_514, %mul3A_523 : i32
      %add3A_525 = arith.constant 0 : i32
      %add3A_526 = arith.addi %mul3A_524, %add3A_525 : i32
      %dma_wait3A = arith.constant 0 : i32
      %dma_wait3A_527 = arith.constant 0 : i32
      %dma_wait3A_528 = arith.constant 0 : i32
      %dma_wait3A_529 = tpu.memref_slice %arg6[%dma_wait3A, %dma_wait3A_527, %dma_wait3A_528] : memref<16x32x128xf32, #tpu.memory_space<vmem>> -> memref<1x32x128xf32, #tpu.memory_space<vmem>>
      %dma_wait3A_530 = tpu.memref_squeeze %dma_wait3A_529 : memref<1x32x128xf32, #tpu.memory_space<vmem>> -> memref<32x128xf32, #tpu.memory_space<vmem>>
      %dma_wait3A_531 = arith.constant 0 : i32
      %dma_wait3A_532 = arith.constant 0 : i32
      %dma_wait3A_533 = tpu.memref_slice %arg3[%dma_wait3A_531, %dma_wait3A_532] : memref<32x1000000xf32, #tpu.memory_space<hbm>> -> memref<32x128xf32, #tpu.memory_space<hbm>>
      %dma_wait3A_534 = arith.constant 0 : i32
      %dma_wait3A_535 = arith.constant 0 : i32
      %dma_wait3A_536 = tpu.memref_slice %arg6[%dma_wait3A, %dma_wait3A_534, %dma_wait3A_535] : memref<16x32x128xf32, #tpu.memory_space<vmem>> -> memref<1x32x128xf32, #tpu.memory_space<vmem>>
      %dma_wait3A_537 = tpu.memref_squeeze %dma_wait3A_536 : memref<1x32x128xf32, #tpu.memory_space<vmem>> -> memref<32x128xf32, #tpu.memory_space<vmem>>
      %dma_wait3A_538 = arith.constant 0 : i32
      %dma_wait3A_539 = arith.constant 0 : i32
      %dma_wait3A_540 = tpu.memref_slice %arg3[%dma_wait3A_538, %dma_wait3A_539] : memref<32x1000000xf32, #tpu.memory_space<hbm>> -> memref<32x128xf32, #tpu.memory_space<hbm>>
      tpu.wait_dma2 semaphore(%arg8 : memref<!tpu.dma_semaphore, #tpu.memory_space<semaphore_mem>>) src(%dma_wait3A_540 : memref<32x128xf32, #tpu.memory_space<hbm>>) dst(%dma_wait3A_537 : memref<32x128xf32, #tpu.memory_space<vmem>>)
      %eq3A_541 = arith.constant 0 : i32
      %eq3A_542 = vector.broadcast %eq3A_541 : i32 to vector<16xi32>
      %eq3A_543 = arith.cmpi eq, %iota3A, %eq3A_542 : vector<16xi32>
      %jit3A_544 = arith.constant 0 : i32
      %broadcast_in_dim3A_545 = vector.broadcast %jit3A_544 : i32 to vector<16xi32>
      %select_n3A_546 = arith.select %eq3A_543, %scan3A_515, %broadcast_in_dim3A_545 : vector<16xi1>, vector<16xi32>
      %reduce_max3A_547 = arith.constant true
      %reduce_max3A_548 = vector.broadcast %reduce_max3A_547 : i1 to vector<16xi1>
      %reduce_max3A_549 = arith.constant -2147483648 : i32
      %reduce_max3A_550 = vector.broadcast %reduce_max3A_549 : i32 to vector<16xi32>
      %reduce_max3A_551 = arith.xori %select_n3A_546, %reduce_max3A_550 : vector<16xi32>
      %reduce_max3A_552 = tpu.scan <max>, %reduce_max3A_551 masked %reduce_max3A_548 : vector<16xi32>, vector<16xi1> -> vector<16xi32>
      %reduce_max3A_553 = arith.xori %reduce_max3A_552, %reduce_max3A_550 : vector<16xi32>
      %reduce_max3A_554 = vector.extract %reduce_max3A_553[15] : i32 from vector<16xi32>
      %broadcast_in_dim3A_555 = arith.constant 1 : i32
      %broadcast_in_dim3A_556 = vector.broadcast %broadcast_in_dim3A_555 : i32 to vector<16xi32>
      %and3A = arith.constant 127 : i32
      %and3A_557 = arith.andi %reduce_max3A_554, %and3A : i32
      %mul3A_558 = vector.broadcast %and3A_557 : i32 to vector<16xi32>
      %mul3A_559 = arith.muli %broadcast_in_dim3A_556, %mul3A_558 : vector<16xi32>
      %gather3A = arith.constant 0 : i32
      %gather3A_560 = arith.constant 0 : i32
      %gather3A_561 = arith.constant 0 : i32
      %gather3A_562 = tpu.memref_slice %arg6[%gather3A, %gather3A_560, %gather3A_561] : memref<16x32x128xf32, #tpu.memory_space<vmem>> -> memref<1x32x128xf32, #tpu.memory_space<vmem>>
      %gather3A_563 = tpu.memref_squeeze %gather3A_562 : memref<1x32x128xf32, #tpu.memory_space<vmem>> -> memref<32x128xf32, #tpu.memory_space<vmem>>
      %gather3A_564 = tpu.vector_load_idx %gather3A_563[%iota3A, %mul3A_559] : memref<32x128xf32, #tpu.memory_space<vmem>>[vector<16xi32>, vector<16xi32>], vector<16xf32>,
      %add3A_565 = arith.constant 16 : i32
      %add3A_566 = vector.broadcast %add3A_565 : i32 to vector<16xi32>
      %add3A_567 = arith.addi %iota3A, %add3A_566 : vector<16xi32>
      %gather3A_568 = arith.constant 0 : i32
      %gather3A_569 = arith.constant 0 : i32
      %gather3A_570 = arith.constant 0 : i32
      %gather3A_571 = tpu.memref_slice %arg6[%gather3A_568, %gather3A_569, %gather3A_570] : memref<16x32x128xf32, #tpu.memory_space<vmem>> -> memref<1x32x128xf32, #tpu.memory_space<vmem>>
      %gather3A_572 = tpu.memref_squeeze %gather3A_571 : memref<1x32x128xf32, #tpu.memory_space<vmem>> -> memref<32x128xf32, #tpu.memory_space<vmem>>
      %gather3A_573 = tpu.vector_load_idx %gather3A_572[%add3A_567, %mul3A_559] : memref<32x128xf32, #tpu.memory_space<vmem>>[vector<16xi32>, vector<16xi32>], vector<16xf32>,
      %mul3A_574 = arith.constant 32 : i32
      %mul3A_575 = arith.muli %add3A_526, %mul3A_574 : i32
      %swap3A = arith.index_cast %mul3A_575 : i32 to index
      %swap3A_576 = tpu.vector_load %arg7[%swap3A] {strides = array<i32>} : memref<16384xf32, #tpu.memory_space<vmem>>, vector<16xf32>,
      tpu.vector_store %arg7[%swap3A], %gather3A_564 {strides = array<i32>} : memref<16384xf32, #tpu.memory_space<vmem>>, vector<16xf32>,
      %mul3A_577 = arith.constant 32 : i32
      %mul3A_578 = arith.muli %add3A_526, %mul3A_577 : i32
      %add3A_579 = arith.constant 16 : i32
      %add3A_580 = arith.addi %mul3A_578, %add3A_579 : i32
      %swap3A_581 = arith.index_cast %add3A_580 : i32 to index
      %swap3A_582 = tpu.vector_load %arg7[%swap3A_581] {strides = array<i32>} : memref<16384xf32, #tpu.memory_space<vmem>>, vector<16xf32>,
      tpu.vector_store %arg7[%swap3A_581], %gather3A_573 {strides = array<i32>} : memref<16384xf32, #tpu.memory_space<vmem>>, vector<16xf32>,
      %lt3A = arith.constant 31 : i32
      %lt3A_583 = arith.cmpi slt, %scan3A_514, %lt3A : i32
      %convert_element_type3A = arith.extui %lt3A_583 : i1 to i32
      %cond3A = arith.constant 0 : i32
      %cond3A_584 = arith.cmpi ne, %convert_element_type3A, %cond3A : i32
      scf.if %cond3A_584 {
        %eq3A_1620 = arith.constant 0 : i32
        %eq3A_1621 = vector.broadcast %eq3A_1620 : i32 to vector<16xi32>
        %eq3A_1622 = arith.cmpi eq, %iota3A, %eq3A_1621 : vector<16xi32>
        %jit3A_1623 = arith.constant 0 : i32
        %broadcast_in_dim3A_1624 = vector.broadcast %jit3A_1623 : i32 to vector<16xi32>
        %select_n3A_1625 = arith.select %eq3A_1622, %get3A_522, %broadcast_in_dim3A_1624 : vector<16xi1>, vector<16xi32>
        %reduce_max3A_1626 = arith.constant true
        %reduce_max3A_1627 = vector.broadcast %reduce_max3A_1626 : i1 to vector<16xi1>
        %reduce_max3A_1628 = arith.constant -2147483648 : i32
        %reduce_max3A_1629 = vector.broadcast %reduce_max3A_1628 : i32 to vector<16xi32>
        %reduce_max3A_1630 = arith.xori %select_n3A_1625, %reduce_max3A_1629 : vector<16xi32>
        %reduce_max3A_1631 = tpu.scan <max>, %reduce_max3A_1630 masked %reduce_max3A_1627 : vector<16xi32>, vector<16xi1> -> vector<16xi32>
        %reduce_max3A_1632 = arith.xori %reduce_max3A_1631, %reduce_max3A_1629 : vector<16xi32>
        %reduce_max3A_1633 = vector.extract %reduce_max3A_1632[15] : i32 from vector<16xi32>
        %shift_right_arithmetic3A_1634 = arith.constant 7 : i32
        %shift_right_arithmetic3A_1635 = arith.shrsi %reduce_max3A_1633, %shift_right_arithmetic3A_1634 : i32
        %shift_left3A_1636 = arith.constant 7 : i32
        %shift_left3A_1637 = arith.shli %shift_right_arithmetic3A_1635, %shift_left3A_1636 : i32
        %multiple_of3A_1638 = tpu.assume_multiple %shift_left3A_1637, 128 : i32
        %dma_start3A_1639 = arith.constant 0 : i32
        %dma_start3A_1640 = arith.constant 0 : i32
        %dma_start3A_1641 = arith.constant 0 : i32
        %dma_start3A_1642 = tpu.memref_slice %arg6[%dma_start3A_1639, %dma_start3A_1640, %dma_start3A_1641] : memref<16x32x128xf32, #tpu.memory_space<vmem>> -> memref<1x32x128xf32, #tpu.memory_space<vmem>>
        %dma_start3A_1643 = tpu.memref_squeeze %dma_start3A_1642 : memref<1x32x128xf32, #tpu.memory_space<vmem>> -> memref<32x128xf32, #tpu.memory_space<vmem>>
        %dma_start3A_1644 = arith.constant 0 : i32
        %dma_start3A_1645 = tpu.memref_slice %arg3[%dma_start3A_1644, %multiple_of3A_1638] : memref<32x1000000xf32, #tpu.memory_space<hbm>> -> memref<32x128xf32, #tpu.memory_space<hbm>>
        %dma_start3A_1646 = arith.constant 0 : i32
        %dma_start3A_1647 = arith.constant 0 : i32
        %dma_start3A_1648 = tpu.memref_slice %arg6[%dma_start3A_1639, %dma_start3A_1646, %dma_start3A_1647] : memref<16x32x128xf32, #tpu.memory_space<vmem>> -> memref<1x32x128xf32, #tpu.memory_space<vmem>>
        %dma_start3A_1649 = tpu.memref_squeeze %dma_start3A_1648 : memref<1x32x128xf32, #tpu.memory_space<vmem>> -> memref<32x128xf32, #tpu.memory_space<vmem>>
        %dma_start3A_1650 = arith.constant 0 : i32
        %dma_start3A_1651 = tpu.memref_slice %arg3[%dma_start3A_1650, %multiple_of3A_1638] : memref<32x1000000xf32, #tpu.memory_space<hbm>> -> memref<32x128xf32, #tpu.memory_space<hbm>>
        tpu.enqueue_dma source(%dma_start3A_1651 : memref<32x128xf32, #tpu.memory_space<hbm>>) target(%dma_start3A_1649 : memref<32x128xf32, #tpu.memory_space<vmem>>) target_semaphore(%arg8 : memref<!tpu.dma_semaphore, #tpu.memory_space<semaphore_mem>>)
      } else {
      }
      %mul3A_585 = arith.constant 16 : i32
      %mul3A_586 = arith.muli %scan3A_514, %mul3A_585 : i32
      %add3A_587 = arith.constant 1 : i32
      %add3A_588 = arith.addi %mul3A_586, %add3A_587 : i32
      %dma_wait3A_589 = arith.constant 1 : i32
      %dma_wait3A_590 = arith.constant 0 : i32
      %dma_wait3A_591 = arith.constant 0 : i32
      %dma_wait3A_592 = tpu.memref_slice %arg6[%dma_wait3A_589, %dma_wait3A_590, %dma_wait3A_591] : memref<16x32x128xf32, #tpu.memory_space<vmem>> -> memref<1x32x128xf32, #tpu.memory_space<vmem>>
      %dma_wait3A_593 = tpu.memref_squeeze %dma_wait3A_592 : memref<1x32x128xf32, #tpu.memory_space<vmem>> -> memref<32x128xf32, #tpu.memory_space<vmem>>
      %dma_wait3A_594 = arith.constant 0 : i32
      %dma_wait3A_595 = arith.constant 0 : i32
      %dma_wait3A_596 = tpu.memref_slice %arg3[%dma_wait3A_594, %dma_wait3A_595] : memref<32x1000000xf32, #tpu.memory_space<hbm>> -> memref<32x128xf32, #tpu.memory_space<hbm>>
      %dma_wait3A_597 = arith.constant 0 : i32
      %dma_wait3A_598 = arith.constant 0 : i32
      %dma_wait3A_599 = tpu.memref_slice %arg6[%dma_wait3A_589, %dma_wait3A_597, %dma_wait3A_598] : memref<16x32x128xf32, #tpu.memory_space<vmem>> -> memref<1x32x128xf32, #tpu.memory_space<vmem>>
      %dma_wait3A_600 = tpu.memref_squeeze %dma_wait3A_599 : memref<1x32x128xf32, #tpu.memory_space<vmem>> -> memref<32x128xf32, #tpu.memory_space<vmem>>
      %dma_wait3A_601 = arith.constant 0 : i32
      %dma_wait3A_602 = arith.constant 0 : i32
      %dma_wait3A_603 = tpu.memref_slice %arg3[%dma_wait3A_601, %dma_wait3A_602] : memref<32x1000000xf32, #tpu.memory_space<hbm>> -> memref<32x128xf32, #tpu.memory_space<hbm>>
      tpu.wait_dma2 semaphore(%arg9 : memref<!tpu.dma_semaphore, #tpu.memory_space<semaphore_mem>>) src(%dma_wait3A_603 : memref<32x128xf32, #tpu.memory_space<hbm>>) dst(%dma_wait3A_600 : memref<32x128xf32, #tpu.memory_space<vmem>>)
      %eq3A_604 = arith.constant 1 : i32
      %eq3A_605 = vector.broadcast %eq3A_604 : i32 to vector<16xi32>
      %eq3A_606 = arith.cmpi eq, %iota3A, %eq3A_605 : vector<16xi32>
      %jit3A_607 = arith.constant 0 : i32
      %broadcast_in_dim3A_608 = vector.broadcast %jit3A_607 : i32 to vector<16xi32>
      %select_n3A_609 = arith.select %eq3A_606, %scan3A_515, %broadcast_in_dim3A_608 : vector<16xi1>, vector<16xi32>
      %reduce_max3A_610 = arith.constant true
      %reduce_max3A_611 = vector.broadcast %reduce_max3A_610 : i1 to vector<16xi1>
      %reduce_max3A_612 = arith.constant -2147483648 : i32
      %reduce_max3A_613 = vector.broadcast %reduce_max3A_612 : i32 to vector<16xi32>
      %reduce_max3A_614 = arith.xori %select_n3A_609, %reduce_max3A_613 : vector<16xi32>
      %reduce_max3A_615 = tpu.scan <max>, %reduce_max3A_614 masked %reduce_max3A_611 : vector<16xi32>, vector<16xi1> -> vector<16xi32>
      %reduce_max3A_616 = arith.xori %reduce_max3A_615, %reduce_max3A_613 : vector<16xi32>
      %reduce_max3A_617 = vector.extract %reduce_max3A_616[15] : i32 from vector<16xi32>
      %broadcast_in_dim3A_618 = arith.constant 1 : i32
      %broadcast_in_dim3A_619 = vector.broadcast %broadcast_in_dim3A_618 : i32 to vector<16xi32>
      %and3A_620 = arith.constant 127 : i32
      %and3A_621 = arith.andi %reduce_max3A_617, %and3A_620 : i32
      %mul3A_622 = vector.broadcast %and3A_621 : i32 to vector<16xi32>
      %mul3A_623 = arith.muli %broadcast_in_dim3A_619, %mul3A_622 : vector<16xi32>
      %gather3A_624 = arith.constant 1 : i32
      %gather3A_625 = arith.constant 0 : i32
      %gather3A_626 = arith.constant 0 : i32
      %gather3A_627 = tpu.memref_slice %arg6[%gather3A_624, %gather3A_625, %gather3A_626] : memref<16x32x128xf32, #tpu.memory_space<vmem>> -> memref<1x32x128xf32, #tpu.memory_space<vmem>>
      %gather3A_628 = tpu.memref_squeeze %gather3A_627 : memref<1x32x128xf32, #tpu.memory_space<vmem>> -> memref<32x128xf32, #tpu.memory_space<vmem>>
      %gather3A_629 = tpu.vector_load_idx %gather3A_628[%iota3A, %mul3A_623] : memref<32x128xf32, #tpu.memory_space<vmem>>[vector<16xi32>, vector<16xi32>], vector<16xf32>,
      %add3A_630 = arith.constant 16 : i32
      %add3A_631 = vector.broadcast %add3A_630 : i32 to vector<16xi32>
      %add3A_632 = arith.addi %iota3A, %add3A_631 : vector<16xi32>
      %gather3A_633 = arith.constant 1 : i32
      %gather3A_634 = arith.constant 0 : i32
      %gather3A_635 = arith.constant 0 : i32
      %gather3A_636 = tpu.memref_slice %arg6[%gather3A_633, %gather3A_634, %gather3A_635] : memref<16x32x128xf32, #tpu.memory_space<vmem>> -> memref<1x32x128xf32, #tpu.memory_space<vmem>>
      %gather3A_637 = tpu.memref_squeeze %gather3A_636 : memref<1x32x128xf32, #tpu.memory_space<vmem>> -> memref<32x128xf32, #tpu.memory_space<vmem>>
      %gather3A_638 = tpu.vector_load_idx %gather3A_637[%add3A_632, %mul3A_623] : memref<32x128xf32, #tpu.memory_space<vmem>>[vector<16xi32>, vector<16xi32>], vector<16xf32>,
      %mul3A_639 = arith.constant 32 : i32
      %mul3A_640 = arith.muli %add3A_588, %mul3A_639 : i32
      %swap3A_641 = arith.index_cast %mul3A_640 : i32 to index
      %swap3A_642 = tpu.vector_load %arg7[%swap3A_641] {strides = array<i32>} : memref<16384xf32, #tpu.memory_space<vmem>>, vector<16xf32>,
      tpu.vector_store %arg7[%swap3A_641], %gather3A_629 {strides = array<i32>} : memref<16384xf32, #tpu.memory_space<vmem>>, vector<16xf32>,
      %mul3A_643 = arith.constant 32 : i32
      %mul3A_644 = arith.muli %add3A_588, %mul3A_643 : i32
      %add3A_645 = arith.constant 16 : i32
      %add3A_646 = arith.addi %mul3A_644, %add3A_645 : i32
      %swap3A_647 = arith.index_cast %add3A_646 : i32 to index
      %swap3A_648 = tpu.vector_load %arg7[%swap3A_647] {strides = array<i32>} : memref<16384xf32, #tpu.memory_space<vmem>>, vector<16xf32>,
      tpu.vector_store %arg7[%swap3A_647], %gather3A_638 {strides = array<i32>} : memref<16384xf32, #tpu.memory_space<vmem>>, vector<16xf32>,
      %lt3A_649 = arith.constant 31 : i32
      %lt3A_650 = arith.cmpi slt, %scan3A_514, %lt3A_649 : i32
      %convert_element_type3A_651 = arith.extui %lt3A_650 : i1 to i32
      %cond3A_652 = arith.constant 0 : i32
      %cond3A_653 = arith.cmpi ne, %convert_element_type3A_651, %cond3A_652 : i32
      scf.if %cond3A_653 {
        %eq3A_1620 = arith.constant 1 : i32
        %eq3A_1621 = vector.broadcast %eq3A_1620 : i32 to vector<16xi32>
        %eq3A_1622 = arith.cmpi eq, %iota3A, %eq3A_1621 : vector<16xi32>
        %jit3A_1623 = arith.constant 0 : i32
        %broadcast_in_dim3A_1624 = vector.broadcast %jit3A_1623 : i32 to vector<16xi32>
        %select_n3A_1625 = arith.select %eq3A_1622, %get3A_522, %broadcast_in_dim3A_1624 : vector<16xi1>, vector<16xi32>
        %reduce_max3A_1626 = arith.constant true
        %reduce_max3A_1627 = vector.broadcast %reduce_max3A_1626 : i1 to vector<16xi1>
        %reduce_max3A_1628 = arith.constant -2147483648 : i32
        %reduce_max3A_1629 = vector.broadcast %reduce_max3A_1628 : i32 to vector<16xi32>
        %reduce_max3A_1630 = arith.xori %select_n3A_1625, %reduce_max3A_1629 : vector<16xi32>
        %reduce_max3A_1631 = tpu.scan <max>, %reduce_max3A_1630 masked %reduce_max3A_1627 : vector<16xi32>, vector<16xi1> -> vector<16xi32>
        %reduce_max3A_1632 = arith.xori %reduce_max3A_1631, %reduce_max3A_1629 : vector<16xi32>
        %reduce_max3A_1633 = vector.extract %reduce_max3A_1632[15] : i32 from vector<16xi32>
        %shift_right_arithmetic3A_1634 = arith.constant 7 : i32
        %shift_right_arithmetic3A_1635 = arith.shrsi %reduce_max3A_1633, %shift_right_arithmetic3A_1634 : i32
        %shift_left3A_1636 = arith.constant 7 : i32
        %shift_left3A_1637 = arith.shli %shift_right_arithmetic3A_1635, %shift_left3A_1636 : i32
        %multiple_of3A_1638 = tpu.assume_multiple %shift_left3A_1637, 128 : i32
        %dma_start3A_1639 = arith.constant 1 : i32
        %dma_start3A_1640 = arith.constant 0 : i32
        %dma_start3A_1641 = arith.constant 0 : i32
        %dma_start3A_1642 = tpu.memref_slice %arg6[%dma_start3A_1639, %dma_start3A_1640, %dma_start3A_1641] : memref<16x32x128xf32, #tpu.memory_space<vmem>> -> memref<1x32x128xf32, #tpu.memory_space<vmem>>
        %dma_start3A_1643 = tpu.memref_squeeze %dma_start3A_1642 : memref<1x32x128xf32, #tpu.memory_space<vmem>> -> memref<32x128xf32, #tpu.memory_space<vmem>>
        %dma_start3A_1644 = arith.constant 0 : i32
        %dma_start3A_1645 = tpu.memref_slice %arg3[%dma_start3A_1644, %multiple_of3A_1638] : memref<32x1000000xf32, #tpu.memory_space<hbm>> -> memref<32x128xf32, #tpu.memory_space<hbm>>
        %dma_start3A_1646 = arith.constant 0 : i32
        %dma_start3A_1647 = arith.constant 0 : i32
        %dma_start3A_1648 = tpu.memref_slice %arg6[%dma_start3A_1639, %dma_start3A_1646, %dma_start3A_1647] : memref<16x32x128xf32, #tpu.memory_space<vmem>> -> memref<1x32x128xf32, #tpu.memory_space<vmem>>
        %dma_start3A_1649 = tpu.memref_squeeze %dma_start3A_1648 : memref<1x32x128xf32, #tpu.memory_space<vmem>> -> memref<32x128xf32, #tpu.memory_space<vmem>>
        %dma_start3A_1650 = arith.constant 0 : i32
        %dma_start3A_1651 = tpu.memref_slice %arg3[%dma_start3A_1650, %multiple_of3A_1638] : memref<32x1000000xf32, #tpu.memory_space<hbm>> -> memref<32x128xf32, #tpu.memory_space<hbm>>
        tpu.enqueue_dma source(%dma_start3A_1651 : memref<32x128xf32, #tpu.memory_space<hbm>>) target(%dma_start3A_1649 : memref<32x128xf32, #tpu.memory_space<vmem>>) target_semaphore(%arg9 : memref<!tpu.dma_semaphore, #tpu.memory_space<semaphore_mem>>)
      } else {
      }
      %mul3A_654 = arith.constant 16 : i32
      %mul3A_655 = arith.muli %scan3A_514, %mul3A_654 : i32
      %add3A_656 = arith.constant 2 : i32
      %add3A_657 = arith.addi %mul3A_655, %add3A_656 : i32
      %dma_wait3A_658 = arith.constant 2 : i32
      %dma_wait3A_659 = arith.constant 0 : i32
      %dma_wait3A_660 = arith.constant 0 : i32
      %dma_wait3A_661 = tpu.memref_slice %arg6[%dma_wait3A_658, %dma_wait3A_659, %dma_wait3A_660] : memref<16x32x128xf32, #tpu.memory_space<vmem>> -> memref<1x32x128xf32, #tpu.memory_space<vmem>>
      %dma_wait3A_662 = tpu.memref_squeeze %dma_wait3A_661 : memref<1x32x128xf32, #tpu.memory_space<vmem>> -> memref<32x128xf32, #tpu.memory_space<vmem>>
      %dma_wait3A_663 = arith.constant 0 : i32
      %dma_wait3A_664 = arith.constant 0 : i32
      %dma_wait3A_665 = tpu.memref_slice %arg3[%dma_wait3A_663, %dma_wait3A_664] : memref<32x1000000xf32, #tpu.memory_space<hbm>> -> memref<32x128xf32, #tpu.memory_space<hbm>>
      %dma_wait3A_666 = arith.constant 0 : i32
      %dma_wait3A_667 = arith.constant 0 : i32
      %dma_wait3A_668 = tpu.memref_slice %arg6[%dma_wait3A_658, %dma_wait3A_666, %dma_wait3A_667] : memref<16x32x128xf32, #tpu.memory_space<vmem>> -> memref<1x32x128xf32, #tpu.memory_space<vmem>>
      %dma_wait3A_669 = tpu.memref_squeeze %dma_wait3A_668 : memref<1x32x128xf32, #tpu.memory_space<vmem>> -> memref<32x128xf32, #tpu.memory_space<vmem>>
      %dma_wait3A_670 = arith.constant 0 : i32
      %dma_wait3A_671 = arith.constant 0 : i32
      %dma_wait3A_672 = tpu.memref_slice %arg3[%dma_wait3A_670, %dma_wait3A_671] : memref<32x1000000xf32, #tpu.memory_space<hbm>> -> memref<32x128xf32, #tpu.memory_space<hbm>>
      tpu.wait_dma2 semaphore(%arg10 : memref<!tpu.dma_semaphore, #tpu.memory_space<semaphore_mem>>) src(%dma_wait3A_672 : memref<32x128xf32, #tpu.memory_space<hbm>>) dst(%dma_wait3A_669 : memref<32x128xf32, #tpu.memory_space<vmem>>)
      %eq3A_673 = arith.constant 2 : i32
      %eq3A_674 = vector.broadcast %eq3A_673 : i32 to vector<16xi32>
      %eq3A_675 = arith.cmpi eq, %iota3A, %eq3A_674 : vector<16xi32>
      %jit3A_676 = arith.constant 0 : i32
      %broadcast_in_dim3A_677 = vector.broadcast %jit3A_676 : i32 to vector<16xi32>
      %select_n3A_678 = arith.select %eq3A_675, %scan3A_515, %broadcast_in_dim3A_677 : vector<16xi1>, vector<16xi32>
      %reduce_max3A_679 = arith.constant true
      %reduce_max3A_680 = vector.broadcast %reduce_max3A_679 : i1 to vector<16xi1>
      %reduce_max3A_681 = arith.constant -2147483648 : i32
      %reduce_max3A_682 = vector.broadcast %reduce_max3A_681 : i32 to vector<16xi32>
      %reduce_max3A_683 = arith.xori %select_n3A_678, %reduce_max3A_682 : vector<16xi32>
      %reduce_max3A_684 = tpu.scan <max>, %reduce_max3A_683 masked %reduce_max3A_680 : vector<16xi32>, vector<16xi1> -> vector<16xi32>
      %reduce_max3A_685 = arith.xori %reduce_max3A_684, %reduce_max3A_682 : vector<16xi32>
      %reduce_max3A_686 = vector.extract %reduce_max3A_685[15] : i32 from vector<16xi32>
      %broadcast_in_dim3A_687 = arith.constant 1 : i32
      %broadcast_in_dim3A_688 = vector.broadcast %broadcast_in_dim3A_687 : i32 to vector<16xi32>
      %and3A_689 = arith.constant 127 : i32
      %and3A_690 = arith.andi %reduce_max3A_686, %and3A_689 : i32
      %mul3A_691 = vector.broadcast %and3A_690 : i32 to vector<16xi32>
      %mul3A_692 = arith.muli %broadcast_in_dim3A_688, %mul3A_691 : vector<16xi32>
      %gather3A_693 = arith.constant 2 : i32
      %gather3A_694 = arith.constant 0 : i32
      %gather3A_695 = arith.constant 0 : i32
      %gather3A_696 = tpu.memref_slice %arg6[%gather3A_693, %gather3A_694, %gather3A_695] : memref<16x32x128xf32, #tpu.memory_space<vmem>> -> memref<1x32x128xf32, #tpu.memory_space<vmem>>
      %gather3A_697 = tpu.memref_squeeze %gather3A_696 : memref<1x32x128xf32, #tpu.memory_space<vmem>> -> memref<32x128xf32, #tpu.memory_space<vmem>>
      %gather3A_698 = tpu.vector_load_idx %gather3A_697[%iota3A, %mul3A_692] : memref<32x128xf32, #tpu.memory_space<vmem>>[vector<16xi32>, vector<16xi32>], vector<16xf32>,
      %add3A_699 = arith.constant 16 : i32
      %add3A_700 = vector.broadcast %add3A_699 : i32 to vector<16xi32>
      %add3A_701 = arith.addi %iota3A, %add3A_700 : vector<16xi32>
      %gather3A_702 = arith.constant 2 : i32
      %gather3A_703 = arith.constant 0 : i32
      %gather3A_704 = arith.constant 0 : i32
      %gather3A_705 = tpu.memref_slice %arg6[%gather3A_702, %gather3A_703, %gather3A_704] : memref<16x32x128xf32, #tpu.memory_space<vmem>> -> memref<1x32x128xf32, #tpu.memory_space<vmem>>
      %gather3A_706 = tpu.memref_squeeze %gather3A_705 : memref<1x32x128xf32, #tpu.memory_space<vmem>> -> memref<32x128xf32, #tpu.memory_space<vmem>>
      %gather3A_707 = tpu.vector_load_idx %gather3A_706[%add3A_701, %mul3A_692] : memref<32x128xf32, #tpu.memory_space<vmem>>[vector<16xi32>, vector<16xi32>], vector<16xf32>,
      %mul3A_708 = arith.constant 32 : i32
      %mul3A_709 = arith.muli %add3A_657, %mul3A_708 : i32
      %swap3A_710 = arith.index_cast %mul3A_709 : i32 to index
      %swap3A_711 = tpu.vector_load %arg7[%swap3A_710] {strides = array<i32>} : memref<16384xf32, #tpu.memory_space<vmem>>, vector<16xf32>,
      tpu.vector_store %arg7[%swap3A_710], %gather3A_698 {strides = array<i32>} : memref<16384xf32, #tpu.memory_space<vmem>>, vector<16xf32>,
      %mul3A_712 = arith.constant 32 : i32
      %mul3A_713 = arith.muli %add3A_657, %mul3A_712 : i32
      %add3A_714 = arith.constant 16 : i32
      %add3A_715 = arith.addi %mul3A_713, %add3A_714 : i32
      %swap3A_716 = arith.index_cast %add3A_715 : i32 to index
      %swap3A_717 = tpu.vector_load %arg7[%swap3A_716] {strides = array<i32>} : memref<16384xf32, #tpu.memory_space<vmem>>, vector<16xf32>,
      tpu.vector_store %arg7[%swap3A_716], %gather3A_707 {strides = array<i32>} : memref<16384xf32, #tpu.memory_space<vmem>>, vector<16xf32>,
      %lt3A_718 = arith.constant 31 : i32
      %lt3A_719 = arith.cmpi slt, %scan3A_514, %lt3A_718 : i32
      %convert_element_type3A_720 = arith.extui %lt3A_719 : i1 to i32
      %cond3A_721 = arith.constant 0 : i32
      %cond3A_722 = arith.cmpi ne, %convert_element_type3A_720, %cond3A_721 : i32
      scf.if %cond3A_722 {
        %eq3A_1620 = arith.constant 2 : i32
        %eq3A_1621 = vector.broadcast %eq3A_1620 : i32 to vector<16xi32>
        %eq3A_1622 = arith.cmpi eq, %iota3A, %eq3A_1621 : vector<16xi32>
        %jit3A_1623 = arith.constant 0 : i32
        %broadcast_in_dim3A_1624 = vector.broadcast %jit3A_1623 : i32 to vector<16xi32>
        %select_n3A_1625 = arith.select %eq3A_1622, %get3A_522, %broadcast_in_dim3A_1624 : vector<16xi1>, vector<16xi32>
        %reduce_max3A_1626 = arith.constant true
        %reduce_max3A_1627 = vector.broadcast %reduce_max3A_1626 : i1 to vector<16xi1>
        %reduce_max3A_1628 = arith.constant -2147483648 : i32
        %reduce_max3A_1629 = vector.broadcast %reduce_max3A_1628 : i32 to vector<16xi32>
        %reduce_max3A_1630 = arith.xori %select_n3A_1625, %reduce_max3A_1629 : vector<16xi32>
        %reduce_max3A_1631 = tpu.scan <max>, %reduce_max3A_1630 masked %reduce_max3A_1627 : vector<16xi32>, vector<16xi1> -> vector<16xi32>
        %reduce_max3A_1632 = arith.xori %reduce_max3A_1631, %reduce_max3A_1629 : vector<16xi32>
        %reduce_max3A_1633 = vector.extract %reduce_max3A_1632[15] : i32 from vector<16xi32>
        %shift_right_arithmetic3A_1634 = arith.constant 7 : i32
        %shift_right_arithmetic3A_1635 = arith.shrsi %reduce_max3A_1633, %shift_right_arithmetic3A_1634 : i32
        %shift_left3A_1636 = arith.constant 7 : i32
        %shift_left3A_1637 = arith.shli %shift_right_arithmetic3A_1635, %shift_left3A_1636 : i32
        %multiple_of3A_1638 = tpu.assume_multiple %shift_left3A_1637, 128 : i32
        %dma_start3A_1639 = arith.constant 2 : i32
        %dma_start3A_1640 = arith.constant 0 : i32
        %dma_start3A_1641 = arith.constant 0 : i32
        %dma_start3A_1642 = tpu.memref_slice %arg6[%dma_start3A_1639, %dma_start3A_1640, %dma_start3A_1641] : memref<16x32x128xf32, #tpu.memory_space<vmem>> -> memref<1x32x128xf32, #tpu.memory_space<vmem>>
        %dma_start3A_1643 = tpu.memref_squeeze %dma_start3A_1642 : memref<1x32x128xf32, #tpu.memory_space<vmem>> -> memref<32x128xf32, #tpu.memory_space<vmem>>
        %dma_start3A_1644 = arith.constant 0 : i32
        %dma_start3A_1645 = tpu.memref_slice %arg3[%dma_start3A_1644, %multiple_of3A_1638] : memref<32x1000000xf32, #tpu.memory_space<hbm>> -> memref<32x128xf32, #tpu.memory_space<hbm>>
        %dma_start3A_1646 = arith.constant 0 : i32
        %dma_start3A_1647 = arith.constant 0 : i32
        %dma_start3A_1648 = tpu.memref_slice %arg6[%dma_start3A_1639, %dma_start3A_1646, %dma_start3A_1647] : memref<16x32x128xf32, #tpu.memory_space<vmem>> -> memref<1x32x128xf32, #tpu.memory_space<vmem>>
        %dma_start3A_1649 = tpu.memref_squeeze %dma_start3A_1648 : memref<1x32x128xf32, #tpu.memory_space<vmem>> -> memref<32x128xf32, #tpu.memory_space<vmem>>
        %dma_start3A_1650 = arith.constant 0 : i32
        %dma_start3A_1651 = tpu.memref_slice %arg3[%dma_start3A_1650, %multiple_of3A_1638] : memref<32x1000000xf32, #tpu.memory_space<hbm>> -> memref<32x128xf32, #tpu.memory_space<hbm>>
        tpu.enqueue_dma source(%dma_start3A_1651 : memref<32x128xf32, #tpu.memory_space<hbm>>) target(%dma_start3A_1649 : memref<32x128xf32, #tpu.memory_space<vmem>>) target_semaphore(%arg10 : memref<!tpu.dma_semaphore, #tpu.memory_space<semaphore_mem>>)
      } else {
      }
      %mul3A_723 = arith.constant 16 : i32
      %mul3A_724 = arith.muli %scan3A_514, %mul3A_723 : i32
      %add3A_725 = arith.constant 3 : i32
      %add3A_726 = arith.addi %mul3A_724, %add3A_725 : i32
      %dma_wait3A_727 = arith.constant 3 : i32
      %dma_wait3A_728 = arith.constant 0 : i32
      %dma_wait3A_729 = arith.constant 0 : i32
      %dma_wait3A_730 = tpu.memref_slice %arg6[%dma_wait3A_727, %dma_wait3A_728, %dma_wait3A_729] : memref<16x32x128xf32, #tpu.memory_space<vmem>> -> memref<1x32x128xf32, #tpu.memory_space<vmem>>
      %dma_wait3A_731 = tpu.memref_squeeze %dma_wait3A_730 : memref<1x32x128xf32, #tpu.memory_space<vmem>> -> memref<32x128xf32, #tpu.memory_space<vmem>>
      %dma_wait3A_732 = arith.constant 0 : i32
      %dma_wait3A_733 = arith.constant 0 : i32
      %dma_wait3A_734 = tpu.memref_slice %arg3[%dma_wait3A_732, %dma_wait3A_733] : memref<32x1000000xf32, #tpu.memory_space<hbm>> -> memref<32x128xf32, #tpu.memory_space<hbm>>
      %dma_wait3A_735 = arith.constant 0 : i32
      %dma_wait3A_736 = arith.constant 0 : i32
      %dma_wait3A_737 = tpu.memref_slice %arg6[%dma_wait3A_727, %dma_wait3A_735, %dma_wait3A_736] : memref<16x32x128xf32, #tpu.memory_space<vmem>> -> memref<1x32x128xf32, #tpu.memory_space<vmem>>
      %dma_wait3A_738 = tpu.memref_squeeze %dma_wait3A_737 : memref<1x32x128xf32, #tpu.memory_space<vmem>> -> memref<32x128xf32, #tpu.memory_space<vmem>>
      %dma_wait3A_739 = arith.constant 0 : i32
      %dma_wait3A_740 = arith.constant 0 : i32
      %dma_wait3A_741 = tpu.memref_slice %arg3[%dma_wait3A_739, %dma_wait3A_740] : memref<32x1000000xf32, #tpu.memory_space<hbm>> -> memref<32x128xf32, #tpu.memory_space<hbm>>
      tpu.wait_dma2 semaphore(%arg11 : memref<!tpu.dma_semaphore, #tpu.memory_space<semaphore_mem>>) src(%dma_wait3A_741 : memref<32x128xf32, #tpu.memory_space<hbm>>) dst(%dma_wait3A_738 : memref<32x128xf32, #tpu.memory_space<vmem>>)
      %eq3A_742 = arith.constant 3 : i32
      %eq3A_743 = vector.broadcast %eq3A_742 : i32 to vector<16xi32>
      %eq3A_744 = arith.cmpi eq, %iota3A, %eq3A_743 : vector<16xi32>
      %jit3A_745 = arith.constant 0 : i32
      %broadcast_in_dim3A_746 = vector.broadcast %jit3A_745 : i32 to vector<16xi32>
      %select_n3A_747 = arith.select %eq3A_744, %scan3A_515, %broadcast_in_dim3A_746 : vector<16xi1>, vector<16xi32>
      %reduce_max3A_748 = arith.constant true
      %reduce_max3A_749 = vector.broadcast %reduce_max3A_748 : i1 to vector<16xi1>
      %reduce_max3A_750 = arith.constant -2147483648 : i32
      %reduce_max3A_751 = vector.broadcast %reduce_max3A_750 : i32 to vector<16xi32>
      %reduce_max3A_752 = arith.xori %select_n3A_747, %reduce_max3A_751 : vector<16xi32>
      %reduce_max3A_753 = tpu.scan <max>, %reduce_max3A_752 masked %reduce_max3A_749 : vector<16xi32>, vector<16xi1> -> vector<16xi32>
      %reduce_max3A_754 = arith.xori %reduce_max3A_753, %reduce_max3A_751 : vector<16xi32>
      %reduce_max3A_755 = vector.extract %reduce_max3A_754[15] : i32 from vector<16xi32>
      %broadcast_in_dim3A_756 = arith.constant 1 : i32
      %broadcast_in_dim3A_757 = vector.broadcast %broadcast_in_dim3A_756 : i32 to vector<16xi32>
      %and3A_758 = arith.constant 127 : i32
      %and3A_759 = arith.andi %reduce_max3A_755, %and3A_758 : i32
      %mul3A_760 = vector.broadcast %and3A_759 : i32 to vector<16xi32>
      %mul3A_761 = arith.muli %broadcast_in_dim3A_757, %mul3A_760 : vector<16xi32>
      %gather3A_762 = arith.constant 3 : i32
      %gather3A_763 = arith.constant 0 : i32
      %gather3A_764 = arith.constant 0 : i32
      %gather3A_765 = tpu.memref_slice %arg6[%gather3A_762, %gather3A_763, %gather3A_764] : memref<16x32x128xf32, #tpu.memory_space<vmem>> -> memref<1x32x128xf32, #tpu.memory_space<vmem>>
      %gather3A_766 = tpu.memref_squeeze %gather3A_765 : memref<1x32x128xf32, #tpu.memory_space<vmem>> -> memref<32x128xf32, #tpu.memory_space<vmem>>
      %gather3A_767 = tpu.vector_load_idx %gather3A_766[%iota3A, %mul3A_761] : memref<32x128xf32, #tpu.memory_space<vmem>>[vector<16xi32>, vector<16xi32>], vector<16xf32>,
      %add3A_768 = arith.constant 16 : i32
      %add3A_769 = vector.broadcast %add3A_768 : i32 to vector<16xi32>
      %add3A_770 = arith.addi %iota3A, %add3A_769 : vector<16xi32>
      %gather3A_771 = arith.constant 3 : i32
      %gather3A_772 = arith.constant 0 : i32
      %gather3A_773 = arith.constant 0 : i32
      %gather3A_774 = tpu.memref_slice %arg6[%gather3A_771, %gather3A_772, %gather3A_773] : memref<16x32x128xf32, #tpu.memory_space<vmem>> -> memref<1x32x128xf32, #tpu.memory_space<vmem>>
      %gather3A_775 = tpu.memref_squeeze %gather3A_774 : memref<1x32x128xf32, #tpu.memory_space<vmem>> -> memref<32x128xf32, #tpu.memory_space<vmem>>
      %gather3A_776 = tpu.vector_load_idx %gather3A_775[%add3A_770, %mul3A_761] : memref<32x128xf32, #tpu.memory_space<vmem>>[vector<16xi32>, vector<16xi32>], vector<16xf32>,
      %mul3A_777 = arith.constant 32 : i32
      %mul3A_778 = arith.muli %add3A_726, %mul3A_777 : i32
      %swap3A_779 = arith.index_cast %mul3A_778 : i32 to index
      %swap3A_780 = tpu.vector_load %arg7[%swap3A_779] {strides = array<i32>} : memref<16384xf32, #tpu.memory_space<vmem>>, vector<16xf32>,
      tpu.vector_store %arg7[%swap3A_779], %gather3A_767 {strides = array<i32>} : memref<16384xf32, #tpu.memory_space<vmem>>, vector<16xf32>,
      %mul3A_781 = arith.constant 32 : i32
      %mul3A_782 = arith.muli %add3A_726, %mul3A_781 : i32
      %add3A_783 = arith.constant 16 : i32
      %add3A_784 = arith.addi %mul3A_782, %add3A_783 : i32
      %swap3A_785 = arith.index_cast %add3A_784 : i32 to index
      %swap3A_786 = tpu.vector_load %arg7[%swap3A_785] {strides = array<i32>} : memref<16384xf32, #tpu.memory_space<vmem>>, vector<16xf32>,
      tpu.vector_store %arg7[%swap3A_785], %gather3A_776 {strides = array<i32>} : memref<16384xf32, #tpu.memory_space<vmem>>, vector<16xf32>,
      %lt3A_787 = arith.constant 31 : i32
      %lt3A_788 = arith.cmpi slt, %scan3A_514, %lt3A_787 : i32
      %convert_element_type3A_789 = arith.extui %lt3A_788 : i1 to i32
      %cond3A_790 = arith.constant 0 : i32
      %cond3A_791 = arith.cmpi ne, %convert_element_type3A_789, %cond3A_790 : i32
      scf.if %cond3A_791 {
        %eq3A_1620 = arith.constant 3 : i32
        %eq3A_1621 = vector.broadcast %eq3A_1620 : i32 to vector<16xi32>
        %eq3A_1622 = arith.cmpi eq, %iota3A, %eq3A_1621 : vector<16xi32>
        %jit3A_1623 = arith.constant 0 : i32
        %broadcast_in_dim3A_1624 = vector.broadcast %jit3A_1623 : i32 to vector<16xi32>
        %select_n3A_1625 = arith.select %eq3A_1622, %get3A_522, %broadcast_in_dim3A_1624 : vector<16xi1>, vector<16xi32>
        %reduce_max3A_1626 = arith.constant true
        %reduce_max3A_1627 = vector.broadcast %reduce_max3A_1626 : i1 to vector<16xi1>
        %reduce_max3A_1628 = arith.constant -2147483648 : i32
        %reduce_max3A_1629 = vector.broadcast %reduce_max3A_1628 : i32 to vector<16xi32>
        %reduce_max3A_1630 = arith.xori %select_n3A_1625, %reduce_max3A_1629 : vector<16xi32>
        %reduce_max3A_1631 = tpu.scan <max>, %reduce_max3A_1630 masked %reduce_max3A_1627 : vector<16xi32>, vector<16xi1> -> vector<16xi32>
        %reduce_max3A_1632 = arith.xori %reduce_max3A_1631, %reduce_max3A_1629 : vector<16xi32>
        %reduce_max3A_1633 = vector.extract %reduce_max3A_1632[15] : i32 from vector<16xi32>
        %shift_right_arithmetic3A_1634 = arith.constant 7 : i32
        %shift_right_arithmetic3A_1635 = arith.shrsi %reduce_max3A_1633, %shift_right_arithmetic3A_1634 : i32
        %shift_left3A_1636 = arith.constant 7 : i32
        %shift_left3A_1637 = arith.shli %shift_right_arithmetic3A_1635, %shift_left3A_1636 : i32
        %multiple_of3A_1638 = tpu.assume_multiple %shift_left3A_1637, 128 : i32
        %dma_start3A_1639 = arith.constant 3 : i32
        %dma_start3A_1640 = arith.constant 0 : i32
        %dma_start3A_1641 = arith.constant 0 : i32
        %dma_start3A_1642 = tpu.memref_slice %arg6[%dma_start3A_1639, %dma_start3A_1640, %dma_start3A_1641] : memref<16x32x128xf32, #tpu.memory_space<vmem>> -> memref<1x32x128xf32, #tpu.memory_space<vmem>>
        %dma_start3A_1643 = tpu.memref_squeeze %dma_start3A_1642 : memref<1x32x128xf32, #tpu.memory_space<vmem>> -> memref<32x128xf32, #tpu.memory_space<vmem>>
        %dma_start3A_1644 = arith.constant 0 : i32
        %dma_start3A_1645 = tpu.memref_slice %arg3[%dma_start3A_1644, %multiple_of3A_1638] : memref<32x1000000xf32, #tpu.memory_space<hbm>> -> memref<32x128xf32, #tpu.memory_space<hbm>>
        %dma_start3A_1646 = arith.constant 0 : i32
        %dma_start3A_1647 = arith.constant 0 : i32
        %dma_start3A_1648 = tpu.memref_slice %arg6[%dma_start3A_1639, %dma_start3A_1646, %dma_start3A_1647] : memref<16x32x128xf32, #tpu.memory_space<vmem>> -> memref<1x32x128xf32, #tpu.memory_space<vmem>>
        %dma_start3A_1649 = tpu.memref_squeeze %dma_start3A_1648 : memref<1x32x128xf32, #tpu.memory_space<vmem>> -> memref<32x128xf32, #tpu.memory_space<vmem>>
        %dma_start3A_1650 = arith.constant 0 : i32
        %dma_start3A_1651 = tpu.memref_slice %arg3[%dma_start3A_1650, %multiple_of3A_1638] : memref<32x1000000xf32, #tpu.memory_space<hbm>> -> memref<32x128xf32, #tpu.memory_space<hbm>>
        tpu.enqueue_dma source(%dma_start3A_1651 : memref<32x128xf32, #tpu.memory_space<hbm>>) target(%dma_start3A_1649 : memref<32x128xf32, #tpu.memory_space<vmem>>) target_semaphore(%arg11 : memref<!tpu.dma_semaphore, #tpu.memory_space<semaphore_mem>>)
      } else {
      }
      %mul3A_792 = arith.constant 16 : i32
      %mul3A_793 = arith.muli %scan3A_514, %mul3A_792 : i32
      %add3A_794 = arith.constant 4 : i32
      %add3A_795 = arith.addi %mul3A_793, %add3A_794 : i32
      %dma_wait3A_796 = arith.constant 4 : i32
      %dma_wait3A_797 = arith.constant 0 : i32
      %dma_wait3A_798 = arith.constant 0 : i32
      %dma_wait3A_799 = tpu.memref_slice %arg6[%dma_wait3A_796, %dma_wait3A_797, %dma_wait3A_798] : memref<16x32x128xf32, #tpu.memory_space<vmem>> -> memref<1x32x128xf32, #tpu.memory_space<vmem>>
      %dma_wait3A_800 = tpu.memref_squeeze %dma_wait3A_799 : memref<1x32x128xf32, #tpu.memory_space<vmem>> -> memref<32x128xf32, #tpu.memory_space<vmem>>
      %dma_wait3A_801 = arith.constant 0 : i32
      %dma_wait3A_802 = arith.constant 0 : i32
      %dma_wait3A_803 = tpu.memref_slice %arg3[%dma_wait3A_801, %dma_wait3A_802] : memref<32x1000000xf32, #tpu.memory_space<hbm>> -> memref<32x128xf32, #tpu.memory_space<hbm>>
      %dma_wait3A_804 = arith.constant 0 : i32
      %dma_wait3A_805 = arith.constant 0 : i32
      %dma_wait3A_806 = tpu.memref_slice %arg6[%dma_wait3A_796, %dma_wait3A_804, %dma_wait3A_805] : memref<16x32x128xf32, #tpu.memory_space<vmem>> -> memref<1x32x128xf32, #tpu.memory_space<vmem>>
      %dma_wait3A_807 = tpu.memref_squeeze %dma_wait3A_806 : memref<1x32x128xf32, #tpu.memory_space<vmem>> -> memref<32x128xf32, #tpu.memory_space<vmem>>
      %dma_wait3A_808 = arith.constant 0 : i32
      %dma_wait3A_809 = arith.constant 0 : i32
      %dma_wait3A_810 = tpu.memref_slice %arg3[%dma_wait3A_808, %dma_wait3A_809] : memref<32x1000000xf32, #tpu.memory_space<hbm>> -> memref<32x128xf32, #tpu.memory_space<hbm>>
      tpu.wait_dma2 semaphore(%arg12 : memref<!tpu.dma_semaphore, #tpu.memory_space<semaphore_mem>>) src(%dma_wait3A_810 : memref<32x128xf32, #tpu.memory_space<hbm>>) dst(%dma_wait3A_807 : memref<32x128xf32, #tpu.memory_space<vmem>>)
      %eq3A_811 = arith.constant 4 : i32
      %eq3A_812 = vector.broadcast %eq3A_811 : i32 to vector<16xi32>
      %eq3A_813 = arith.cmpi eq, %iota3A, %eq3A_812 : vector<16xi32>
      %jit3A_814 = arith.constant 0 : i32
      %broadcast_in_dim3A_815 = vector.broadcast %jit3A_814 : i32 to vector<16xi32>
      %select_n3A_816 = arith.select %eq3A_813, %scan3A_515, %broadcast_in_dim3A_815 : vector<16xi1>, vector<16xi32>
      %reduce_max3A_817 = arith.constant true
      %reduce_max3A_818 = vector.broadcast %reduce_max3A_817 : i1 to vector<16xi1>
      %reduce_max3A_819 = arith.constant -2147483648 : i32
      %reduce_max3A_820 = vector.broadcast %reduce_max3A_819 : i32 to vector<16xi32>
      %reduce_max3A_821 = arith.xori %select_n3A_816, %reduce_max3A_820 : vector<16xi32>
      %reduce_max3A_822 = tpu.scan <max>, %reduce_max3A_821 masked %reduce_max3A_818 : vector<16xi32>, vector<16xi1> -> vector<16xi32>
      %reduce_max3A_823 = arith.xori %reduce_max3A_822, %reduce_max3A_820 : vector<16xi32>
      %reduce_max3A_824 = vector.extract %reduce_max3A_823[15] : i32 from vector<16xi32>
      %broadcast_in_dim3A_825 = arith.constant 1 : i32
      %broadcast_in_dim3A_826 = vector.broadcast %broadcast_in_dim3A_825 : i32 to vector<16xi32>
      %and3A_827 = arith.constant 127 : i32
      %and3A_828 = arith.andi %reduce_max3A_824, %and3A_827 : i32
      %mul3A_829 = vector.broadcast %and3A_828 : i32 to vector<16xi32>
      %mul3A_830 = arith.muli %broadcast_in_dim3A_826, %mul3A_829 : vector<16xi32>
      %gather3A_831 = arith.constant 4 : i32
      %gather3A_832 = arith.constant 0 : i32
      %gather3A_833 = arith.constant 0 : i32
      %gather3A_834 = tpu.memref_slice %arg6[%gather3A_831, %gather3A_832, %gather3A_833] : memref<16x32x128xf32, #tpu.memory_space<vmem>> -> memref<1x32x128xf32, #tpu.memory_space<vmem>>
      %gather3A_835 = tpu.memref_squeeze %gather3A_834 : memref<1x32x128xf32, #tpu.memory_space<vmem>> -> memref<32x128xf32, #tpu.memory_space<vmem>>
      %gather3A_836 = tpu.vector_load_idx %gather3A_835[%iota3A, %mul3A_830] : memref<32x128xf32, #tpu.memory_space<vmem>>[vector<16xi32>, vector<16xi32>], vector<16xf32>,
      %add3A_837 = arith.constant 16 : i32
      %add3A_838 = vector.broadcast %add3A_837 : i32 to vector<16xi32>
      %add3A_839 = arith.addi %iota3A, %add3A_838 : vector<16xi32>
      %gather3A_840 = arith.constant 4 : i32
      %gather3A_841 = arith.constant 0 : i32
      %gather3A_842 = arith.constant 0 : i32
      %gather3A_843 = tpu.memref_slice %arg6[%gather3A_840, %gather3A_841, %gather3A_842] : memref<16x32x128xf32, #tpu.memory_space<vmem>> -> memref<1x32x128xf32, #tpu.memory_space<vmem>>
      %gather3A_844 = tpu.memref_squeeze %gather3A_843 : memref<1x32x128xf32, #tpu.memory_space<vmem>> -> memref<32x128xf32, #tpu.memory_space<vmem>>
      %gather3A_845 = tpu.vector_load_idx %gather3A_844[%add3A_839, %mul3A_830] : memref<32x128xf32, #tpu.memory_space<vmem>>[vector<16xi32>, vector<16xi32>], vector<16xf32>,
      %mul3A_846 = arith.constant 32 : i32
      %mul3A_847 = arith.muli %add3A_795, %mul3A_846 : i32
      %swap3A_848 = arith.index_cast %mul3A_847 : i32 to index
      %swap3A_849 = tpu.vector_load %arg7[%swap3A_848] {strides = array<i32>} : memref<16384xf32, #tpu.memory_space<vmem>>, vector<16xf32>,
      tpu.vector_store %arg7[%swap3A_848], %gather3A_836 {strides = array<i32>} : memref<16384xf32, #tpu.memory_space<vmem>>, vector<16xf32>,
      %mul3A_850 = arith.constant 32 : i32
      %mul3A_851 = arith.muli %add3A_795, %mul3A_850 : i32
      %add3A_852 = arith.constant 16 : i32
      %add3A_853 = arith.addi %mul3A_851, %add3A_852 : i32
      %swap3A_854 = arith.index_cast %add3A_853 : i32 to index
      %swap3A_855 = tpu.vector_load %arg7[%swap3A_854] {strides = array<i32>} : memref<16384xf32, #tpu.memory_space<vmem>>, vector<16xf32>,
      tpu.vector_store %arg7[%swap3A_854], %gather3A_845 {strides = array<i32>} : memref<16384xf32, #tpu.memory_space<vmem>>, vector<16xf32>,
      %lt3A_856 = arith.constant 31 : i32
      %lt3A_857 = arith.cmpi slt, %scan3A_514, %lt3A_856 : i32
      %convert_element_type3A_858 = arith.extui %lt3A_857 : i1 to i32
      %cond3A_859 = arith.constant 0 : i32
      %cond3A_860 = arith.cmpi ne, %convert_element_type3A_858, %cond3A_859 : i32
      scf.if %cond3A_860 {
        %eq3A_1620 = arith.constant 4 : i32
        %eq3A_1621 = vector.broadcast %eq3A_1620 : i32 to vector<16xi32>
        %eq3A_1622 = arith.cmpi eq, %iota3A, %eq3A_1621 : vector<16xi32>
        %jit3A_1623 = arith.constant 0 : i32
        %broadcast_in_dim3A_1624 = vector.broadcast %jit3A_1623 : i32 to vector<16xi32>
        %select_n3A_1625 = arith.select %eq3A_1622, %get3A_522, %broadcast_in_dim3A_1624 : vector<16xi1>, vector<16xi32>
        %reduce_max3A_1626 = arith.constant true
        %reduce_max3A_1627 = vector.broadcast %reduce_max3A_1626 : i1 to vector<16xi1>
        %reduce_max3A_1628 = arith.constant -2147483648 : i32
        %reduce_max3A_1629 = vector.broadcast %reduce_max3A_1628 : i32 to vector<16xi32>
        %reduce_max3A_1630 = arith.xori %select_n3A_1625, %reduce_max3A_1629 : vector<16xi32>
        %reduce_max3A_1631 = tpu.scan <max>, %reduce_max3A_1630 masked %reduce_max3A_1627 : vector<16xi32>, vector<16xi1> -> vector<16xi32>
        %reduce_max3A_1632 = arith.xori %reduce_max3A_1631, %reduce_max3A_1629 : vector<16xi32>
        %reduce_max3A_1633 = vector.extract %reduce_max3A_1632[15] : i32 from vector<16xi32>
        %shift_right_arithmetic3A_1634 = arith.constant 7 : i32
        %shift_right_arithmetic3A_1635 = arith.shrsi %reduce_max3A_1633, %shift_right_arithmetic3A_1634 : i32
        %shift_left3A_1636 = arith.constant 7 : i32
        %shift_left3A_1637 = arith.shli %shift_right_arithmetic3A_1635, %shift_left3A_1636 : i32
        %multiple_of3A_1638 = tpu.assume_multiple %shift_left3A_1637, 128 : i32
        %dma_start3A_1639 = arith.constant 4 : i32
        %dma_start3A_1640 = arith.constant 0 : i32
        %dma_start3A_1641 = arith.constant 0 : i32
        %dma_start3A_1642 = tpu.memref_slice %arg6[%dma_start3A_1639, %dma_start3A_1640, %dma_start3A_1641] : memref<16x32x128xf32, #tpu.memory_space<vmem>> -> memref<1x32x128xf32, #tpu.memory_space<vmem>>
        %dma_start3A_1643 = tpu.memref_squeeze %dma_start3A_1642 : memref<1x32x128xf32, #tpu.memory_space<vmem>> -> memref<32x128xf32, #tpu.memory_space<vmem>>
        %dma_start3A_1644 = arith.constant 0 : i32
        %dma_start3A_1645 = tpu.memref_slice %arg3[%dma_start3A_1644, %multiple_of3A_1638] : memref<32x1000000xf32, #tpu.memory_space<hbm>> -> memref<32x128xf32, #tpu.memory_space<hbm>>
        %dma_start3A_1646 = arith.constant 0 : i32
        %dma_start3A_1647 = arith.constant 0 : i32
        %dma_start3A_1648 = tpu.memref_slice %arg6[%dma_start3A_1639, %dma_start3A_1646, %dma_start3A_1647] : memref<16x32x128xf32, #tpu.memory_space<vmem>> -> memref<1x32x128xf32, #tpu.memory_space<vmem>>
        %dma_start3A_1649 = tpu.memref_squeeze %dma_start3A_1648 : memref<1x32x128xf32, #tpu.memory_space<vmem>> -> memref<32x128xf32, #tpu.memory_space<vmem>>
        %dma_start3A_1650 = arith.constant 0 : i32
        %dma_start3A_1651 = tpu.memref_slice %arg3[%dma_start3A_1650, %multiple_of3A_1638] : memref<32x1000000xf32, #tpu.memory_space<hbm>> -> memref<32x128xf32, #tpu.memory_space<hbm>>
        tpu.enqueue_dma source(%dma_start3A_1651 : memref<32x128xf32, #tpu.memory_space<hbm>>) target(%dma_start3A_1649 : memref<32x128xf32, #tpu.memory_space<vmem>>) target_semaphore(%arg12 : memref<!tpu.dma_semaphore, #tpu.memory_space<semaphore_mem>>)
      } else {
      }
      %mul3A_861 = arith.constant 16 : i32
      %mul3A_862 = arith.muli %scan3A_514, %mul3A_861 : i32
      %add3A_863 = arith.constant 5 : i32
      %add3A_864 = arith.addi %mul3A_862, %add3A_863 : i32
      %dma_wait3A_865 = arith.constant 5 : i32
      %dma_wait3A_866 = arith.constant 0 : i32
      %dma_wait3A_867 = arith.constant 0 : i32
      %dma_wait3A_868 = tpu.memref_slice %arg6[%dma_wait3A_865, %dma_wait3A_866, %dma_wait3A_867] : memref<16x32x128xf32, #tpu.memory_space<vmem>> -> memref<1x32x128xf32, #tpu.memory_space<vmem>>
      %dma_wait3A_869 = tpu.memref_squeeze %dma_wait3A_868 : memref<1x32x128xf32, #tpu.memory_space<vmem>> -> memref<32x128xf32, #tpu.memory_space<vmem>>
      %dma_wait3A_870 = arith.constant 0 : i32
      %dma_wait3A_871 = arith.constant 0 : i32
      %dma_wait3A_872 = tpu.memref_slice %arg3[%dma_wait3A_870, %dma_wait3A_871] : memref<32x1000000xf32, #tpu.memory_space<hbm>> -> memref<32x128xf32, #tpu.memory_space<hbm>>
      %dma_wait3A_873 = arith.constant 0 : i32
      %dma_wait3A_874 = arith.constant 0 : i32
      %dma_wait3A_875 = tpu.memref_slice %arg6[%dma_wait3A_865, %dma_wait3A_873, %dma_wait3A_874] : memref<16x32x128xf32, #tpu.memory_space<vmem>> -> memref<1x32x128xf32, #tpu.memory_space<vmem>>
      %dma_wait3A_876 = tpu.memref_squeeze %dma_wait3A_875 : memref<1x32x128xf32, #tpu.memory_space<vmem>> -> memref<32x128xf32, #tpu.memory_space<vmem>>
      %dma_wait3A_877 = arith.constant 0 : i32
      %dma_wait3A_878 = arith.constant 0 : i32
      %dma_wait3A_879 = tpu.memref_slice %arg3[%dma_wait3A_877, %dma_wait3A_878] : memref<32x1000000xf32, #tpu.memory_space<hbm>> -> memref<32x128xf32, #tpu.memory_space<hbm>>
      tpu.wait_dma2 semaphore(%arg13 : memref<!tpu.dma_semaphore, #tpu.memory_space<semaphore_mem>>) src(%dma_wait3A_879 : memref<32x128xf32, #tpu.memory_space<hbm>>) dst(%dma_wait3A_876 : memref<32x128xf32, #tpu.memory_space<vmem>>)
      %eq3A_880 = arith.constant 5 : i32
      %eq3A_881 = vector.broadcast %eq3A_880 : i32 to vector<16xi32>
      %eq3A_882 = arith.cmpi eq, %iota3A, %eq3A_881 : vector<16xi32>
      %jit3A_883 = arith.constant 0 : i32
      %broadcast_in_dim3A_884 = vector.broadcast %jit3A_883 : i32 to vector<16xi32>
      %select_n3A_885 = arith.select %eq3A_882, %scan3A_515, %broadcast_in_dim3A_884 : vector<16xi1>, vector<16xi32>
      %reduce_max3A_886 = arith.constant true
      %reduce_max3A_887 = vector.broadcast %reduce_max3A_886 : i1 to vector<16xi1>
      %reduce_max3A_888 = arith.constant -2147483648 : i32
      %reduce_max3A_889 = vector.broadcast %reduce_max3A_888 : i32 to vector<16xi32>
      %reduce_max3A_890 = arith.xori %select_n3A_885, %reduce_max3A_889 : vector<16xi32>
      %reduce_max3A_891 = tpu.scan <max>, %reduce_max3A_890 masked %reduce_max3A_887 : vector<16xi32>, vector<16xi1> -> vector<16xi32>
      %reduce_max3A_892 = arith.xori %reduce_max3A_891, %reduce_max3A_889 : vector<16xi32>
      %reduce_max3A_893 = vector.extract %reduce_max3A_892[15] : i32 from vector<16xi32>
      %broadcast_in_dim3A_894 = arith.constant 1 : i32
      %broadcast_in_dim3A_895 = vector.broadcast %broadcast_in_dim3A_894 : i32 to vector<16xi32>
      %and3A_896 = arith.constant 127 : i32
      %and3A_897 = arith.andi %reduce_max3A_893, %and3A_896 : i32
      %mul3A_898 = vector.broadcast %and3A_897 : i32 to vector<16xi32>
      %mul3A_899 = arith.muli %broadcast_in_dim3A_895, %mul3A_898 : vector<16xi32>
      %gather3A_900 = arith.constant 5 : i32
      %gather3A_901 = arith.constant 0 : i32
      %gather3A_902 = arith.constant 0 : i32
      %gather3A_903 = tpu.memref_slice %arg6[%gather3A_900, %gather3A_901, %gather3A_902] : memref<16x32x128xf32, #tpu.memory_space<vmem>> -> memref<1x32x128xf32, #tpu.memory_space<vmem>>
      %gather3A_904 = tpu.memref_squeeze %gather3A_903 : memref<1x32x128xf32, #tpu.memory_space<vmem>> -> memref<32x128xf32, #tpu.memory_space<vmem>>
      %gather3A_905 = tpu.vector_load_idx %gather3A_904[%iota3A, %mul3A_899] : memref<32x128xf32, #tpu.memory_space<vmem>>[vector<16xi32>, vector<16xi32>], vector<16xf32>,
      %add3A_906 = arith.constant 16 : i32
      %add3A_907 = vector.broadcast %add3A_906 : i32 to vector<16xi32>
      %add3A_908 = arith.addi %iota3A, %add3A_907 : vector<16xi32>
      %gather3A_909 = arith.constant 5 : i32
      %gather3A_910 = arith.constant 0 : i32
      %gather3A_911 = arith.constant 0 : i32
      %gather3A_912 = tpu.memref_slice %arg6[%gather3A_909, %gather3A_910, %gather3A_911] : memref<16x32x128xf32, #tpu.memory_space<vmem>> -> memref<1x32x128xf32, #tpu.memory_space<vmem>>
      %gather3A_913 = tpu.memref_squeeze %gather3A_912 : memref<1x32x128xf32, #tpu.memory_space<vmem>> -> memref<32x128xf32, #tpu.memory_space<vmem>>
      %gather3A_914 = tpu.vector_load_idx %gather3A_913[%add3A_908, %mul3A_899] : memref<32x128xf32, #tpu.memory_space<vmem>>[vector<16xi32>, vector<16xi32>], vector<16xf32>,
      %mul3A_915 = arith.constant 32 : i32
      %mul3A_916 = arith.muli %add3A_864, %mul3A_915 : i32
      %swap3A_917 = arith.index_cast %mul3A_916 : i32 to index
      %swap3A_918 = tpu.vector_load %arg7[%swap3A_917] {strides = array<i32>} : memref<16384xf32, #tpu.memory_space<vmem>>, vector<16xf32>,
      tpu.vector_store %arg7[%swap3A_917], %gather3A_905 {strides = array<i32>} : memref<16384xf32, #tpu.memory_space<vmem>>, vector<16xf32>,
      %mul3A_919 = arith.constant 32 : i32
      %mul3A_920 = arith.muli %add3A_864, %mul3A_919 : i32
      %add3A_921 = arith.constant 16 : i32
      %add3A_922 = arith.addi %mul3A_920, %add3A_921 : i32
      %swap3A_923 = arith.index_cast %add3A_922 : i32 to index
      %swap3A_924 = tpu.vector_load %arg7[%swap3A_923] {strides = array<i32>} : memref<16384xf32, #tpu.memory_space<vmem>>, vector<16xf32>,
      tpu.vector_store %arg7[%swap3A_923], %gather3A_914 {strides = array<i32>} : memref<16384xf32, #tpu.memory_space<vmem>>, vector<16xf32>,
      %lt3A_925 = arith.constant 31 : i32
      %lt3A_926 = arith.cmpi slt, %scan3A_514, %lt3A_925 : i32
      %convert_element_type3A_927 = arith.extui %lt3A_926 : i1 to i32
      %cond3A_928 = arith.constant 0 : i32
      %cond3A_929 = arith.cmpi ne, %convert_element_type3A_927, %cond3A_928 : i32
      scf.if %cond3A_929 {
        %eq3A_1620 = arith.constant 5 : i32
        %eq3A_1621 = vector.broadcast %eq3A_1620 : i32 to vector<16xi32>
        %eq3A_1622 = arith.cmpi eq, %iota3A, %eq3A_1621 : vector<16xi32>
        %jit3A_1623 = arith.constant 0 : i32
        %broadcast_in_dim3A_1624 = vector.broadcast %jit3A_1623 : i32 to vector<16xi32>
        %select_n3A_1625 = arith.select %eq3A_1622, %get3A_522, %broadcast_in_dim3A_1624 : vector<16xi1>, vector<16xi32>
        %reduce_max3A_1626 = arith.constant true
        %reduce_max3A_1627 = vector.broadcast %reduce_max3A_1626 : i1 to vector<16xi1>
        %reduce_max3A_1628 = arith.constant -2147483648 : i32
        %reduce_max3A_1629 = vector.broadcast %reduce_max3A_1628 : i32 to vector<16xi32>
        %reduce_max3A_1630 = arith.xori %select_n3A_1625, %reduce_max3A_1629 : vector<16xi32>
        %reduce_max3A_1631 = tpu.scan <max>, %reduce_max3A_1630 masked %reduce_max3A_1627 : vector<16xi32>, vector<16xi1> -> vector<16xi32>
        %reduce_max3A_1632 = arith.xori %reduce_max3A_1631, %reduce_max3A_1629 : vector<16xi32>
        %reduce_max3A_1633 = vector.extract %reduce_max3A_1632[15] : i32 from vector<16xi32>
        %shift_right_arithmetic3A_1634 = arith.constant 7 : i32
        %shift_right_arithmetic3A_1635 = arith.shrsi %reduce_max3A_1633, %shift_right_arithmetic3A_1634 : i32
        %shift_left3A_1636 = arith.constant 7 : i32
        %shift_left3A_1637 = arith.shli %shift_right_arithmetic3A_1635, %shift_left3A_1636 : i32
        %multiple_of3A_1638 = tpu.assume_multiple %shift_left3A_1637, 128 : i32
        %dma_start3A_1639 = arith.constant 5 : i32
        %dma_start3A_1640 = arith.constant 0 : i32
        %dma_start3A_1641 = arith.constant 0 : i32
        %dma_start3A_1642 = tpu.memref_slice %arg6[%dma_start3A_1639, %dma_start3A_1640, %dma_start3A_1641] : memref<16x32x128xf32, #tpu.memory_space<vmem>> -> memref<1x32x128xf32, #tpu.memory_space<vmem>>
        %dma_start3A_1643 = tpu.memref_squeeze %dma_start3A_1642 : memref<1x32x128xf32, #tpu.memory_space<vmem>> -> memref<32x128xf32, #tpu.memory_space<vmem>>
        %dma_start3A_1644 = arith.constant 0 : i32
        %dma_start3A_1645 = tpu.memref_slice %arg3[%dma_start3A_1644, %multiple_of3A_1638] : memref<32x1000000xf32, #tpu.memory_space<hbm>> -> memref<32x128xf32, #tpu.memory_space<hbm>>
        %dma_start3A_1646 = arith.constant 0 : i32
        %dma_start3A_1647 = arith.constant 0 : i32
        %dma_start3A_1648 = tpu.memref_slice %arg6[%dma_start3A_1639, %dma_start3A_1646, %dma_start3A_1647] : memref<16x32x128xf32, #tpu.memory_space<vmem>> -> memref<1x32x128xf32, #tpu.memory_space<vmem>>
        %dma_start3A_1649 = tpu.memref_squeeze %dma_start3A_1648 : memref<1x32x128xf32, #tpu.memory_space<vmem>> -> memref<32x128xf32, #tpu.memory_space<vmem>>
        %dma_start3A_1650 = arith.constant 0 : i32
        %dma_start3A_1651 = tpu.memref_slice %arg3[%dma_start3A_1650, %multiple_of3A_1638] : memref<32x1000000xf32, #tpu.memory_space<hbm>> -> memref<32x128xf32, #tpu.memory_space<hbm>>
        tpu.enqueue_dma source(%dma_start3A_1651 : memref<32x128xf32, #tpu.memory_space<hbm>>) target(%dma_start3A_1649 : memref<32x128xf32, #tpu.memory_space<vmem>>) target_semaphore(%arg13 : memref<!tpu.dma_semaphore, #tpu.memory_space<semaphore_mem>>)
      } else {
      }
      %mul3A_930 = arith.constant 16 : i32
      %mul3A_931 = arith.muli %scan3A_514, %mul3A_930 : i32
      %add3A_932 = arith.constant 6 : i32
      %add3A_933 = arith.addi %mul3A_931, %add3A_932 : i32
      %dma_wait3A_934 = arith.constant 6 : i32
      %dma_wait3A_935 = arith.constant 0 : i32
      %dma_wait3A_936 = arith.constant 0 : i32
      %dma_wait3A_937 = tpu.memref_slice %arg6[%dma_wait3A_934, %dma_wait3A_935, %dma_wait3A_936] : memref<16x32x128xf32, #tpu.memory_space<vmem>> -> memref<1x32x128xf32, #tpu.memory_space<vmem>>
      %dma_wait3A_938 = tpu.memref_squeeze %dma_wait3A_937 : memref<1x32x128xf32, #tpu.memory_space<vmem>> -> memref<32x128xf32, #tpu.memory_space<vmem>>
      %dma_wait3A_939 = arith.constant 0 : i32
      %dma_wait3A_940 = arith.constant 0 : i32
      %dma_wait3A_941 = tpu.memref_slice %arg3[%dma_wait3A_939, %dma_wait3A_940] : memref<32x1000000xf32, #tpu.memory_space<hbm>> -> memref<32x128xf32, #tpu.memory_space<hbm>>
      %dma_wait3A_942 = arith.constant 0 : i32
      %dma_wait3A_943 = arith.constant 0 : i32
      %dma_wait3A_944 = tpu.memref_slice %arg6[%dma_wait3A_934, %dma_wait3A_942, %dma_wait3A_943] : memref<16x32x128xf32, #tpu.memory_space<vmem>> -> memref<1x32x128xf32, #tpu.memory_space<vmem>>
      %dma_wait3A_945 = tpu.memref_squeeze %dma_wait3A_944 : memref<1x32x128xf32, #tpu.memory_space<vmem>> -> memref<32x128xf32, #tpu.memory_space<vmem>>
      %dma_wait3A_946 = arith.constant 0 : i32
      %dma_wait3A_947 = arith.constant 0 : i32
      %dma_wait3A_948 = tpu.memref_slice %arg3[%dma_wait3A_946, %dma_wait3A_947] : memref<32x1000000xf32, #tpu.memory_space<hbm>> -> memref<32x128xf32, #tpu.memory_space<hbm>>
      tpu.wait_dma2 semaphore(%arg14 : memref<!tpu.dma_semaphore, #tpu.memory_space<semaphore_mem>>) src(%dma_wait3A_948 : memref<32x128xf32, #tpu.memory_space<hbm>>) dst(%dma_wait3A_945 : memref<32x128xf32, #tpu.memory_space<vmem>>)
      %eq3A_949 = arith.constant 6 : i32
      %eq3A_950 = vector.broadcast %eq3A_949 : i32 to vector<16xi32>
      %eq3A_951 = arith.cmpi eq, %iota3A, %eq3A_950 : vector<16xi32>
      %jit3A_952 = arith.constant 0 : i32
      %broadcast_in_dim3A_953 = vector.broadcast %jit3A_952 : i32 to vector<16xi32>
      %select_n3A_954 = arith.select %eq3A_951, %scan3A_515, %broadcast_in_dim3A_953 : vector<16xi1>, vector<16xi32>
      %reduce_max3A_955 = arith.constant true
      %reduce_max3A_956 = vector.broadcast %reduce_max3A_955 : i1 to vector<16xi1>
      %reduce_max3A_957 = arith.constant -2147483648 : i32
      %reduce_max3A_958 = vector.broadcast %reduce_max3A_957 : i32 to vector<16xi32>
      %reduce_max3A_959 = arith.xori %select_n3A_954, %reduce_max3A_958 : vector<16xi32>
      %reduce_max3A_960 = tpu.scan <max>, %reduce_max3A_959 masked %reduce_max3A_956 : vector<16xi32>, vector<16xi1> -> vector<16xi32>
      %reduce_max3A_961 = arith.xori %reduce_max3A_960, %reduce_max3A_958 : vector<16xi32>
      %reduce_max3A_962 = vector.extract %reduce_max3A_961[15] : i32 from vector<16xi32>
      %broadcast_in_dim3A_963 = arith.constant 1 : i32
      %broadcast_in_dim3A_964 = vector.broadcast %broadcast_in_dim3A_963 : i32 to vector<16xi32>
      %and3A_965 = arith.constant 127 : i32
      %and3A_966 = arith.andi %reduce_max3A_962, %and3A_965 : i32
      %mul3A_967 = vector.broadcast %and3A_966 : i32 to vector<16xi32>
      %mul3A_968 = arith.muli %broadcast_in_dim3A_964, %mul3A_967 : vector<16xi32>
      %gather3A_969 = arith.constant 6 : i32
      %gather3A_970 = arith.constant 0 : i32
      %gather3A_971 = arith.constant 0 : i32
      %gather3A_972 = tpu.memref_slice %arg6[%gather3A_969, %gather3A_970, %gather3A_971] : memref<16x32x128xf32, #tpu.memory_space<vmem>> -> memref<1x32x128xf32, #tpu.memory_space<vmem>>
      %gather3A_973 = tpu.memref_squeeze %gather3A_972 : memref<1x32x128xf32, #tpu.memory_space<vmem>> -> memref<32x128xf32, #tpu.memory_space<vmem>>
      %gather3A_974 = tpu.vector_load_idx %gather3A_973[%iota3A, %mul3A_968] : memref<32x128xf32, #tpu.memory_space<vmem>>[vector<16xi32>, vector<16xi32>], vector<16xf32>,
      %add3A_975 = arith.constant 16 : i32
      %add3A_976 = vector.broadcast %add3A_975 : i32 to vector<16xi32>
      %add3A_977 = arith.addi %iota3A, %add3A_976 : vector<16xi32>
      %gather3A_978 = arith.constant 6 : i32
      %gather3A_979 = arith.constant 0 : i32
      %gather3A_980 = arith.constant 0 : i32
      %gather3A_981 = tpu.memref_slice %arg6[%gather3A_978, %gather3A_979, %gather3A_980] : memref<16x32x128xf32, #tpu.memory_space<vmem>> -> memref<1x32x128xf32, #tpu.memory_space<vmem>>
      %gather3A_982 = tpu.memref_squeeze %gather3A_981 : memref<1x32x128xf32, #tpu.memory_space<vmem>> -> memref<32x128xf32, #tpu.memory_space<vmem>>
      %gather3A_983 = tpu.vector_load_idx %gather3A_982[%add3A_977, %mul3A_968] : memref<32x128xf32, #tpu.memory_space<vmem>>[vector<16xi32>, vector<16xi32>], vector<16xf32>,
      %mul3A_984 = arith.constant 32 : i32
      %mul3A_985 = arith.muli %add3A_933, %mul3A_984 : i32
      %swap3A_986 = arith.index_cast %mul3A_985 : i32 to index
      %swap3A_987 = tpu.vector_load %arg7[%swap3A_986] {strides = array<i32>} : memref<16384xf32, #tpu.memory_space<vmem>>, vector<16xf32>,
      tpu.vector_store %arg7[%swap3A_986], %gather3A_974 {strides = array<i32>} : memref<16384xf32, #tpu.memory_space<vmem>>, vector<16xf32>,
      %mul3A_988 = arith.constant 32 : i32
      %mul3A_989 = arith.muli %add3A_933, %mul3A_988 : i32
      %add3A_990 = arith.constant 16 : i32
      %add3A_991 = arith.addi %mul3A_989, %add3A_990 : i32
      %swap3A_992 = arith.index_cast %add3A_991 : i32 to index
      %swap3A_993 = tpu.vector_load %arg7[%swap3A_992] {strides = array<i32>} : memref<16384xf32, #tpu.memory_space<vmem>>, vector<16xf32>,
      tpu.vector_store %arg7[%swap3A_992], %gather3A_983 {strides = array<i32>} : memref<16384xf32, #tpu.memory_space<vmem>>, vector<16xf32>,
      %lt3A_994 = arith.constant 31 : i32
      %lt3A_995 = arith.cmpi slt, %scan3A_514, %lt3A_994 : i32
      %convert_element_type3A_996 = arith.extui %lt3A_995 : i1 to i32
      %cond3A_997 = arith.constant 0 : i32
      %cond3A_998 = arith.cmpi ne, %convert_element_type3A_996, %cond3A_997 : i32
      scf.if %cond3A_998 {
        %eq3A_1620 = arith.constant 6 : i32
        %eq3A_1621 = vector.broadcast %eq3A_1620 : i32 to vector<16xi32>
        %eq3A_1622 = arith.cmpi eq, %iota3A, %eq3A_1621 : vector<16xi32>
        %jit3A_1623 = arith.constant 0 : i32
        %broadcast_in_dim3A_1624 = vector.broadcast %jit3A_1623 : i32 to vector<16xi32>
        %select_n3A_1625 = arith.select %eq3A_1622, %get3A_522, %broadcast_in_dim3A_1624 : vector<16xi1>, vector<16xi32>
        %reduce_max3A_1626 = arith.constant true
        %reduce_max3A_1627 = vector.broadcast %reduce_max3A_1626 : i1 to vector<16xi1>
        %reduce_max3A_1628 = arith.constant -2147483648 : i32
        %reduce_max3A_1629 = vector.broadcast %reduce_max3A_1628 : i32 to vector<16xi32>
        %reduce_max3A_1630 = arith.xori %select_n3A_1625, %reduce_max3A_1629 : vector<16xi32>
        %reduce_max3A_1631 = tpu.scan <max>, %reduce_max3A_1630 masked %reduce_max3A_1627 : vector<16xi32>, vector<16xi1> -> vector<16xi32>
        %reduce_max3A_1632 = arith.xori %reduce_max3A_1631, %reduce_max3A_1629 : vector<16xi32>
        %reduce_max3A_1633 = vector.extract %reduce_max3A_1632[15] : i32 from vector<16xi32>
        %shift_right_arithmetic3A_1634 = arith.constant 7 : i32
        %shift_right_arithmetic3A_1635 = arith.shrsi %reduce_max3A_1633, %shift_right_arithmetic3A_1634 : i32
        %shift_left3A_1636 = arith.constant 7 : i32
        %shift_left3A_1637 = arith.shli %shift_right_arithmetic3A_1635, %shift_left3A_1636 : i32
        %multiple_of3A_1638 = tpu.assume_multiple %shift_left3A_1637, 128 : i32
        %dma_start3A_1639 = arith.constant 6 : i32
        %dma_start3A_1640 = arith.constant 0 : i32
        %dma_start3A_1641 = arith.constant 0 : i32
        %dma_start3A_1642 = tpu.memref_slice %arg6[%dma_start3A_1639, %dma_start3A_1640, %dma_start3A_1641] : memref<16x32x128xf32, #tpu.memory_space<vmem>> -> memref<1x32x128xf32, #tpu.memory_space<vmem>>
        %dma_start3A_1643 = tpu.memref_squeeze %dma_start3A_1642 : memref<1x32x128xf32, #tpu.memory_space<vmem>> -> memref<32x128xf32, #tpu.memory_space<vmem>>
        %dma_start3A_1644 = arith.constant 0 : i32
        %dma_start3A_1645 = tpu.memref_slice %arg3[%dma_start3A_1644, %multiple_of3A_1638] : memref<32x1000000xf32, #tpu.memory_space<hbm>> -> memref<32x128xf32, #tpu.memory_space<hbm>>
        %dma_start3A_1646 = arith.constant 0 : i32
        %dma_start3A_1647 = arith.constant 0 : i32
        %dma_start3A_1648 = tpu.memref_slice %arg6[%dma_start3A_1639, %dma_start3A_1646, %dma_start3A_1647] : memref<16x32x128xf32, #tpu.memory_space<vmem>> -> memref<1x32x128xf32, #tpu.memory_space<vmem>>
        %dma_start3A_1649 = tpu.memref_squeeze %dma_start3A_1648 : memref<1x32x128xf32, #tpu.memory_space<vmem>> -> memref<32x128xf32, #tpu.memory_space<vmem>>
        %dma_start3A_1650 = arith.constant 0 : i32
        %dma_start3A_1651 = tpu.memref_slice %arg3[%dma_start3A_1650, %multiple_of3A_1638] : memref<32x1000000xf32, #tpu.memory_space<hbm>> -> memref<32x128xf32, #tpu.memory_space<hbm>>
        tpu.enqueue_dma source(%dma_start3A_1651 : memref<32x128xf32, #tpu.memory_space<hbm>>) target(%dma_start3A_1649 : memref<32x128xf32, #tpu.memory_space<vmem>>) target_semaphore(%arg14 : memref<!tpu.dma_semaphore, #tpu.memory_space<semaphore_mem>>)
      } else {
      }
      %mul3A_999 = arith.constant 16 : i32
      %mul3A_1000 = arith.muli %scan3A_514, %mul3A_999 : i32
      %add3A_1001 = arith.constant 7 : i32
      %add3A_1002 = arith.addi %mul3A_1000, %add3A_1001 : i32
      %dma_wait3A_1003 = arith.constant 7 : i32
      %dma_wait3A_1004 = arith.constant 0 : i32
      %dma_wait3A_1005 = arith.constant 0 : i32
      %dma_wait3A_1006 = tpu.memref_slice %arg6[%dma_wait3A_1003, %dma_wait3A_1004, %dma_wait3A_1005] : memref<16x32x128xf32, #tpu.memory_space<vmem>> -> memref<1x32x128xf32, #tpu.memory_space<vmem>>
      %dma_wait3A_1007 = tpu.memref_squeeze %dma_wait3A_1006 : memref<1x32x128xf32, #tpu.memory_space<vmem>> -> memref<32x128xf32, #tpu.memory_space<vmem>>
      %dma_wait3A_1008 = arith.constant 0 : i32
      %dma_wait3A_1009 = arith.constant 0 : i32
      %dma_wait3A_1010 = tpu.memref_slice %arg3[%dma_wait3A_1008, %dma_wait3A_1009] : memref<32x1000000xf32, #tpu.memory_space<hbm>> -> memref<32x128xf32, #tpu.memory_space<hbm>>
      %dma_wait3A_1011 = arith.constant 0 : i32
      %dma_wait3A_1012 = arith.constant 0 : i32
      %dma_wait3A_1013 = tpu.memref_slice %arg6[%dma_wait3A_1003, %dma_wait3A_1011, %dma_wait3A_1012] : memref<16x32x128xf32, #tpu.memory_space<vmem>> -> memref<1x32x128xf32, #tpu.memory_space<vmem>>
      %dma_wait3A_1014 = tpu.memref_squeeze %dma_wait3A_1013 : memref<1x32x128xf32, #tpu.memory_space<vmem>> -> memref<32x128xf32, #tpu.memory_space<vmem>>
      %dma_wait3A_1015 = arith.constant 0 : i32
      %dma_wait3A_1016 = arith.constant 0 : i32
      %dma_wait3A_1017 = tpu.memref_slice %arg3[%dma_wait3A_1015, %dma_wait3A_1016] : memref<32x1000000xf32, #tpu.memory_space<hbm>> -> memref<32x128xf32, #tpu.memory_space<hbm>>
      tpu.wait_dma2 semaphore(%arg15 : memref<!tpu.dma_semaphore, #tpu.memory_space<semaphore_mem>>) src(%dma_wait3A_1017 : memref<32x128xf32, #tpu.memory_space<hbm>>) dst(%dma_wait3A_1014 : memref<32x128xf32, #tpu.memory_space<vmem>>)
      %eq3A_1018 = arith.constant 7 : i32
      %eq3A_1019 = vector.broadcast %eq3A_1018 : i32 to vector<16xi32>
      %eq3A_1020 = arith.cmpi eq, %iota3A, %eq3A_1019 : vector<16xi32>
      %jit3A_1021 = arith.constant 0 : i32
      %broadcast_in_dim3A_1022 = vector.broadcast %jit3A_1021 : i32 to vector<16xi32>
      %select_n3A_1023 = arith.select %eq3A_1020, %scan3A_515, %broadcast_in_dim3A_1022 : vector<16xi1>, vector<16xi32>
      %reduce_max3A_1024 = arith.constant true
      %reduce_max3A_1025 = vector.broadcast %reduce_max3A_1024 : i1 to vector<16xi1>
      %reduce_max3A_1026 = arith.constant -2147483648 : i32
      %reduce_max3A_1027 = vector.broadcast %reduce_max3A_1026 : i32 to vector<16xi32>
      %reduce_max3A_1028 = arith.xori %select_n3A_1023, %reduce_max3A_1027 : vector<16xi32>
      %reduce_max3A_1029 = tpu.scan <max>, %reduce_max3A_1028 masked %reduce_max3A_1025 : vector<16xi32>, vector<16xi1> -> vector<16xi32>
      %reduce_max3A_1030 = arith.xori %reduce_max3A_1029, %reduce_max3A_1027 : vector<16xi32>
      %reduce_max3A_1031 = vector.extract %reduce_max3A_1030[15] : i32 from vector<16xi32>
      %broadcast_in_dim3A_1032 = arith.constant 1 : i32
      %broadcast_in_dim3A_1033 = vector.broadcast %broadcast_in_dim3A_1032 : i32 to vector<16xi32>
      %and3A_1034 = arith.constant 127 : i32
      %and3A_1035 = arith.andi %reduce_max3A_1031, %and3A_1034 : i32
      %mul3A_1036 = vector.broadcast %and3A_1035 : i32 to vector<16xi32>
      %mul3A_1037 = arith.muli %broadcast_in_dim3A_1033, %mul3A_1036 : vector<16xi32>
      %gather3A_1038 = arith.constant 7 : i32
      %gather3A_1039 = arith.constant 0 : i32
      %gather3A_1040 = arith.constant 0 : i32
      %gather3A_1041 = tpu.memref_slice %arg6[%gather3A_1038, %gather3A_1039, %gather3A_1040] : memref<16x32x128xf32, #tpu.memory_space<vmem>> -> memref<1x32x128xf32, #tpu.memory_space<vmem>>
      %gather3A_1042 = tpu.memref_squeeze %gather3A_1041 : memref<1x32x128xf32, #tpu.memory_space<vmem>> -> memref<32x128xf32, #tpu.memory_space<vmem>>
      %gather3A_1043 = tpu.vector_load_idx %gather3A_1042[%iota3A, %mul3A_1037] : memref<32x128xf32, #tpu.memory_space<vmem>>[vector<16xi32>, vector<16xi32>], vector<16xf32>,
      %add3A_1044 = arith.constant 16 : i32
      %add3A_1045 = vector.broadcast %add3A_1044 : i32 to vector<16xi32>
      %add3A_1046 = arith.addi %iota3A, %add3A_1045 : vector<16xi32>
      %gather3A_1047 = arith.constant 7 : i32
      %gather3A_1048 = arith.constant 0 : i32
      %gather3A_1049 = arith.constant 0 : i32
      %gather3A_1050 = tpu.memref_slice %arg6[%gather3A_1047, %gather3A_1048, %gather3A_1049] : memref<16x32x128xf32, #tpu.memory_space<vmem>> -> memref<1x32x128xf32, #tpu.memory_space<vmem>>
      %gather3A_1051 = tpu.memref_squeeze %gather3A_1050 : memref<1x32x128xf32, #tpu.memory_space<vmem>> -> memref<32x128xf32, #tpu.memory_space<vmem>>
      %gather3A_1052 = tpu.vector_load_idx %gather3A_1051[%add3A_1046, %mul3A_1037] : memref<32x128xf32, #tpu.memory_space<vmem>>[vector<16xi32>, vector<16xi32>], vector<16xf32>,
      %mul3A_1053 = arith.constant 32 : i32
      %mul3A_1054 = arith.muli %add3A_1002, %mul3A_1053 : i32
      %swap3A_1055 = arith.index_cast %mul3A_1054 : i32 to index
      %swap3A_1056 = tpu.vector_load %arg7[%swap3A_1055] {strides = array<i32>} : memref<16384xf32, #tpu.memory_space<vmem>>, vector<16xf32>,
      tpu.vector_store %arg7[%swap3A_1055], %gather3A_1043 {strides = array<i32>} : memref<16384xf32, #tpu.memory_space<vmem>>, vector<16xf32>,
      %mul3A_1057 = arith.constant 32 : i32
      %mul3A_1058 = arith.muli %add3A_1002, %mul3A_1057 : i32
      %add3A_1059 = arith.constant 16 : i32
      %add3A_1060 = arith.addi %mul3A_1058, %add3A_1059 : i32
      %swap3A_1061 = arith.index_cast %add3A_1060 : i32 to index
      %swap3A_1062 = tpu.vector_load %arg7[%swap3A_1061] {strides = array<i32>} : memref<16384xf32, #tpu.memory_space<vmem>>, vector<16xf32>,
      tpu.vector_store %arg7[%swap3A_1061], %gather3A_1052 {strides = array<i32>} : memref<16384xf32, #tpu.memory_space<vmem>>, vector<16xf32>,
      %lt3A_1063 = arith.constant 31 : i32
      %lt3A_1064 = arith.cmpi slt, %scan3A_514, %lt3A_1063 : i32
      %convert_element_type3A_1065 = arith.extui %lt3A_1064 : i1 to i32
      %cond3A_1066 = arith.constant 0 : i32
      %cond3A_1067 = arith.cmpi ne, %convert_element_type3A_1065, %cond3A_1066 : i32
      scf.if %cond3A_1067 {
        %eq3A_1620 = arith.constant 7 : i32
        %eq3A_1621 = vector.broadcast %eq3A_1620 : i32 to vector<16xi32>
        %eq3A_1622 = arith.cmpi eq, %iota3A, %eq3A_1621 : vector<16xi32>
        %jit3A_1623 = arith.constant 0 : i32
        %broadcast_in_dim3A_1624 = vector.broadcast %jit3A_1623 : i32 to vector<16xi32>
        %select_n3A_1625 = arith.select %eq3A_1622, %get3A_522, %broadcast_in_dim3A_1624 : vector<16xi1>, vector<16xi32>
        %reduce_max3A_1626 = arith.constant true
        %reduce_max3A_1627 = vector.broadcast %reduce_max3A_1626 : i1 to vector<16xi1>
        %reduce_max3A_1628 = arith.constant -2147483648 : i32
        %reduce_max3A_1629 = vector.broadcast %reduce_max3A_1628 : i32 to vector<16xi32>
        %reduce_max3A_1630 = arith.xori %select_n3A_1625, %reduce_max3A_1629 : vector<16xi32>
        %reduce_max3A_1631 = tpu.scan <max>, %reduce_max3A_1630 masked %reduce_max3A_1627 : vector<16xi32>, vector<16xi1> -> vector<16xi32>
        %reduce_max3A_1632 = arith.xori %reduce_max3A_1631, %reduce_max3A_1629 : vector<16xi32>
        %reduce_max3A_1633 = vector.extract %reduce_max3A_1632[15] : i32 from vector<16xi32>
        %shift_right_arithmetic3A_1634 = arith.constant 7 : i32
        %shift_right_arithmetic3A_1635 = arith.shrsi %reduce_max3A_1633, %shift_right_arithmetic3A_1634 : i32
        %shift_left3A_1636 = arith.constant 7 : i32
        %shift_left3A_1637 = arith.shli %shift_right_arithmetic3A_1635, %shift_left3A_1636 : i32
        %multiple_of3A_1638 = tpu.assume_multiple %shift_left3A_1637, 128 : i32
        %dma_start3A_1639 = arith.constant 7 : i32
        %dma_start3A_1640 = arith.constant 0 : i32
        %dma_start3A_1641 = arith.constant 0 : i32
        %dma_start3A_1642 = tpu.memref_slice %arg6[%dma_start3A_1639, %dma_start3A_1640, %dma_start3A_1641] : memref<16x32x128xf32, #tpu.memory_space<vmem>> -> memref<1x32x128xf32, #tpu.memory_space<vmem>>
        %dma_start3A_1643 = tpu.memref_squeeze %dma_start3A_1642 : memref<1x32x128xf32, #tpu.memory_space<vmem>> -> memref<32x128xf32, #tpu.memory_space<vmem>>
        %dma_start3A_1644 = arith.constant 0 : i32
        %dma_start3A_1645 = tpu.memref_slice %arg3[%dma_start3A_1644, %multiple_of3A_1638] : memref<32x1000000xf32, #tpu.memory_space<hbm>> -> memref<32x128xf32, #tpu.memory_space<hbm>>
        %dma_start3A_1646 = arith.constant 0 : i32
        %dma_start3A_1647 = arith.constant 0 : i32
        %dma_start3A_1648 = tpu.memref_slice %arg6[%dma_start3A_1639, %dma_start3A_1646, %dma_start3A_1647] : memref<16x32x128xf32, #tpu.memory_space<vmem>> -> memref<1x32x128xf32, #tpu.memory_space<vmem>>
        %dma_start3A_1649 = tpu.memref_squeeze %dma_start3A_1648 : memref<1x32x128xf32, #tpu.memory_space<vmem>> -> memref<32x128xf32, #tpu.memory_space<vmem>>
        %dma_start3A_1650 = arith.constant 0 : i32
        %dma_start3A_1651 = tpu.memref_slice %arg3[%dma_start3A_1650, %multiple_of3A_1638] : memref<32x1000000xf32, #tpu.memory_space<hbm>> -> memref<32x128xf32, #tpu.memory_space<hbm>>
        tpu.enqueue_dma source(%dma_start3A_1651 : memref<32x128xf32, #tpu.memory_space<hbm>>) target(%dma_start3A_1649 : memref<32x128xf32, #tpu.memory_space<vmem>>) target_semaphore(%arg15 : memref<!tpu.dma_semaphore, #tpu.memory_space<semaphore_mem>>)
      } else {
      }
      %mul3A_1068 = arith.constant 16 : i32
      %mul3A_1069 = arith.muli %scan3A_514, %mul3A_1068 : i32
      %add3A_1070 = arith.constant 8 : i32
      %add3A_1071 = arith.addi %mul3A_1069, %add3A_1070 : i32
      %dma_wait3A_1072 = arith.constant 8 : i32
      %dma_wait3A_1073 = arith.constant 0 : i32
      %dma_wait3A_1074 = arith.constant 0 : i32
      %dma_wait3A_1075 = tpu.memref_slice %arg6[%dma_wait3A_1072, %dma_wait3A_1073, %dma_wait3A_1074] : memref<16x32x128xf32, #tpu.memory_space<vmem>> -> memref<1x32x128xf32, #tpu.memory_space<vmem>>
      %dma_wait3A_1076 = tpu.memref_squeeze %dma_wait3A_1075 : memref<1x32x128xf32, #tpu.memory_space<vmem>> -> memref<32x128xf32, #tpu.memory_space<vmem>>
      %dma_wait3A_1077 = arith.constant 0 : i32
      %dma_wait3A_1078 = arith.constant 0 : i32
      %dma_wait3A_1079 = tpu.memref_slice %arg3[%dma_wait3A_1077, %dma_wait3A_1078] : memref<32x1000000xf32, #tpu.memory_space<hbm>> -> memref<32x128xf32, #tpu.memory_space<hbm>>
      %dma_wait3A_1080 = arith.constant 0 : i32
      %dma_wait3A_1081 = arith.constant 0 : i32
      %dma_wait3A_1082 = tpu.memref_slice %arg6[%dma_wait3A_1072, %dma_wait3A_1080, %dma_wait3A_1081] : memref<16x32x128xf32, #tpu.memory_space<vmem>> -> memref<1x32x128xf32, #tpu.memory_space<vmem>>
      %dma_wait3A_1083 = tpu.memref_squeeze %dma_wait3A_1082 : memref<1x32x128xf32, #tpu.memory_space<vmem>> -> memref<32x128xf32, #tpu.memory_space<vmem>>
      %dma_wait3A_1084 = arith.constant 0 : i32
      %dma_wait3A_1085 = arith.constant 0 : i32
      %dma_wait3A_1086 = tpu.memref_slice %arg3[%dma_wait3A_1084, %dma_wait3A_1085] : memref<32x1000000xf32, #tpu.memory_space<hbm>> -> memref<32x128xf32, #tpu.memory_space<hbm>>
      tpu.wait_dma2 semaphore(%arg16 : memref<!tpu.dma_semaphore, #tpu.memory_space<semaphore_mem>>) src(%dma_wait3A_1086 : memref<32x128xf32, #tpu.memory_space<hbm>>) dst(%dma_wait3A_1083 : memref<32x128xf32, #tpu.memory_space<vmem>>)
      %eq3A_1087 = arith.constant 8 : i32
      %eq3A_1088 = vector.broadcast %eq3A_1087 : i32 to vector<16xi32>
      %eq3A_1089 = arith.cmpi eq, %iota3A, %eq3A_1088 : vector<16xi32>
      %jit3A_1090 = arith.constant 0 : i32
      %broadcast_in_dim3A_1091 = vector.broadcast %jit3A_1090 : i32 to vector<16xi32>
      %select_n3A_1092 = arith.select %eq3A_1089, %scan3A_515, %broadcast_in_dim3A_1091 : vector<16xi1>, vector<16xi32>
      %reduce_max3A_1093 = arith.constant true
      %reduce_max3A_1094 = vector.broadcast %reduce_max3A_1093 : i1 to vector<16xi1>
      %reduce_max3A_1095 = arith.constant -2147483648 : i32
      %reduce_max3A_1096 = vector.broadcast %reduce_max3A_1095 : i32 to vector<16xi32>
      %reduce_max3A_1097 = arith.xori %select_n3A_1092, %reduce_max3A_1096 : vector<16xi32>
      %reduce_max3A_1098 = tpu.scan <max>, %reduce_max3A_1097 masked %reduce_max3A_1094 : vector<16xi32>, vector<16xi1> -> vector<16xi32>
      %reduce_max3A_1099 = arith.xori %reduce_max3A_1098, %reduce_max3A_1096 : vector<16xi32>
      %reduce_max3A_1100 = vector.extract %reduce_max3A_1099[15] : i32 from vector<16xi32>
      %broadcast_in_dim3A_1101 = arith.constant 1 : i32
      %broadcast_in_dim3A_1102 = vector.broadcast %broadcast_in_dim3A_1101 : i32 to vector<16xi32>
      %and3A_1103 = arith.constant 127 : i32
      %and3A_1104 = arith.andi %reduce_max3A_1100, %and3A_1103 : i32
      %mul3A_1105 = vector.broadcast %and3A_1104 : i32 to vector<16xi32>
      %mul3A_1106 = arith.muli %broadcast_in_dim3A_1102, %mul3A_1105 : vector<16xi32>
      %gather3A_1107 = arith.constant 8 : i32
      %gather3A_1108 = arith.constant 0 : i32
      %gather3A_1109 = arith.constant 0 : i32
      %gather3A_1110 = tpu.memref_slice %arg6[%gather3A_1107, %gather3A_1108, %gather3A_1109] : memref<16x32x128xf32, #tpu.memory_space<vmem>> -> memref<1x32x128xf32, #tpu.memory_space<vmem>>
      %gather3A_1111 = tpu.memref_squeeze %gather3A_1110 : memref<1x32x128xf32, #tpu.memory_space<vmem>> -> memref<32x128xf32, #tpu.memory_space<vmem>>
      %gather3A_1112 = tpu.vector_load_idx %gather3A_1111[%iota3A, %mul3A_1106] : memref<32x128xf32, #tpu.memory_space<vmem>>[vector<16xi32>, vector<16xi32>], vector<16xf32>,
      %add3A_1113 = arith.constant 16 : i32
      %add3A_1114 = vector.broadcast %add3A_1113 : i32 to vector<16xi32>
      %add3A_1115 = arith.addi %iota3A, %add3A_1114 : vector<16xi32>
      %gather3A_1116 = arith.constant 8 : i32
      %gather3A_1117 = arith.constant 0 : i32
      %gather3A_1118 = arith.constant 0 : i32
      %gather3A_1119 = tpu.memref_slice %arg6[%gather3A_1116, %gather3A_1117, %gather3A_1118] : memref<16x32x128xf32, #tpu.memory_space<vmem>> -> memref<1x32x128xf32, #tpu.memory_space<vmem>>
      %gather3A_1120 = tpu.memref_squeeze %gather3A_1119 : memref<1x32x128xf32, #tpu.memory_space<vmem>> -> memref<32x128xf32, #tpu.memory_space<vmem>>
      %gather3A_1121 = tpu.vector_load_idx %gather3A_1120[%add3A_1115, %mul3A_1106] : memref<32x128xf32, #tpu.memory_space<vmem>>[vector<16xi32>, vector<16xi32>], vector<16xf32>,
      %mul3A_1122 = arith.constant 32 : i32
      %mul3A_1123 = arith.muli %add3A_1071, %mul3A_1122 : i32
      %swap3A_1124 = arith.index_cast %mul3A_1123 : i32 to index
      %swap3A_1125 = tpu.vector_load %arg7[%swap3A_1124] {strides = array<i32>} : memref<16384xf32, #tpu.memory_space<vmem>>, vector<16xf32>,
      tpu.vector_store %arg7[%swap3A_1124], %gather3A_1112 {strides = array<i32>} : memref<16384xf32, #tpu.memory_space<vmem>>, vector<16xf32>,
      %mul3A_1126 = arith.constant 32 : i32
      %mul3A_1127 = arith.muli %add3A_1071, %mul3A_1126 : i32
      %add3A_1128 = arith.constant 16 : i32
      %add3A_1129 = arith.addi %mul3A_1127, %add3A_1128 : i32
      %swap3A_1130 = arith.index_cast %add3A_1129 : i32 to index
      %swap3A_1131 = tpu.vector_load %arg7[%swap3A_1130] {strides = array<i32>} : memref<16384xf32, #tpu.memory_space<vmem>>, vector<16xf32>,
      tpu.vector_store %arg7[%swap3A_1130], %gather3A_1121 {strides = array<i32>} : memref<16384xf32, #tpu.memory_space<vmem>>, vector<16xf32>,
      %lt3A_1132 = arith.constant 31 : i32
      %lt3A_1133 = arith.cmpi slt, %scan3A_514, %lt3A_1132 : i32
      %convert_element_type3A_1134 = arith.extui %lt3A_1133 : i1 to i32
      %cond3A_1135 = arith.constant 0 : i32
      %cond3A_1136 = arith.cmpi ne, %convert_element_type3A_1134, %cond3A_1135 : i32
      scf.if %cond3A_1136 {
        %eq3A_1620 = arith.constant 8 : i32
        %eq3A_1621 = vector.broadcast %eq3A_1620 : i32 to vector<16xi32>
        %eq3A_1622 = arith.cmpi eq, %iota3A, %eq3A_1621 : vector<16xi32>
        %jit3A_1623 = arith.constant 0 : i32
        %broadcast_in_dim3A_1624 = vector.broadcast %jit3A_1623 : i32 to vector<16xi32>
        %select_n3A_1625 = arith.select %eq3A_1622, %get3A_522, %broadcast_in_dim3A_1624 : vector<16xi1>, vector<16xi32>
        %reduce_max3A_1626 = arith.constant true
        %reduce_max3A_1627 = vector.broadcast %reduce_max3A_1626 : i1 to vector<16xi1>
        %reduce_max3A_1628 = arith.constant -2147483648 : i32
        %reduce_max3A_1629 = vector.broadcast %reduce_max3A_1628 : i32 to vector<16xi32>
        %reduce_max3A_1630 = arith.xori %select_n3A_1625, %reduce_max3A_1629 : vector<16xi32>
        %reduce_max3A_1631 = tpu.scan <max>, %reduce_max3A_1630 masked %reduce_max3A_1627 : vector<16xi32>, vector<16xi1> -> vector<16xi32>
        %reduce_max3A_1632 = arith.xori %reduce_max3A_1631, %reduce_max3A_1629 : vector<16xi32>
        %reduce_max3A_1633 = vector.extract %reduce_max3A_1632[15] : i32 from vector<16xi32>
        %shift_right_arithmetic3A_1634 = arith.constant 7 : i32
        %shift_right_arithmetic3A_1635 = arith.shrsi %reduce_max3A_1633, %shift_right_arithmetic3A_1634 : i32
        %shift_left3A_1636 = arith.constant 7 : i32
        %shift_left3A_1637 = arith.shli %shift_right_arithmetic3A_1635, %shift_left3A_1636 : i32
        %multiple_of3A_1638 = tpu.assume_multiple %shift_left3A_1637, 128 : i32
        %dma_start3A_1639 = arith.constant 8 : i32
        %dma_start3A_1640 = arith.constant 0 : i32
        %dma_start3A_1641 = arith.constant 0 : i32
        %dma_start3A_1642 = tpu.memref_slice %arg6[%dma_start3A_1639, %dma_start3A_1640, %dma_start3A_1641] : memref<16x32x128xf32, #tpu.memory_space<vmem>> -> memref<1x32x128xf32, #tpu.memory_space<vmem>>
        %dma_start3A_1643 = tpu.memref_squeeze %dma_start3A_1642 : memref<1x32x128xf32, #tpu.memory_space<vmem>> -> memref<32x128xf32, #tpu.memory_space<vmem>>
        %dma_start3A_1644 = arith.constant 0 : i32
        %dma_start3A_1645 = tpu.memref_slice %arg3[%dma_start3A_1644, %multiple_of3A_1638] : memref<32x1000000xf32, #tpu.memory_space<hbm>> -> memref<32x128xf32, #tpu.memory_space<hbm>>
        %dma_start3A_1646 = arith.constant 0 : i32
        %dma_start3A_1647 = arith.constant 0 : i32
        %dma_start3A_1648 = tpu.memref_slice %arg6[%dma_start3A_1639, %dma_start3A_1646, %dma_start3A_1647] : memref<16x32x128xf32, #tpu.memory_space<vmem>> -> memref<1x32x128xf32, #tpu.memory_space<vmem>>
        %dma_start3A_1649 = tpu.memref_squeeze %dma_start3A_1648 : memref<1x32x128xf32, #tpu.memory_space<vmem>> -> memref<32x128xf32, #tpu.memory_space<vmem>>
        %dma_start3A_1650 = arith.constant 0 : i32
        %dma_start3A_1651 = tpu.memref_slice %arg3[%dma_start3A_1650, %multiple_of3A_1638] : memref<32x1000000xf32, #tpu.memory_space<hbm>> -> memref<32x128xf32, #tpu.memory_space<hbm>>
        tpu.enqueue_dma source(%dma_start3A_1651 : memref<32x128xf32, #tpu.memory_space<hbm>>) target(%dma_start3A_1649 : memref<32x128xf32, #tpu.memory_space<vmem>>) target_semaphore(%arg16 : memref<!tpu.dma_semaphore, #tpu.memory_space<semaphore_mem>>)
      } else {
      }
      %mul3A_1137 = arith.constant 16 : i32
      %mul3A_1138 = arith.muli %scan3A_514, %mul3A_1137 : i32
      %add3A_1139 = arith.constant 9 : i32
      %add3A_1140 = arith.addi %mul3A_1138, %add3A_1139 : i32
      %dma_wait3A_1141 = arith.constant 9 : i32
      %dma_wait3A_1142 = arith.constant 0 : i32
      %dma_wait3A_1143 = arith.constant 0 : i32
      %dma_wait3A_1144 = tpu.memref_slice %arg6[%dma_wait3A_1141, %dma_wait3A_1142, %dma_wait3A_1143] : memref<16x32x128xf32, #tpu.memory_space<vmem>> -> memref<1x32x128xf32, #tpu.memory_space<vmem>>
      %dma_wait3A_1145 = tpu.memref_squeeze %dma_wait3A_1144 : memref<1x32x128xf32, #tpu.memory_space<vmem>> -> memref<32x128xf32, #tpu.memory_space<vmem>>
      %dma_wait3A_1146 = arith.constant 0 : i32
      %dma_wait3A_1147 = arith.constant 0 : i32
      %dma_wait3A_1148 = tpu.memref_slice %arg3[%dma_wait3A_1146, %dma_wait3A_1147] : memref<32x1000000xf32, #tpu.memory_space<hbm>> -> memref<32x128xf32, #tpu.memory_space<hbm>>
      %dma_wait3A_1149 = arith.constant 0 : i32
      %dma_wait3A_1150 = arith.constant 0 : i32
      %dma_wait3A_1151 = tpu.memref_slice %arg6[%dma_wait3A_1141, %dma_wait3A_1149, %dma_wait3A_1150] : memref<16x32x128xf32, #tpu.memory_space<vmem>> -> memref<1x32x128xf32, #tpu.memory_space<vmem>>
      %dma_wait3A_1152 = tpu.memref_squeeze %dma_wait3A_1151 : memref<1x32x128xf32, #tpu.memory_space<vmem>> -> memref<32x128xf32, #tpu.memory_space<vmem>>
      %dma_wait3A_1153 = arith.constant 0 : i32
      %dma_wait3A_1154 = arith.constant 0 : i32
      %dma_wait3A_1155 = tpu.memref_slice %arg3[%dma_wait3A_1153, %dma_wait3A_1154] : memref<32x1000000xf32, #tpu.memory_space<hbm>> -> memref<32x128xf32, #tpu.memory_space<hbm>>
      tpu.wait_dma2 semaphore(%arg17 : memref<!tpu.dma_semaphore, #tpu.memory_space<semaphore_mem>>) src(%dma_wait3A_1155 : memref<32x128xf32, #tpu.memory_space<hbm>>) dst(%dma_wait3A_1152 : memref<32x128xf32, #tpu.memory_space<vmem>>)
      %eq3A_1156 = arith.constant 9 : i32
      %eq3A_1157 = vector.broadcast %eq3A_1156 : i32 to vector<16xi32>
      %eq3A_1158 = arith.cmpi eq, %iota3A, %eq3A_1157 : vector<16xi32>
      %jit3A_1159 = arith.constant 0 : i32
      %broadcast_in_dim3A_1160 = vector.broadcast %jit3A_1159 : i32 to vector<16xi32>
      %select_n3A_1161 = arith.select %eq3A_1158, %scan3A_515, %broadcast_in_dim3A_1160 : vector<16xi1>, vector<16xi32>
      %reduce_max3A_1162 = arith.constant true
      %reduce_max3A_1163 = vector.broadcast %reduce_max3A_1162 : i1 to vector<16xi1>
      %reduce_max3A_1164 = arith.constant -2147483648 : i32
      %reduce_max3A_1165 = vector.broadcast %reduce_max3A_1164 : i32 to vector<16xi32>
      %reduce_max3A_1166 = arith.xori %select_n3A_1161, %reduce_max3A_1165 : vector<16xi32>
      %reduce_max3A_1167 = tpu.scan <max>, %reduce_max3A_1166 masked %reduce_max3A_1163 : vector<16xi32>, vector<16xi1> -> vector<16xi32>
      %reduce_max3A_1168 = arith.xori %reduce_max3A_1167, %reduce_max3A_1165 : vector<16xi32>
      %reduce_max3A_1169 = vector.extract %reduce_max3A_1168[15] : i32 from vector<16xi32>
      %broadcast_in_dim3A_1170 = arith.constant 1 : i32
      %broadcast_in_dim3A_1171 = vector.broadcast %broadcast_in_dim3A_1170 : i32 to vector<16xi32>
      %and3A_1172 = arith.constant 127 : i32
      %and3A_1173 = arith.andi %reduce_max3A_1169, %and3A_1172 : i32
      %mul3A_1174 = vector.broadcast %and3A_1173 : i32 to vector<16xi32>
      %mul3A_1175 = arith.muli %broadcast_in_dim3A_1171, %mul3A_1174 : vector<16xi32>
      %gather3A_1176 = arith.constant 9 : i32
      %gather3A_1177 = arith.constant 0 : i32
      %gather3A_1178 = arith.constant 0 : i32
      %gather3A_1179 = tpu.memref_slice %arg6[%gather3A_1176, %gather3A_1177, %gather3A_1178] : memref<16x32x128xf32, #tpu.memory_space<vmem>> -> memref<1x32x128xf32, #tpu.memory_space<vmem>>
      %gather3A_1180 = tpu.memref_squeeze %gather3A_1179 : memref<1x32x128xf32, #tpu.memory_space<vmem>> -> memref<32x128xf32, #tpu.memory_space<vmem>>
      %gather3A_1181 = tpu.vector_load_idx %gather3A_1180[%iota3A, %mul3A_1175] : memref<32x128xf32, #tpu.memory_space<vmem>>[vector<16xi32>, vector<16xi32>], vector<16xf32>,
      %add3A_1182 = arith.constant 16 : i32
      %add3A_1183 = vector.broadcast %add3A_1182 : i32 to vector<16xi32>
      %add3A_1184 = arith.addi %iota3A, %add3A_1183 : vector<16xi32>
      %gather3A_1185 = arith.constant 9 : i32
      %gather3A_1186 = arith.constant 0 : i32
      %gather3A_1187 = arith.constant 0 : i32
      %gather3A_1188 = tpu.memref_slice %arg6[%gather3A_1185, %gather3A_1186, %gather3A_1187] : memref<16x32x128xf32, #tpu.memory_space<vmem>> -> memref<1x32x128xf32, #tpu.memory_space<vmem>>
      %gather3A_1189 = tpu.memref_squeeze %gather3A_1188 : memref<1x32x128xf32, #tpu.memory_space<vmem>> -> memref<32x128xf32, #tpu.memory_space<vmem>>
      %gather3A_1190 = tpu.vector_load_idx %gather3A_1189[%add3A_1184, %mul3A_1175] : memref<32x128xf32, #tpu.memory_space<vmem>>[vector<16xi32>, vector<16xi32>], vector<16xf32>,
      %mul3A_1191 = arith.constant 32 : i32
      %mul3A_1192 = arith.muli %add3A_1140, %mul3A_1191 : i32
      %swap3A_1193 = arith.index_cast %mul3A_1192 : i32 to index
      %swap3A_1194 = tpu.vector_load %arg7[%swap3A_1193] {strides = array<i32>} : memref<16384xf32, #tpu.memory_space<vmem>>, vector<16xf32>,
      tpu.vector_store %arg7[%swap3A_1193], %gather3A_1181 {strides = array<i32>} : memref<16384xf32, #tpu.memory_space<vmem>>, vector<16xf32>,
      %mul3A_1195 = arith.constant 32 : i32
      %mul3A_1196 = arith.muli %add3A_1140, %mul3A_1195 : i32
      %add3A_1197 = arith.constant 16 : i32
      %add3A_1198 = arith.addi %mul3A_1196, %add3A_1197 : i32
      %swap3A_1199 = arith.index_cast %add3A_1198 : i32 to index
      %swap3A_1200 = tpu.vector_load %arg7[%swap3A_1199] {strides = array<i32>} : memref<16384xf32, #tpu.memory_space<vmem>>, vector<16xf32>,
      tpu.vector_store %arg7[%swap3A_1199], %gather3A_1190 {strides = array<i32>} : memref<16384xf32, #tpu.memory_space<vmem>>, vector<16xf32>,
      %lt3A_1201 = arith.constant 31 : i32
      %lt3A_1202 = arith.cmpi slt, %scan3A_514, %lt3A_1201 : i32
      %convert_element_type3A_1203 = arith.extui %lt3A_1202 : i1 to i32
      %cond3A_1204 = arith.constant 0 : i32
      %cond3A_1205 = arith.cmpi ne, %convert_element_type3A_1203, %cond3A_1204 : i32
      scf.if %cond3A_1205 {
        %eq3A_1620 = arith.constant 9 : i32
        %eq3A_1621 = vector.broadcast %eq3A_1620 : i32 to vector<16xi32>
        %eq3A_1622 = arith.cmpi eq, %iota3A, %eq3A_1621 : vector<16xi32>
        %jit3A_1623 = arith.constant 0 : i32
        %broadcast_in_dim3A_1624 = vector.broadcast %jit3A_1623 : i32 to vector<16xi32>
        %select_n3A_1625 = arith.select %eq3A_1622, %get3A_522, %broadcast_in_dim3A_1624 : vector<16xi1>, vector<16xi32>
        %reduce_max3A_1626 = arith.constant true
        %reduce_max3A_1627 = vector.broadcast %reduce_max3A_1626 : i1 to vector<16xi1>
        %reduce_max3A_1628 = arith.constant -2147483648 : i32
        %reduce_max3A_1629 = vector.broadcast %reduce_max3A_1628 : i32 to vector<16xi32>
        %reduce_max3A_1630 = arith.xori %select_n3A_1625, %reduce_max3A_1629 : vector<16xi32>
        %reduce_max3A_1631 = tpu.scan <max>, %reduce_max3A_1630 masked %reduce_max3A_1627 : vector<16xi32>, vector<16xi1> -> vector<16xi32>
        %reduce_max3A_1632 = arith.xori %reduce_max3A_1631, %reduce_max3A_1629 : vector<16xi32>
        %reduce_max3A_1633 = vector.extract %reduce_max3A_1632[15] : i32 from vector<16xi32>
        %shift_right_arithmetic3A_1634 = arith.constant 7 : i32
        %shift_right_arithmetic3A_1635 = arith.shrsi %reduce_max3A_1633, %shift_right_arithmetic3A_1634 : i32
        %shift_left3A_1636 = arith.constant 7 : i32
        %shift_left3A_1637 = arith.shli %shift_right_arithmetic3A_1635, %shift_left3A_1636 : i32
        %multiple_of3A_1638 = tpu.assume_multiple %shift_left3A_1637, 128 : i32
        %dma_start3A_1639 = arith.constant 9 : i32
        %dma_start3A_1640 = arith.constant 0 : i32
        %dma_start3A_1641 = arith.constant 0 : i32
        %dma_start3A_1642 = tpu.memref_slice %arg6[%dma_start3A_1639, %dma_start3A_1640, %dma_start3A_1641] : memref<16x32x128xf32, #tpu.memory_space<vmem>> -> memref<1x32x128xf32, #tpu.memory_space<vmem>>
        %dma_start3A_1643 = tpu.memref_squeeze %dma_start3A_1642 : memref<1x32x128xf32, #tpu.memory_space<vmem>> -> memref<32x128xf32, #tpu.memory_space<vmem>>
        %dma_start3A_1644 = arith.constant 0 : i32
        %dma_start3A_1645 = tpu.memref_slice %arg3[%dma_start3A_1644, %multiple_of3A_1638] : memref<32x1000000xf32, #tpu.memory_space<hbm>> -> memref<32x128xf32, #tpu.memory_space<hbm>>
        %dma_start3A_1646 = arith.constant 0 : i32
        %dma_start3A_1647 = arith.constant 0 : i32
        %dma_start3A_1648 = tpu.memref_slice %arg6[%dma_start3A_1639, %dma_start3A_1646, %dma_start3A_1647] : memref<16x32x128xf32, #tpu.memory_space<vmem>> -> memref<1x32x128xf32, #tpu.memory_space<vmem>>
        %dma_start3A_1649 = tpu.memref_squeeze %dma_start3A_1648 : memref<1x32x128xf32, #tpu.memory_space<vmem>> -> memref<32x128xf32, #tpu.memory_space<vmem>>
        %dma_start3A_1650 = arith.constant 0 : i32
        %dma_start3A_1651 = tpu.memref_slice %arg3[%dma_start3A_1650, %multiple_of3A_1638] : memref<32x1000000xf32, #tpu.memory_space<hbm>> -> memref<32x128xf32, #tpu.memory_space<hbm>>
        tpu.enqueue_dma source(%dma_start3A_1651 : memref<32x128xf32, #tpu.memory_space<hbm>>) target(%dma_start3A_1649 : memref<32x128xf32, #tpu.memory_space<vmem>>) target_semaphore(%arg17 : memref<!tpu.dma_semaphore, #tpu.memory_space<semaphore_mem>>)
      } else {
      }
      %mul3A_1206 = arith.constant 16 : i32
      %mul3A_1207 = arith.muli %scan3A_514, %mul3A_1206 : i32
      %add3A_1208 = arith.constant 10 : i32
      %add3A_1209 = arith.addi %mul3A_1207, %add3A_1208 : i32
      %dma_wait3A_1210 = arith.constant 10 : i32
      %dma_wait3A_1211 = arith.constant 0 : i32
      %dma_wait3A_1212 = arith.constant 0 : i32
      %dma_wait3A_1213 = tpu.memref_slice %arg6[%dma_wait3A_1210, %dma_wait3A_1211, %dma_wait3A_1212] : memref<16x32x128xf32, #tpu.memory_space<vmem>> -> memref<1x32x128xf32, #tpu.memory_space<vmem>>
      %dma_wait3A_1214 = tpu.memref_squeeze %dma_wait3A_1213 : memref<1x32x128xf32, #tpu.memory_space<vmem>> -> memref<32x128xf32, #tpu.memory_space<vmem>>
      %dma_wait3A_1215 = arith.constant 0 : i32
      %dma_wait3A_1216 = arith.constant 0 : i32
      %dma_wait3A_1217 = tpu.memref_slice %arg3[%dma_wait3A_1215, %dma_wait3A_1216] : memref<32x1000000xf32, #tpu.memory_space<hbm>> -> memref<32x128xf32, #tpu.memory_space<hbm>>
      %dma_wait3A_1218 = arith.constant 0 : i32
      %dma_wait3A_1219 = arith.constant 0 : i32
      %dma_wait3A_1220 = tpu.memref_slice %arg6[%dma_wait3A_1210, %dma_wait3A_1218, %dma_wait3A_1219] : memref<16x32x128xf32, #tpu.memory_space<vmem>> -> memref<1x32x128xf32, #tpu.memory_space<vmem>>
      %dma_wait3A_1221 = tpu.memref_squeeze %dma_wait3A_1220 : memref<1x32x128xf32, #tpu.memory_space<vmem>> -> memref<32x128xf32, #tpu.memory_space<vmem>>
      %dma_wait3A_1222 = arith.constant 0 : i32
      %dma_wait3A_1223 = arith.constant 0 : i32
      %dma_wait3A_1224 = tpu.memref_slice %arg3[%dma_wait3A_1222, %dma_wait3A_1223] : memref<32x1000000xf32, #tpu.memory_space<hbm>> -> memref<32x128xf32, #tpu.memory_space<hbm>>
      tpu.wait_dma2 semaphore(%arg18 : memref<!tpu.dma_semaphore, #tpu.memory_space<semaphore_mem>>) src(%dma_wait3A_1224 : memref<32x128xf32, #tpu.memory_space<hbm>>) dst(%dma_wait3A_1221 : memref<32x128xf32, #tpu.memory_space<vmem>>)
      %eq3A_1225 = arith.constant 10 : i32
      %eq3A_1226 = vector.broadcast %eq3A_1225 : i32 to vector<16xi32>
      %eq3A_1227 = arith.cmpi eq, %iota3A, %eq3A_1226 : vector<16xi32>
      %jit3A_1228 = arith.constant 0 : i32
      %broadcast_in_dim3A_1229 = vector.broadcast %jit3A_1228 : i32 to vector<16xi32>
      %select_n3A_1230 = arith.select %eq3A_1227, %scan3A_515, %broadcast_in_dim3A_1229 : vector<16xi1>, vector<16xi32>
      %reduce_max3A_1231 = arith.constant true
      %reduce_max3A_1232 = vector.broadcast %reduce_max3A_1231 : i1 to vector<16xi1>
      %reduce_max3A_1233 = arith.constant -2147483648 : i32
      %reduce_max3A_1234 = vector.broadcast %reduce_max3A_1233 : i32 to vector<16xi32>
      %reduce_max3A_1235 = arith.xori %select_n3A_1230, %reduce_max3A_1234 : vector<16xi32>
      %reduce_max3A_1236 = tpu.scan <max>, %reduce_max3A_1235 masked %reduce_max3A_1232 : vector<16xi32>, vector<16xi1> -> vector<16xi32>
      %reduce_max3A_1237 = arith.xori %reduce_max3A_1236, %reduce_max3A_1234 : vector<16xi32>
      %reduce_max3A_1238 = vector.extract %reduce_max3A_1237[15] : i32 from vector<16xi32>
      %broadcast_in_dim3A_1239 = arith.constant 1 : i32
      %broadcast_in_dim3A_1240 = vector.broadcast %broadcast_in_dim3A_1239 : i32 to vector<16xi32>
      %and3A_1241 = arith.constant 127 : i32
      %and3A_1242 = arith.andi %reduce_max3A_1238, %and3A_1241 : i32
      %mul3A_1243 = vector.broadcast %and3A_1242 : i32 to vector<16xi32>
      %mul3A_1244 = arith.muli %broadcast_in_dim3A_1240, %mul3A_1243 : vector<16xi32>
      %gather3A_1245 = arith.constant 10 : i32
      %gather3A_1246 = arith.constant 0 : i32
      %gather3A_1247 = arith.constant 0 : i32
      %gather3A_1248 = tpu.memref_slice %arg6[%gather3A_1245, %gather3A_1246, %gather3A_1247] : memref<16x32x128xf32, #tpu.memory_space<vmem>> -> memref<1x32x128xf32, #tpu.memory_space<vmem>>
      %gather3A_1249 = tpu.memref_squeeze %gather3A_1248 : memref<1x32x128xf32, #tpu.memory_space<vmem>> -> memref<32x128xf32, #tpu.memory_space<vmem>>
      %gather3A_1250 = tpu.vector_load_idx %gather3A_1249[%iota3A, %mul3A_1244] : memref<32x128xf32, #tpu.memory_space<vmem>>[vector<16xi32>, vector<16xi32>], vector<16xf32>,
      %add3A_1251 = arith.constant 16 : i32
      %add3A_1252 = vector.broadcast %add3A_1251 : i32 to vector<16xi32>
      %add3A_1253 = arith.addi %iota3A, %add3A_1252 : vector<16xi32>
      %gather3A_1254 = arith.constant 10 : i32
      %gather3A_1255 = arith.constant 0 : i32
      %gather3A_1256 = arith.constant 0 : i32
      %gather3A_1257 = tpu.memref_slice %arg6[%gather3A_1254, %gather3A_1255, %gather3A_1256] : memref<16x32x128xf32, #tpu.memory_space<vmem>> -> memref<1x32x128xf32, #tpu.memory_space<vmem>>
      %gather3A_1258 = tpu.memref_squeeze %gather3A_1257 : memref<1x32x128xf32, #tpu.memory_space<vmem>> -> memref<32x128xf32, #tpu.memory_space<vmem>>
      %gather3A_1259 = tpu.vector_load_idx %gather3A_1258[%add3A_1253, %mul3A_1244] : memref<32x128xf32, #tpu.memory_space<vmem>>[vector<16xi32>, vector<16xi32>], vector<16xf32>,
      %mul3A_1260 = arith.constant 32 : i32
      %mul3A_1261 = arith.muli %add3A_1209, %mul3A_1260 : i32
      %swap3A_1262 = arith.index_cast %mul3A_1261 : i32 to index
      %swap3A_1263 = tpu.vector_load %arg7[%swap3A_1262] {strides = array<i32>} : memref<16384xf32, #tpu.memory_space<vmem>>, vector<16xf32>,
      tpu.vector_store %arg7[%swap3A_1262], %gather3A_1250 {strides = array<i32>} : memref<16384xf32, #tpu.memory_space<vmem>>, vector<16xf32>,
      %mul3A_1264 = arith.constant 32 : i32
      %mul3A_1265 = arith.muli %add3A_1209, %mul3A_1264 : i32
      %add3A_1266 = arith.constant 16 : i32
      %add3A_1267 = arith.addi %mul3A_1265, %add3A_1266 : i32
      %swap3A_1268 = arith.index_cast %add3A_1267 : i32 to index
      %swap3A_1269 = tpu.vector_load %arg7[%swap3A_1268] {strides = array<i32>} : memref<16384xf32, #tpu.memory_space<vmem>>, vector<16xf32>,
      tpu.vector_store %arg7[%swap3A_1268], %gather3A_1259 {strides = array<i32>} : memref<16384xf32, #tpu.memory_space<vmem>>, vector<16xf32>,
      %lt3A_1270 = arith.constant 31 : i32
      %lt3A_1271 = arith.cmpi slt, %scan3A_514, %lt3A_1270 : i32
      %convert_element_type3A_1272 = arith.extui %lt3A_1271 : i1 to i32
      %cond3A_1273 = arith.constant 0 : i32
      %cond3A_1274 = arith.cmpi ne, %convert_element_type3A_1272, %cond3A_1273 : i32
      scf.if %cond3A_1274 {
        %eq3A_1620 = arith.constant 10 : i32
        %eq3A_1621 = vector.broadcast %eq3A_1620 : i32 to vector<16xi32>
        %eq3A_1622 = arith.cmpi eq, %iota3A, %eq3A_1621 : vector<16xi32>
        %jit3A_1623 = arith.constant 0 : i32
        %broadcast_in_dim3A_1624 = vector.broadcast %jit3A_1623 : i32 to vector<16xi32>
        %select_n3A_1625 = arith.select %eq3A_1622, %get3A_522, %broadcast_in_dim3A_1624 : vector<16xi1>, vector<16xi32>
        %reduce_max3A_1626 = arith.constant true
        %reduce_max3A_1627 = vector.broadcast %reduce_max3A_1626 : i1 to vector<16xi1>
        %reduce_max3A_1628 = arith.constant -2147483648 : i32
        %reduce_max3A_1629 = vector.broadcast %reduce_max3A_1628 : i32 to vector<16xi32>
        %reduce_max3A_1630 = arith.xori %select_n3A_1625, %reduce_max3A_1629 : vector<16xi32>
        %reduce_max3A_1631 = tpu.scan <max>, %reduce_max3A_1630 masked %reduce_max3A_1627 : vector<16xi32>, vector<16xi1> -> vector<16xi32>
        %reduce_max3A_1632 = arith.xori %reduce_max3A_1631, %reduce_max3A_1629 : vector<16xi32>
        %reduce_max3A_1633 = vector.extract %reduce_max3A_1632[15] : i32 from vector<16xi32>
        %shift_right_arithmetic3A_1634 = arith.constant 7 : i32
        %shift_right_arithmetic3A_1635 = arith.shrsi %reduce_max3A_1633, %shift_right_arithmetic3A_1634 : i32
        %shift_left3A_1636 = arith.constant 7 : i32
        %shift_left3A_1637 = arith.shli %shift_right_arithmetic3A_1635, %shift_left3A_1636 : i32
        %multiple_of3A_1638 = tpu.assume_multiple %shift_left3A_1637, 128 : i32
        %dma_start3A_1639 = arith.constant 10 : i32
        %dma_start3A_1640 = arith.constant 0 : i32
        %dma_start3A_1641 = arith.constant 0 : i32
        %dma_start3A_1642 = tpu.memref_slice %arg6[%dma_start3A_1639, %dma_start3A_1640, %dma_start3A_1641] : memref<16x32x128xf32, #tpu.memory_space<vmem>> -> memref<1x32x128xf32, #tpu.memory_space<vmem>>
        %dma_start3A_1643 = tpu.memref_squeeze %dma_start3A_1642 : memref<1x32x128xf32, #tpu.memory_space<vmem>> -> memref<32x128xf32, #tpu.memory_space<vmem>>
        %dma_start3A_1644 = arith.constant 0 : i32
        %dma_start3A_1645 = tpu.memref_slice %arg3[%dma_start3A_1644, %multiple_of3A_1638] : memref<32x1000000xf32, #tpu.memory_space<hbm>> -> memref<32x128xf32, #tpu.memory_space<hbm>>
        %dma_start3A_1646 = arith.constant 0 : i32
        %dma_start3A_1647 = arith.constant 0 : i32
        %dma_start3A_1648 = tpu.memref_slice %arg6[%dma_start3A_1639, %dma_start3A_1646, %dma_start3A_1647] : memref<16x32x128xf32, #tpu.memory_space<vmem>> -> memref<1x32x128xf32, #tpu.memory_space<vmem>>
        %dma_start3A_1649 = tpu.memref_squeeze %dma_start3A_1648 : memref<1x32x128xf32, #tpu.memory_space<vmem>> -> memref<32x128xf32, #tpu.memory_space<vmem>>
        %dma_start3A_1650 = arith.constant 0 : i32
        %dma_start3A_1651 = tpu.memref_slice %arg3[%dma_start3A_1650, %multiple_of3A_1638] : memref<32x1000000xf32, #tpu.memory_space<hbm>> -> memref<32x128xf32, #tpu.memory_space<hbm>>
        tpu.enqueue_dma source(%dma_start3A_1651 : memref<32x128xf32, #tpu.memory_space<hbm>>) target(%dma_start3A_1649 : memref<32x128xf32, #tpu.memory_space<vmem>>) target_semaphore(%arg18 : memref<!tpu.dma_semaphore, #tpu.memory_space<semaphore_mem>>)
      } else {
      }
      %mul3A_1275 = arith.constant 16 : i32
      %mul3A_1276 = arith.muli %scan3A_514, %mul3A_1275 : i32
      %add3A_1277 = arith.constant 11 : i32
      %add3A_1278 = arith.addi %mul3A_1276, %add3A_1277 : i32
      %dma_wait3A_1279 = arith.constant 11 : i32
      %dma_wait3A_1280 = arith.constant 0 : i32
      %dma_wait3A_1281 = arith.constant 0 : i32
      %dma_wait3A_1282 = tpu.memref_slice %arg6[%dma_wait3A_1279, %dma_wait3A_1280, %dma_wait3A_1281] : memref<16x32x128xf32, #tpu.memory_space<vmem>> -> memref<1x32x128xf32, #tpu.memory_space<vmem>>
      %dma_wait3A_1283 = tpu.memref_squeeze %dma_wait3A_1282 : memref<1x32x128xf32, #tpu.memory_space<vmem>> -> memref<32x128xf32, #tpu.memory_space<vmem>>
      %dma_wait3A_1284 = arith.constant 0 : i32
      %dma_wait3A_1285 = arith.constant 0 : i32
      %dma_wait3A_1286 = tpu.memref_slice %arg3[%dma_wait3A_1284, %dma_wait3A_1285] : memref<32x1000000xf32, #tpu.memory_space<hbm>> -> memref<32x128xf32, #tpu.memory_space<hbm>>
      %dma_wait3A_1287 = arith.constant 0 : i32
      %dma_wait3A_1288 = arith.constant 0 : i32
      %dma_wait3A_1289 = tpu.memref_slice %arg6[%dma_wait3A_1279, %dma_wait3A_1287, %dma_wait3A_1288] : memref<16x32x128xf32, #tpu.memory_space<vmem>> -> memref<1x32x128xf32, #tpu.memory_space<vmem>>
      %dma_wait3A_1290 = tpu.memref_squeeze %dma_wait3A_1289 : memref<1x32x128xf32, #tpu.memory_space<vmem>> -> memref<32x128xf32, #tpu.memory_space<vmem>>
      %dma_wait3A_1291 = arith.constant 0 : i32
      %dma_wait3A_1292 = arith.constant 0 : i32
      %dma_wait3A_1293 = tpu.memref_slice %arg3[%dma_wait3A_1291, %dma_wait3A_1292] : memref<32x1000000xf32, #tpu.memory_space<hbm>> -> memref<32x128xf32, #tpu.memory_space<hbm>>
      tpu.wait_dma2 semaphore(%arg19 : memref<!tpu.dma_semaphore, #tpu.memory_space<semaphore_mem>>) src(%dma_wait3A_1293 : memref<32x128xf32, #tpu.memory_space<hbm>>) dst(%dma_wait3A_1290 : memref<32x128xf32, #tpu.memory_space<vmem>>)
      %eq3A_1294 = arith.constant 11 : i32
      %eq3A_1295 = vector.broadcast %eq3A_1294 : i32 to vector<16xi32>
      %eq3A_1296 = arith.cmpi eq, %iota3A, %eq3A_1295 : vector<16xi32>
      %jit3A_1297 = arith.constant 0 : i32
      %broadcast_in_dim3A_1298 = vector.broadcast %jit3A_1297 : i32 to vector<16xi32>
      %select_n3A_1299 = arith.select %eq3A_1296, %scan3A_515, %broadcast_in_dim3A_1298 : vector<16xi1>, vector<16xi32>
      %reduce_max3A_1300 = arith.constant true
      %reduce_max3A_1301 = vector.broadcast %reduce_max3A_1300 : i1 to vector<16xi1>
      %reduce_max3A_1302 = arith.constant -2147483648 : i32
      %reduce_max3A_1303 = vector.broadcast %reduce_max3A_1302 : i32 to vector<16xi32>
      %reduce_max3A_1304 = arith.xori %select_n3A_1299, %reduce_max3A_1303 : vector<16xi32>
      %reduce_max3A_1305 = tpu.scan <max>, %reduce_max3A_1304 masked %reduce_max3A_1301 : vector<16xi32>, vector<16xi1> -> vector<16xi32>
      %reduce_max3A_1306 = arith.xori %reduce_max3A_1305, %reduce_max3A_1303 : vector<16xi32>
      %reduce_max3A_1307 = vector.extract %reduce_max3A_1306[15] : i32 from vector<16xi32>
      %broadcast_in_dim3A_1308 = arith.constant 1 : i32
      %broadcast_in_dim3A_1309 = vector.broadcast %broadcast_in_dim3A_1308 : i32 to vector<16xi32>
      %and3A_1310 = arith.constant 127 : i32
      %and3A_1311 = arith.andi %reduce_max3A_1307, %and3A_1310 : i32
      %mul3A_1312 = vector.broadcast %and3A_1311 : i32 to vector<16xi32>
      %mul3A_1313 = arith.muli %broadcast_in_dim3A_1309, %mul3A_1312 : vector<16xi32>
      %gather3A_1314 = arith.constant 11 : i32
      %gather3A_1315 = arith.constant 0 : i32
      %gather3A_1316 = arith.constant 0 : i32
      %gather3A_1317 = tpu.memref_slice %arg6[%gather3A_1314, %gather3A_1315, %gather3A_1316] : memref<16x32x128xf32, #tpu.memory_space<vmem>> -> memref<1x32x128xf32, #tpu.memory_space<vmem>>
      %gather3A_1318 = tpu.memref_squeeze %gather3A_1317 : memref<1x32x128xf32, #tpu.memory_space<vmem>> -> memref<32x128xf32, #tpu.memory_space<vmem>>
      %gather3A_1319 = tpu.vector_load_idx %gather3A_1318[%iota3A, %mul3A_1313] : memref<32x128xf32, #tpu.memory_space<vmem>>[vector<16xi32>, vector<16xi32>], vector<16xf32>,
      %add3A_1320 = arith.constant 16 : i32
      %add3A_1321 = vector.broadcast %add3A_1320 : i32 to vector<16xi32>
      %add3A_1322 = arith.addi %iota3A, %add3A_1321 : vector<16xi32>
      %gather3A_1323 = arith.constant 11 : i32
      %gather3A_1324 = arith.constant 0 : i32
      %gather3A_1325 = arith.constant 0 : i32
      %gather3A_1326 = tpu.memref_slice %arg6[%gather3A_1323, %gather3A_1324, %gather3A_1325] : memref<16x32x128xf32, #tpu.memory_space<vmem>> -> memref<1x32x128xf32, #tpu.memory_space<vmem>>
      %gather3A_1327 = tpu.memref_squeeze %gather3A_1326 : memref<1x32x128xf32, #tpu.memory_space<vmem>> -> memref<32x128xf32, #tpu.memory_space<vmem>>
      %gather3A_1328 = tpu.vector_load_idx %gather3A_1327[%add3A_1322, %mul3A_1313] : memref<32x128xf32, #tpu.memory_space<vmem>>[vector<16xi32>, vector<16xi32>], vector<16xf32>,
      %mul3A_1329 = arith.constant 32 : i32
      %mul3A_1330 = arith.muli %add3A_1278, %mul3A_1329 : i32
      %swap3A_1331 = arith.index_cast %mul3A_1330 : i32 to index
      %swap3A_1332 = tpu.vector_load %arg7[%swap3A_1331] {strides = array<i32>} : memref<16384xf32, #tpu.memory_space<vmem>>, vector<16xf32>,
      tpu.vector_store %arg7[%swap3A_1331], %gather3A_1319 {strides = array<i32>} : memref<16384xf32, #tpu.memory_space<vmem>>, vector<16xf32>,
      %mul3A_1333 = arith.constant 32 : i32
      %mul3A_1334 = arith.muli %add3A_1278, %mul3A_1333 : i32
      %add3A_1335 = arith.constant 16 : i32
      %add3A_1336 = arith.addi %mul3A_1334, %add3A_1335 : i32
      %swap3A_1337 = arith.index_cast %add3A_1336 : i32 to index
      %swap3A_1338 = tpu.vector_load %arg7[%swap3A_1337] {strides = array<i32>} : memref<16384xf32, #tpu.memory_space<vmem>>, vector<16xf32>,
      tpu.vector_store %arg7[%swap3A_1337], %gather3A_1328 {strides = array<i32>} : memref<16384xf32, #tpu.memory_space<vmem>>, vector<16xf32>,
      %lt3A_1339 = arith.constant 31 : i32
      %lt3A_1340 = arith.cmpi slt, %scan3A_514, %lt3A_1339 : i32
      %convert_element_type3A_1341 = arith.extui %lt3A_1340 : i1 to i32
      %cond3A_1342 = arith.constant 0 : i32
      %cond3A_1343 = arith.cmpi ne, %convert_element_type3A_1341, %cond3A_1342 : i32
      scf.if %cond3A_1343 {
        %eq3A_1620 = arith.constant 11 : i32
        %eq3A_1621 = vector.broadcast %eq3A_1620 : i32 to vector<16xi32>
        %eq3A_1622 = arith.cmpi eq, %iota3A, %eq3A_1621 : vector<16xi32>
        %jit3A_1623 = arith.constant 0 : i32
        %broadcast_in_dim3A_1624 = vector.broadcast %jit3A_1623 : i32 to vector<16xi32>
        %select_n3A_1625 = arith.select %eq3A_1622, %get3A_522, %broadcast_in_dim3A_1624 : vector<16xi1>, vector<16xi32>
        %reduce_max3A_1626 = arith.constant true
        %reduce_max3A_1627 = vector.broadcast %reduce_max3A_1626 : i1 to vector<16xi1>
        %reduce_max3A_1628 = arith.constant -2147483648 : i32
        %reduce_max3A_1629 = vector.broadcast %reduce_max3A_1628 : i32 to vector<16xi32>
        %reduce_max3A_1630 = arith.xori %select_n3A_1625, %reduce_max3A_1629 : vector<16xi32>
        %reduce_max3A_1631 = tpu.scan <max>, %reduce_max3A_1630 masked %reduce_max3A_1627 : vector<16xi32>, vector<16xi1> -> vector<16xi32>
        %reduce_max3A_1632 = arith.xori %reduce_max3A_1631, %reduce_max3A_1629 : vector<16xi32>
        %reduce_max3A_1633 = vector.extract %reduce_max3A_1632[15] : i32 from vector<16xi32>
        %shift_right_arithmetic3A_1634 = arith.constant 7 : i32
        %shift_right_arithmetic3A_1635 = arith.shrsi %reduce_max3A_1633, %shift_right_arithmetic3A_1634 : i32
        %shift_left3A_1636 = arith.constant 7 : i32
        %shift_left3A_1637 = arith.shli %shift_right_arithmetic3A_1635, %shift_left3A_1636 : i32
        %multiple_of3A_1638 = tpu.assume_multiple %shift_left3A_1637, 128 : i32
        %dma_start3A_1639 = arith.constant 11 : i32
        %dma_start3A_1640 = arith.constant 0 : i32
        %dma_start3A_1641 = arith.constant 0 : i32
        %dma_start3A_1642 = tpu.memref_slice %arg6[%dma_start3A_1639, %dma_start3A_1640, %dma_start3A_1641] : memref<16x32x128xf32, #tpu.memory_space<vmem>> -> memref<1x32x128xf32, #tpu.memory_space<vmem>>
        %dma_start3A_1643 = tpu.memref_squeeze %dma_start3A_1642 : memref<1x32x128xf32, #tpu.memory_space<vmem>> -> memref<32x128xf32, #tpu.memory_space<vmem>>
        %dma_start3A_1644 = arith.constant 0 : i32
        %dma_start3A_1645 = tpu.memref_slice %arg3[%dma_start3A_1644, %multiple_of3A_1638] : memref<32x1000000xf32, #tpu.memory_space<hbm>> -> memref<32x128xf32, #tpu.memory_space<hbm>>
        %dma_start3A_1646 = arith.constant 0 : i32
        %dma_start3A_1647 = arith.constant 0 : i32
        %dma_start3A_1648 = tpu.memref_slice %arg6[%dma_start3A_1639, %dma_start3A_1646, %dma_start3A_1647] : memref<16x32x128xf32, #tpu.memory_space<vmem>> -> memref<1x32x128xf32, #tpu.memory_space<vmem>>
        %dma_start3A_1649 = tpu.memref_squeeze %dma_start3A_1648 : memref<1x32x128xf32, #tpu.memory_space<vmem>> -> memref<32x128xf32, #tpu.memory_space<vmem>>
        %dma_start3A_1650 = arith.constant 0 : i32
        %dma_start3A_1651 = tpu.memref_slice %arg3[%dma_start3A_1650, %multiple_of3A_1638] : memref<32x1000000xf32, #tpu.memory_space<hbm>> -> memref<32x128xf32, #tpu.memory_space<hbm>>
        tpu.enqueue_dma source(%dma_start3A_1651 : memref<32x128xf32, #tpu.memory_space<hbm>>) target(%dma_start3A_1649 : memref<32x128xf32, #tpu.memory_space<vmem>>) target_semaphore(%arg19 : memref<!tpu.dma_semaphore, #tpu.memory_space<semaphore_mem>>)
      } else {
      }
      %mul3A_1344 = arith.constant 16 : i32
      %mul3A_1345 = arith.muli %scan3A_514, %mul3A_1344 : i32
      %add3A_1346 = arith.constant 12 : i32
      %add3A_1347 = arith.addi %mul3A_1345, %add3A_1346 : i32
      %dma_wait3A_1348 = arith.constant 12 : i32
      %dma_wait3A_1349 = arith.constant 0 : i32
      %dma_wait3A_1350 = arith.constant 0 : i32
      %dma_wait3A_1351 = tpu.memref_slice %arg6[%dma_wait3A_1348, %dma_wait3A_1349, %dma_wait3A_1350] : memref<16x32x128xf32, #tpu.memory_space<vmem>> -> memref<1x32x128xf32, #tpu.memory_space<vmem>>
      %dma_wait3A_1352 = tpu.memref_squeeze %dma_wait3A_1351 : memref<1x32x128xf32, #tpu.memory_space<vmem>> -> memref<32x128xf32, #tpu.memory_space<vmem>>
      %dma_wait3A_1353 = arith.constant 0 : i32
      %dma_wait3A_1354 = arith.constant 0 : i32
      %dma_wait3A_1355 = tpu.memref_slice %arg3[%dma_wait3A_1353, %dma_wait3A_1354] : memref<32x1000000xf32, #tpu.memory_space<hbm>> -> memref<32x128xf32, #tpu.memory_space<hbm>>
      %dma_wait3A_1356 = arith.constant 0 : i32
      %dma_wait3A_1357 = arith.constant 0 : i32
      %dma_wait3A_1358 = tpu.memref_slice %arg6[%dma_wait3A_1348, %dma_wait3A_1356, %dma_wait3A_1357] : memref<16x32x128xf32, #tpu.memory_space<vmem>> -> memref<1x32x128xf32, #tpu.memory_space<vmem>>
      %dma_wait3A_1359 = tpu.memref_squeeze %dma_wait3A_1358 : memref<1x32x128xf32, #tpu.memory_space<vmem>> -> memref<32x128xf32, #tpu.memory_space<vmem>>
      %dma_wait3A_1360 = arith.constant 0 : i32
      %dma_wait3A_1361 = arith.constant 0 : i32
      %dma_wait3A_1362 = tpu.memref_slice %arg3[%dma_wait3A_1360, %dma_wait3A_1361] : memref<32x1000000xf32, #tpu.memory_space<hbm>> -> memref<32x128xf32, #tpu.memory_space<hbm>>
      tpu.wait_dma2 semaphore(%arg20 : memref<!tpu.dma_semaphore, #tpu.memory_space<semaphore_mem>>) src(%dma_wait3A_1362 : memref<32x128xf32, #tpu.memory_space<hbm>>) dst(%dma_wait3A_1359 : memref<32x128xf32, #tpu.memory_space<vmem>>)
      %eq3A_1363 = arith.constant 12 : i32
      %eq3A_1364 = vector.broadcast %eq3A_1363 : i32 to vector<16xi32>
      %eq3A_1365 = arith.cmpi eq, %iota3A, %eq3A_1364 : vector<16xi32>
      %jit3A_1366 = arith.constant 0 : i32
      %broadcast_in_dim3A_1367 = vector.broadcast %jit3A_1366 : i32 to vector<16xi32>
      %select_n3A_1368 = arith.select %eq3A_1365, %scan3A_515, %broadcast_in_dim3A_1367 : vector<16xi1>, vector<16xi32>
      %reduce_max3A_1369 = arith.constant true
      %reduce_max3A_1370 = vector.broadcast %reduce_max3A_1369 : i1 to vector<16xi1>
      %reduce_max3A_1371 = arith.constant -2147483648 : i32
      %reduce_max3A_1372 = vector.broadcast %reduce_max3A_1371 : i32 to vector<16xi32>
      %reduce_max3A_1373 = arith.xori %select_n3A_1368, %reduce_max3A_1372 : vector<16xi32>
      %reduce_max3A_1374 = tpu.scan <max>, %reduce_max3A_1373 masked %reduce_max3A_1370 : vector<16xi32>, vector<16xi1> -> vector<16xi32>
      %reduce_max3A_1375 = arith.xori %reduce_max3A_1374, %reduce_max3A_1372 : vector<16xi32>
      %reduce_max3A_1376 = vector.extract %reduce_max3A_1375[15] : i32 from vector<16xi32>
      %broadcast_in_dim3A_1377 = arith.constant 1 : i32
      %broadcast_in_dim3A_1378 = vector.broadcast %broadcast_in_dim3A_1377 : i32 to vector<16xi32>
      %and3A_1379 = arith.constant 127 : i32
      %and3A_1380 = arith.andi %reduce_max3A_1376, %and3A_1379 : i32
      %mul3A_1381 = vector.broadcast %and3A_1380 : i32 to vector<16xi32>
      %mul3A_1382 = arith.muli %broadcast_in_dim3A_1378, %mul3A_1381 : vector<16xi32>
      %gather3A_1383 = arith.constant 12 : i32
      %gather3A_1384 = arith.constant 0 : i32
      %gather3A_1385 = arith.constant 0 : i32
      %gather3A_1386 = tpu.memref_slice %arg6[%gather3A_1383, %gather3A_1384, %gather3A_1385] : memref<16x32x128xf32, #tpu.memory_space<vmem>> -> memref<1x32x128xf32, #tpu.memory_space<vmem>>
      %gather3A_1387 = tpu.memref_squeeze %gather3A_1386 : memref<1x32x128xf32, #tpu.memory_space<vmem>> -> memref<32x128xf32, #tpu.memory_space<vmem>>
      %gather3A_1388 = tpu.vector_load_idx %gather3A_1387[%iota3A, %mul3A_1382] : memref<32x128xf32, #tpu.memory_space<vmem>>[vector<16xi32>, vector<16xi32>], vector<16xf32>,
      %add3A_1389 = arith.constant 16 : i32
      %add3A_1390 = vector.broadcast %add3A_1389 : i32 to vector<16xi32>
      %add3A_1391 = arith.addi %iota3A, %add3A_1390 : vector<16xi32>
      %gather3A_1392 = arith.constant 12 : i32
      %gather3A_1393 = arith.constant 0 : i32
      %gather3A_1394 = arith.constant 0 : i32
      %gather3A_1395 = tpu.memref_slice %arg6[%gather3A_1392, %gather3A_1393, %gather3A_1394] : memref<16x32x128xf32, #tpu.memory_space<vmem>> -> memref<1x32x128xf32, #tpu.memory_space<vmem>>
      %gather3A_1396 = tpu.memref_squeeze %gather3A_1395 : memref<1x32x128xf32, #tpu.memory_space<vmem>> -> memref<32x128xf32, #tpu.memory_space<vmem>>
      %gather3A_1397 = tpu.vector_load_idx %gather3A_1396[%add3A_1391, %mul3A_1382] : memref<32x128xf32, #tpu.memory_space<vmem>>[vector<16xi32>, vector<16xi32>], vector<16xf32>,
      %mul3A_1398 = arith.constant 32 : i32
      %mul3A_1399 = arith.muli %add3A_1347, %mul3A_1398 : i32
      %swap3A_1400 = arith.index_cast %mul3A_1399 : i32 to index
      %swap3A_1401 = tpu.vector_load %arg7[%swap3A_1400] {strides = array<i32>} : memref<16384xf32, #tpu.memory_space<vmem>>, vector<16xf32>,
      tpu.vector_store %arg7[%swap3A_1400], %gather3A_1388 {strides = array<i32>} : memref<16384xf32, #tpu.memory_space<vmem>>, vector<16xf32>,
      %mul3A_1402 = arith.constant 32 : i32
      %mul3A_1403 = arith.muli %add3A_1347, %mul3A_1402 : i32
      %add3A_1404 = arith.constant 16 : i32
      %add3A_1405 = arith.addi %mul3A_1403, %add3A_1404 : i32
      %swap3A_1406 = arith.index_cast %add3A_1405 : i32 to index
      %swap3A_1407 = tpu.vector_load %arg7[%swap3A_1406] {strides = array<i32>} : memref<16384xf32, #tpu.memory_space<vmem>>, vector<16xf32>,
      tpu.vector_store %arg7[%swap3A_1406], %gather3A_1397 {strides = array<i32>} : memref<16384xf32, #tpu.memory_space<vmem>>, vector<16xf32>,
      %lt3A_1408 = arith.constant 31 : i32
      %lt3A_1409 = arith.cmpi slt, %scan3A_514, %lt3A_1408 : i32
      %convert_element_type3A_1410 = arith.extui %lt3A_1409 : i1 to i32
      %cond3A_1411 = arith.constant 0 : i32
      %cond3A_1412 = arith.cmpi ne, %convert_element_type3A_1410, %cond3A_1411 : i32
      scf.if %cond3A_1412 {
        %eq3A_1620 = arith.constant 12 : i32
        %eq3A_1621 = vector.broadcast %eq3A_1620 : i32 to vector<16xi32>
        %eq3A_1622 = arith.cmpi eq, %iota3A, %eq3A_1621 : vector<16xi32>
        %jit3A_1623 = arith.constant 0 : i32
        %broadcast_in_dim3A_1624 = vector.broadcast %jit3A_1623 : i32 to vector<16xi32>
        %select_n3A_1625 = arith.select %eq3A_1622, %get3A_522, %broadcast_in_dim3A_1624 : vector<16xi1>, vector<16xi32>
        %reduce_max3A_1626 = arith.constant true
        %reduce_max3A_1627 = vector.broadcast %reduce_max3A_1626 : i1 to vector<16xi1>
        %reduce_max3A_1628 = arith.constant -2147483648 : i32
        %reduce_max3A_1629 = vector.broadcast %reduce_max3A_1628 : i32 to vector<16xi32>
        %reduce_max3A_1630 = arith.xori %select_n3A_1625, %reduce_max3A_1629 : vector<16xi32>
        %reduce_max3A_1631 = tpu.scan <max>, %reduce_max3A_1630 masked %reduce_max3A_1627 : vector<16xi32>, vector<16xi1> -> vector<16xi32>
        %reduce_max3A_1632 = arith.xori %reduce_max3A_1631, %reduce_max3A_1629 : vector<16xi32>
        %reduce_max3A_1633 = vector.extract %reduce_max3A_1632[15] : i32 from vector<16xi32>
        %shift_right_arithmetic3A_1634 = arith.constant 7 : i32
        %shift_right_arithmetic3A_1635 = arith.shrsi %reduce_max3A_1633, %shift_right_arithmetic3A_1634 : i32
        %shift_left3A_1636 = arith.constant 7 : i32
        %shift_left3A_1637 = arith.shli %shift_right_arithmetic3A_1635, %shift_left3A_1636 : i32
        %multiple_of3A_1638 = tpu.assume_multiple %shift_left3A_1637, 128 : i32
        %dma_start3A_1639 = arith.constant 12 : i32
        %dma_start3A_1640 = arith.constant 0 : i32
        %dma_start3A_1641 = arith.constant 0 : i32
        %dma_start3A_1642 = tpu.memref_slice %arg6[%dma_start3A_1639, %dma_start3A_1640, %dma_start3A_1641] : memref<16x32x128xf32, #tpu.memory_space<vmem>> -> memref<1x32x128xf32, #tpu.memory_space<vmem>>
        %dma_start3A_1643 = tpu.memref_squeeze %dma_start3A_1642 : memref<1x32x128xf32, #tpu.memory_space<vmem>> -> memref<32x128xf32, #tpu.memory_space<vmem>>
        %dma_start3A_1644 = arith.constant 0 : i32
        %dma_start3A_1645 = tpu.memref_slice %arg3[%dma_start3A_1644, %multiple_of3A_1638] : memref<32x1000000xf32, #tpu.memory_space<hbm>> -> memref<32x128xf32, #tpu.memory_space<hbm>>
        %dma_start3A_1646 = arith.constant 0 : i32
        %dma_start3A_1647 = arith.constant 0 : i32
        %dma_start3A_1648 = tpu.memref_slice %arg6[%dma_start3A_1639, %dma_start3A_1646, %dma_start3A_1647] : memref<16x32x128xf32, #tpu.memory_space<vmem>> -> memref<1x32x128xf32, #tpu.memory_space<vmem>>
        %dma_start3A_1649 = tpu.memref_squeeze %dma_start3A_1648 : memref<1x32x128xf32, #tpu.memory_space<vmem>> -> memref<32x128xf32, #tpu.memory_space<vmem>>
        %dma_start3A_1650 = arith.constant 0 : i32
        %dma_start3A_1651 = tpu.memref_slice %arg3[%dma_start3A_1650, %multiple_of3A_1638] : memref<32x1000000xf32, #tpu.memory_space<hbm>> -> memref<32x128xf32, #tpu.memory_space<hbm>>
        tpu.enqueue_dma source(%dma_start3A_1651 : memref<32x128xf32, #tpu.memory_space<hbm>>) target(%dma_start3A_1649 : memref<32x128xf32, #tpu.memory_space<vmem>>) target_semaphore(%arg20 : memref<!tpu.dma_semaphore, #tpu.memory_space<semaphore_mem>>)
      } else {
      }
      %mul3A_1413 = arith.constant 16 : i32
      %mul3A_1414 = arith.muli %scan3A_514, %mul3A_1413 : i32
      %add3A_1415 = arith.constant 13 : i32
      %add3A_1416 = arith.addi %mul3A_1414, %add3A_1415 : i32
      %dma_wait3A_1417 = arith.constant 13 : i32
      %dma_wait3A_1418 = arith.constant 0 : i32
      %dma_wait3A_1419 = arith.constant 0 : i32
      %dma_wait3A_1420 = tpu.memref_slice %arg6[%dma_wait3A_1417, %dma_wait3A_1418, %dma_wait3A_1419] : memref<16x32x128xf32, #tpu.memory_space<vmem>> -> memref<1x32x128xf32, #tpu.memory_space<vmem>>
      %dma_wait3A_1421 = tpu.memref_squeeze %dma_wait3A_1420 : memref<1x32x128xf32, #tpu.memory_space<vmem>> -> memref<32x128xf32, #tpu.memory_space<vmem>>
      %dma_wait3A_1422 = arith.constant 0 : i32
      %dma_wait3A_1423 = arith.constant 0 : i32
      %dma_wait3A_1424 = tpu.memref_slice %arg3[%dma_wait3A_1422, %dma_wait3A_1423] : memref<32x1000000xf32, #tpu.memory_space<hbm>> -> memref<32x128xf32, #tpu.memory_space<hbm>>
      %dma_wait3A_1425 = arith.constant 0 : i32
      %dma_wait3A_1426 = arith.constant 0 : i32
      %dma_wait3A_1427 = tpu.memref_slice %arg6[%dma_wait3A_1417, %dma_wait3A_1425, %dma_wait3A_1426] : memref<16x32x128xf32, #tpu.memory_space<vmem>> -> memref<1x32x128xf32, #tpu.memory_space<vmem>>
      %dma_wait3A_1428 = tpu.memref_squeeze %dma_wait3A_1427 : memref<1x32x128xf32, #tpu.memory_space<vmem>> -> memref<32x128xf32, #tpu.memory_space<vmem>>
      %dma_wait3A_1429 = arith.constant 0 : i32
      %dma_wait3A_1430 = arith.constant 0 : i32
      %dma_wait3A_1431 = tpu.memref_slice %arg3[%dma_wait3A_1429, %dma_wait3A_1430] : memref<32x1000000xf32, #tpu.memory_space<hbm>> -> memref<32x128xf32, #tpu.memory_space<hbm>>
      tpu.wait_dma2 semaphore(%arg21 : memref<!tpu.dma_semaphore, #tpu.memory_space<semaphore_mem>>) src(%dma_wait3A_1431 : memref<32x128xf32, #tpu.memory_space<hbm>>) dst(%dma_wait3A_1428 : memref<32x128xf32, #tpu.memory_space<vmem>>)
      %eq3A_1432 = arith.constant 13 : i32
      %eq3A_1433 = vector.broadcast %eq3A_1432 : i32 to vector<16xi32>
      %eq3A_1434 = arith.cmpi eq, %iota3A, %eq3A_1433 : vector<16xi32>
      %jit3A_1435 = arith.constant 0 : i32
      %broadcast_in_dim3A_1436 = vector.broadcast %jit3A_1435 : i32 to vector<16xi32>
      %select_n3A_1437 = arith.select %eq3A_1434, %scan3A_515, %broadcast_in_dim3A_1436 : vector<16xi1>, vector<16xi32>
      %reduce_max3A_1438 = arith.constant true
      %reduce_max3A_1439 = vector.broadcast %reduce_max3A_1438 : i1 to vector<16xi1>
      %reduce_max3A_1440 = arith.constant -2147483648 : i32
      %reduce_max3A_1441 = vector.broadcast %reduce_max3A_1440 : i32 to vector<16xi32>
      %reduce_max3A_1442 = arith.xori %select_n3A_1437, %reduce_max3A_1441 : vector<16xi32>
      %reduce_max3A_1443 = tpu.scan <max>, %reduce_max3A_1442 masked %reduce_max3A_1439 : vector<16xi32>, vector<16xi1> -> vector<16xi32>
      %reduce_max3A_1444 = arith.xori %reduce_max3A_1443, %reduce_max3A_1441 : vector<16xi32>
      %reduce_max3A_1445 = vector.extract %reduce_max3A_1444[15] : i32 from vector<16xi32>
      %broadcast_in_dim3A_1446 = arith.constant 1 : i32
      %broadcast_in_dim3A_1447 = vector.broadcast %broadcast_in_dim3A_1446 : i32 to vector<16xi32>
      %and3A_1448 = arith.constant 127 : i32
      %and3A_1449 = arith.andi %reduce_max3A_1445, %and3A_1448 : i32
      %mul3A_1450 = vector.broadcast %and3A_1449 : i32 to vector<16xi32>
      %mul3A_1451 = arith.muli %broadcast_in_dim3A_1447, %mul3A_1450 : vector<16xi32>
      %gather3A_1452 = arith.constant 13 : i32
      %gather3A_1453 = arith.constant 0 : i32
      %gather3A_1454 = arith.constant 0 : i32
      %gather3A_1455 = tpu.memref_slice %arg6[%gather3A_1452, %gather3A_1453, %gather3A_1454] : memref<16x32x128xf32, #tpu.memory_space<vmem>> -> memref<1x32x128xf32, #tpu.memory_space<vmem>>
      %gather3A_1456 = tpu.memref_squeeze %gather3A_1455 : memref<1x32x128xf32, #tpu.memory_space<vmem>> -> memref<32x128xf32, #tpu.memory_space<vmem>>
      %gather3A_1457 = tpu.vector_load_idx %gather3A_1456[%iota3A, %mul3A_1451] : memref<32x128xf32, #tpu.memory_space<vmem>>[vector<16xi32>, vector<16xi32>], vector<16xf32>,
      %add3A_1458 = arith.constant 16 : i32
      %add3A_1459 = vector.broadcast %add3A_1458 : i32 to vector<16xi32>
      %add3A_1460 = arith.addi %iota3A, %add3A_1459 : vector<16xi32>
      %gather3A_1461 = arith.constant 13 : i32
      %gather3A_1462 = arith.constant 0 : i32
      %gather3A_1463 = arith.constant 0 : i32
      %gather3A_1464 = tpu.memref_slice %arg6[%gather3A_1461, %gather3A_1462, %gather3A_1463] : memref<16x32x128xf32, #tpu.memory_space<vmem>> -> memref<1x32x128xf32, #tpu.memory_space<vmem>>
      %gather3A_1465 = tpu.memref_squeeze %gather3A_1464 : memref<1x32x128xf32, #tpu.memory_space<vmem>> -> memref<32x128xf32, #tpu.memory_space<vmem>>
      %gather3A_1466 = tpu.vector_load_idx %gather3A_1465[%add3A_1460, %mul3A_1451] : memref<32x128xf32, #tpu.memory_space<vmem>>[vector<16xi32>, vector<16xi32>], vector<16xf32>,
      %mul3A_1467 = arith.constant 32 : i32
      %mul3A_1468 = arith.muli %add3A_1416, %mul3A_1467 : i32
      %swap3A_1469 = arith.index_cast %mul3A_1468 : i32 to index
      %swap3A_1470 = tpu.vector_load %arg7[%swap3A_1469] {strides = array<i32>} : memref<16384xf32, #tpu.memory_space<vmem>>, vector<16xf32>,
      tpu.vector_store %arg7[%swap3A_1469], %gather3A_1457 {strides = array<i32>} : memref<16384xf32, #tpu.memory_space<vmem>>, vector<16xf32>,
      %mul3A_1471 = arith.constant 32 : i32
      %mul3A_1472 = arith.muli %add3A_1416, %mul3A_1471 : i32
      %add3A_1473 = arith.constant 16 : i32
      %add3A_1474 = arith.addi %mul3A_1472, %add3A_1473 : i32
      %swap3A_1475 = arith.index_cast %add3A_1474 : i32 to index
      %swap3A_1476 = tpu.vector_load %arg7[%swap3A_1475] {strides = array<i32>} : memref<16384xf32, #tpu.memory_space<vmem>>, vector<16xf32>,
      tpu.vector_store %arg7[%swap3A_1475], %gather3A_1466 {strides = array<i32>} : memref<16384xf32, #tpu.memory_space<vmem>>, vector<16xf32>,
      %lt3A_1477 = arith.constant 31 : i32
      %lt3A_1478 = arith.cmpi slt, %scan3A_514, %lt3A_1477 : i32
      %convert_element_type3A_1479 = arith.extui %lt3A_1478 : i1 to i32
      %cond3A_1480 = arith.constant 0 : i32
      %cond3A_1481 = arith.cmpi ne, %convert_element_type3A_1479, %cond3A_1480 : i32
      scf.if %cond3A_1481 {
        %eq3A_1620 = arith.constant 13 : i32
        %eq3A_1621 = vector.broadcast %eq3A_1620 : i32 to vector<16xi32>
        %eq3A_1622 = arith.cmpi eq, %iota3A, %eq3A_1621 : vector<16xi32>
        %jit3A_1623 = arith.constant 0 : i32
        %broadcast_in_dim3A_1624 = vector.broadcast %jit3A_1623 : i32 to vector<16xi32>
        %select_n3A_1625 = arith.select %eq3A_1622, %get3A_522, %broadcast_in_dim3A_1624 : vector<16xi1>, vector<16xi32>
        %reduce_max3A_1626 = arith.constant true
        %reduce_max3A_1627 = vector.broadcast %reduce_max3A_1626 : i1 to vector<16xi1>
        %reduce_max3A_1628 = arith.constant -2147483648 : i32
        %reduce_max3A_1629 = vector.broadcast %reduce_max3A_1628 : i32 to vector<16xi32>
        %reduce_max3A_1630 = arith.xori %select_n3A_1625, %reduce_max3A_1629 : vector<16xi32>
        %reduce_max3A_1631 = tpu.scan <max>, %reduce_max3A_1630 masked %reduce_max3A_1627 : vector<16xi32>, vector<16xi1> -> vector<16xi32>
        %reduce_max3A_1632 = arith.xori %reduce_max3A_1631, %reduce_max3A_1629 : vector<16xi32>
        %reduce_max3A_1633 = vector.extract %reduce_max3A_1632[15] : i32 from vector<16xi32>
        %shift_right_arithmetic3A_1634 = arith.constant 7 : i32
        %shift_right_arithmetic3A_1635 = arith.shrsi %reduce_max3A_1633, %shift_right_arithmetic3A_1634 : i32
        %shift_left3A_1636 = arith.constant 7 : i32
        %shift_left3A_1637 = arith.shli %shift_right_arithmetic3A_1635, %shift_left3A_1636 : i32
        %multiple_of3A_1638 = tpu.assume_multiple %shift_left3A_1637, 128 : i32
        %dma_start3A_1639 = arith.constant 13 : i32
        %dma_start3A_1640 = arith.constant 0 : i32
        %dma_start3A_1641 = arith.constant 0 : i32
        %dma_start3A_1642 = tpu.memref_slice %arg6[%dma_start3A_1639, %dma_start3A_1640, %dma_start3A_1641] : memref<16x32x128xf32, #tpu.memory_space<vmem>> -> memref<1x32x128xf32, #tpu.memory_space<vmem>>
        %dma_start3A_1643 = tpu.memref_squeeze %dma_start3A_1642 : memref<1x32x128xf32, #tpu.memory_space<vmem>> -> memref<32x128xf32, #tpu.memory_space<vmem>>
        %dma_start3A_1644 = arith.constant 0 : i32
        %dma_start3A_1645 = tpu.memref_slice %arg3[%dma_start3A_1644, %multiple_of3A_1638] : memref<32x1000000xf32, #tpu.memory_space<hbm>> -> memref<32x128xf32, #tpu.memory_space<hbm>>
        %dma_start3A_1646 = arith.constant 0 : i32
        %dma_start3A_1647 = arith.constant 0 : i32
        %dma_start3A_1648 = tpu.memref_slice %arg6[%dma_start3A_1639, %dma_start3A_1646, %dma_start3A_1647] : memref<16x32x128xf32, #tpu.memory_space<vmem>> -> memref<1x32x128xf32, #tpu.memory_space<vmem>>
        %dma_start3A_1649 = tpu.memref_squeeze %dma_start3A_1648 : memref<1x32x128xf32, #tpu.memory_space<vmem>> -> memref<32x128xf32, #tpu.memory_space<vmem>>
        %dma_start3A_1650 = arith.constant 0 : i32
        %dma_start3A_1651 = tpu.memref_slice %arg3[%dma_start3A_1650, %multiple_of3A_1638] : memref<32x1000000xf32, #tpu.memory_space<hbm>> -> memref<32x128xf32, #tpu.memory_space<hbm>>
        tpu.enqueue_dma source(%dma_start3A_1651 : memref<32x128xf32, #tpu.memory_space<hbm>>) target(%dma_start3A_1649 : memref<32x128xf32, #tpu.memory_space<vmem>>) target_semaphore(%arg21 : memref<!tpu.dma_semaphore, #tpu.memory_space<semaphore_mem>>)
      } else {
      }
      %mul3A_1482 = arith.constant 16 : i32
      %mul3A_1483 = arith.muli %scan3A_514, %mul3A_1482 : i32
      %add3A_1484 = arith.constant 14 : i32
      %add3A_1485 = arith.addi %mul3A_1483, %add3A_1484 : i32
      %dma_wait3A_1486 = arith.constant 14 : i32
      %dma_wait3A_1487 = arith.constant 0 : i32
      %dma_wait3A_1488 = arith.constant 0 : i32
      %dma_wait3A_1489 = tpu.memref_slice %arg6[%dma_wait3A_1486, %dma_wait3A_1487, %dma_wait3A_1488] : memref<16x32x128xf32, #tpu.memory_space<vmem>> -> memref<1x32x128xf32, #tpu.memory_space<vmem>>
      %dma_wait3A_1490 = tpu.memref_squeeze %dma_wait3A_1489 : memref<1x32x128xf32, #tpu.memory_space<vmem>> -> memref<32x128xf32, #tpu.memory_space<vmem>>
      %dma_wait3A_1491 = arith.constant 0 : i32
      %dma_wait3A_1492 = arith.constant 0 : i32
      %dma_wait3A_1493 = tpu.memref_slice %arg3[%dma_wait3A_1491, %dma_wait3A_1492] : memref<32x1000000xf32, #tpu.memory_space<hbm>> -> memref<32x128xf32, #tpu.memory_space<hbm>>
      %dma_wait3A_1494 = arith.constant 0 : i32
      %dma_wait3A_1495 = arith.constant 0 : i32
      %dma_wait3A_1496 = tpu.memref_slice %arg6[%dma_wait3A_1486, %dma_wait3A_1494, %dma_wait3A_1495] : memref<16x32x128xf32, #tpu.memory_space<vmem>> -> memref<1x32x128xf32, #tpu.memory_space<vmem>>
      %dma_wait3A_1497 = tpu.memref_squeeze %dma_wait3A_1496 : memref<1x32x128xf32, #tpu.memory_space<vmem>> -> memref<32x128xf32, #tpu.memory_space<vmem>>
      %dma_wait3A_1498 = arith.constant 0 : i32
      %dma_wait3A_1499 = arith.constant 0 : i32
      %dma_wait3A_1500 = tpu.memref_slice %arg3[%dma_wait3A_1498, %dma_wait3A_1499] : memref<32x1000000xf32, #tpu.memory_space<hbm>> -> memref<32x128xf32, #tpu.memory_space<hbm>>
      tpu.wait_dma2 semaphore(%arg22 : memref<!tpu.dma_semaphore, #tpu.memory_space<semaphore_mem>>) src(%dma_wait3A_1500 : memref<32x128xf32, #tpu.memory_space<hbm>>) dst(%dma_wait3A_1497 : memref<32x128xf32, #tpu.memory_space<vmem>>)
      %eq3A_1501 = arith.constant 14 : i32
      %eq3A_1502 = vector.broadcast %eq3A_1501 : i32 to vector<16xi32>
      %eq3A_1503 = arith.cmpi eq, %iota3A, %eq3A_1502 : vector<16xi32>
      %jit3A_1504 = arith.constant 0 : i32
      %broadcast_in_dim3A_1505 = vector.broadcast %jit3A_1504 : i32 to vector<16xi32>
      %select_n3A_1506 = arith.select %eq3A_1503, %scan3A_515, %broadcast_in_dim3A_1505 : vector<16xi1>, vector<16xi32>
      %reduce_max3A_1507 = arith.constant true
      %reduce_max3A_1508 = vector.broadcast %reduce_max3A_1507 : i1 to vector<16xi1>
      %reduce_max3A_1509 = arith.constant -2147483648 : i32
      %reduce_max3A_1510 = vector.broadcast %reduce_max3A_1509 : i32 to vector<16xi32>
      %reduce_max3A_1511 = arith.xori %select_n3A_1506, %reduce_max3A_1510 : vector<16xi32>
      %reduce_max3A_1512 = tpu.scan <max>, %reduce_max3A_1511 masked %reduce_max3A_1508 : vector<16xi32>, vector<16xi1> -> vector<16xi32>
      %reduce_max3A_1513 = arith.xori %reduce_max3A_1512, %reduce_max3A_1510 : vector<16xi32>
      %reduce_max3A_1514 = vector.extract %reduce_max3A_1513[15] : i32 from vector<16xi32>
      %broadcast_in_dim3A_1515 = arith.constant 1 : i32
      %broadcast_in_dim3A_1516 = vector.broadcast %broadcast_in_dim3A_1515 : i32 to vector<16xi32>
      %and3A_1517 = arith.constant 127 : i32
      %and3A_1518 = arith.andi %reduce_max3A_1514, %and3A_1517 : i32
      %mul3A_1519 = vector.broadcast %and3A_1518 : i32 to vector<16xi32>
      %mul3A_1520 = arith.muli %broadcast_in_dim3A_1516, %mul3A_1519 : vector<16xi32>
      %gather3A_1521 = arith.constant 14 : i32
      %gather3A_1522 = arith.constant 0 : i32
      %gather3A_1523 = arith.constant 0 : i32
      %gather3A_1524 = tpu.memref_slice %arg6[%gather3A_1521, %gather3A_1522, %gather3A_1523] : memref<16x32x128xf32, #tpu.memory_space<vmem>> -> memref<1x32x128xf32, #tpu.memory_space<vmem>>
      %gather3A_1525 = tpu.memref_squeeze %gather3A_1524 : memref<1x32x128xf32, #tpu.memory_space<vmem>> -> memref<32x128xf32, #tpu.memory_space<vmem>>
      %gather3A_1526 = tpu.vector_load_idx %gather3A_1525[%iota3A, %mul3A_1520] : memref<32x128xf32, #tpu.memory_space<vmem>>[vector<16xi32>, vector<16xi32>], vector<16xf32>,
      %add3A_1527 = arith.constant 16 : i32
      %add3A_1528 = vector.broadcast %add3A_1527 : i32 to vector<16xi32>
      %add3A_1529 = arith.addi %iota3A, %add3A_1528 : vector<16xi32>
      %gather3A_1530 = arith.constant 14 : i32
      %gather3A_1531 = arith.constant 0 : i32
      %gather3A_1532 = arith.constant 0 : i32
      %gather3A_1533 = tpu.memref_slice %arg6[%gather3A_1530, %gather3A_1531, %gather3A_1532] : memref<16x32x128xf32, #tpu.memory_space<vmem>> -> memref<1x32x128xf32, #tpu.memory_space<vmem>>
      %gather3A_1534 = tpu.memref_squeeze %gather3A_1533 : memref<1x32x128xf32, #tpu.memory_space<vmem>> -> memref<32x128xf32, #tpu.memory_space<vmem>>
      %gather3A_1535 = tpu.vector_load_idx %gather3A_1534[%add3A_1529, %mul3A_1520] : memref<32x128xf32, #tpu.memory_space<vmem>>[vector<16xi32>, vector<16xi32>], vector<16xf32>,
      %mul3A_1536 = arith.constant 32 : i32
      %mul3A_1537 = arith.muli %add3A_1485, %mul3A_1536 : i32
      %swap3A_1538 = arith.index_cast %mul3A_1537 : i32 to index
      %swap3A_1539 = tpu.vector_load %arg7[%swap3A_1538] {strides = array<i32>} : memref<16384xf32, #tpu.memory_space<vmem>>, vector<16xf32>,
      tpu.vector_store %arg7[%swap3A_1538], %gather3A_1526 {strides = array<i32>} : memref<16384xf32, #tpu.memory_space<vmem>>, vector<16xf32>,
      %mul3A_1540 = arith.constant 32 : i32
      %mul3A_1541 = arith.muli %add3A_1485, %mul3A_1540 : i32
      %add3A_1542 = arith.constant 16 : i32
      %add3A_1543 = arith.addi %mul3A_1541, %add3A_1542 : i32
      %swap3A_1544 = arith.index_cast %add3A_1543 : i32 to index
      %swap3A_1545 = tpu.vector_load %arg7[%swap3A_1544] {strides = array<i32>} : memref<16384xf32, #tpu.memory_space<vmem>>, vector<16xf32>,
      tpu.vector_store %arg7[%swap3A_1544], %gather3A_1535 {strides = array<i32>} : memref<16384xf32, #tpu.memory_space<vmem>>, vector<16xf32>,
      %lt3A_1546 = arith.constant 31 : i32
      %lt3A_1547 = arith.cmpi slt, %scan3A_514, %lt3A_1546 : i32
      %convert_element_type3A_1548 = arith.extui %lt3A_1547 : i1 to i32
      %cond3A_1549 = arith.constant 0 : i32
      %cond3A_1550 = arith.cmpi ne, %convert_element_type3A_1548, %cond3A_1549 : i32
      scf.if %cond3A_1550 {
        %eq3A_1620 = arith.constant 14 : i32
        %eq3A_1621 = vector.broadcast %eq3A_1620 : i32 to vector<16xi32>
        %eq3A_1622 = arith.cmpi eq, %iota3A, %eq3A_1621 : vector<16xi32>
        %jit3A_1623 = arith.constant 0 : i32
        %broadcast_in_dim3A_1624 = vector.broadcast %jit3A_1623 : i32 to vector<16xi32>
        %select_n3A_1625 = arith.select %eq3A_1622, %get3A_522, %broadcast_in_dim3A_1624 : vector<16xi1>, vector<16xi32>
        %reduce_max3A_1626 = arith.constant true
        %reduce_max3A_1627 = vector.broadcast %reduce_max3A_1626 : i1 to vector<16xi1>
        %reduce_max3A_1628 = arith.constant -2147483648 : i32
        %reduce_max3A_1629 = vector.broadcast %reduce_max3A_1628 : i32 to vector<16xi32>
        %reduce_max3A_1630 = arith.xori %select_n3A_1625, %reduce_max3A_1629 : vector<16xi32>
        %reduce_max3A_1631 = tpu.scan <max>, %reduce_max3A_1630 masked %reduce_max3A_1627 : vector<16xi32>, vector<16xi1> -> vector<16xi32>
        %reduce_max3A_1632 = arith.xori %reduce_max3A_1631, %reduce_max3A_1629 : vector<16xi32>
        %reduce_max3A_1633 = vector.extract %reduce_max3A_1632[15] : i32 from vector<16xi32>
        %shift_right_arithmetic3A_1634 = arith.constant 7 : i32
        %shift_right_arithmetic3A_1635 = arith.shrsi %reduce_max3A_1633, %shift_right_arithmetic3A_1634 : i32
        %shift_left3A_1636 = arith.constant 7 : i32
        %shift_left3A_1637 = arith.shli %shift_right_arithmetic3A_1635, %shift_left3A_1636 : i32
        %multiple_of3A_1638 = tpu.assume_multiple %shift_left3A_1637, 128 : i32
        %dma_start3A_1639 = arith.constant 14 : i32
        %dma_start3A_1640 = arith.constant 0 : i32
        %dma_start3A_1641 = arith.constant 0 : i32
        %dma_start3A_1642 = tpu.memref_slice %arg6[%dma_start3A_1639, %dma_start3A_1640, %dma_start3A_1641] : memref<16x32x128xf32, #tpu.memory_space<vmem>> -> memref<1x32x128xf32, #tpu.memory_space<vmem>>
        %dma_start3A_1643 = tpu.memref_squeeze %dma_start3A_1642 : memref<1x32x128xf32, #tpu.memory_space<vmem>> -> memref<32x128xf32, #tpu.memory_space<vmem>>
        %dma_start3A_1644 = arith.constant 0 : i32
        %dma_start3A_1645 = tpu.memref_slice %arg3[%dma_start3A_1644, %multiple_of3A_1638] : memref<32x1000000xf32, #tpu.memory_space<hbm>> -> memref<32x128xf32, #tpu.memory_space<hbm>>
        %dma_start3A_1646 = arith.constant 0 : i32
        %dma_start3A_1647 = arith.constant 0 : i32
        %dma_start3A_1648 = tpu.memref_slice %arg6[%dma_start3A_1639, %dma_start3A_1646, %dma_start3A_1647] : memref<16x32x128xf32, #tpu.memory_space<vmem>> -> memref<1x32x128xf32, #tpu.memory_space<vmem>>
        %dma_start3A_1649 = tpu.memref_squeeze %dma_start3A_1648 : memref<1x32x128xf32, #tpu.memory_space<vmem>> -> memref<32x128xf32, #tpu.memory_space<vmem>>
        %dma_start3A_1650 = arith.constant 0 : i32
        %dma_start3A_1651 = tpu.memref_slice %arg3[%dma_start3A_1650, %multiple_of3A_1638] : memref<32x1000000xf32, #tpu.memory_space<hbm>> -> memref<32x128xf32, #tpu.memory_space<hbm>>
        tpu.enqueue_dma source(%dma_start3A_1651 : memref<32x128xf32, #tpu.memory_space<hbm>>) target(%dma_start3A_1649 : memref<32x128xf32, #tpu.memory_space<vmem>>) target_semaphore(%arg22 : memref<!tpu.dma_semaphore, #tpu.memory_space<semaphore_mem>>)
      } else {
      }
      %mul3A_1551 = arith.constant 16 : i32
      %mul3A_1552 = arith.muli %scan3A_514, %mul3A_1551 : i32
      %add3A_1553 = arith.constant 15 : i32
      %add3A_1554 = arith.addi %mul3A_1552, %add3A_1553 : i32
      %dma_wait3A_1555 = arith.constant 15 : i32
      %dma_wait3A_1556 = arith.constant 0 : i32
      %dma_wait3A_1557 = arith.constant 0 : i32
      %dma_wait3A_1558 = tpu.memref_slice %arg6[%dma_wait3A_1555, %dma_wait3A_1556, %dma_wait3A_1557] : memref<16x32x128xf32, #tpu.memory_space<vmem>> -> memref<1x32x128xf32, #tpu.memory_space<vmem>>
      %dma_wait3A_1559 = tpu.memref_squeeze %dma_wait3A_1558 : memref<1x32x128xf32, #tpu.memory_space<vmem>> -> memref<32x128xf32, #tpu.memory_space<vmem>>
      %dma_wait3A_1560 = arith.constant 0 : i32
      %dma_wait3A_1561 = arith.constant 0 : i32
      %dma_wait3A_1562 = tpu.memref_slice %arg3[%dma_wait3A_1560, %dma_wait3A_1561] : memref<32x1000000xf32, #tpu.memory_space<hbm>> -> memref<32x128xf32, #tpu.memory_space<hbm>>
      %dma_wait3A_1563 = arith.constant 0 : i32
      %dma_wait3A_1564 = arith.constant 0 : i32
      %dma_wait3A_1565 = tpu.memref_slice %arg6[%dma_wait3A_1555, %dma_wait3A_1563, %dma_wait3A_1564] : memref<16x32x128xf32, #tpu.memory_space<vmem>> -> memref<1x32x128xf32, #tpu.memory_space<vmem>>
      %dma_wait3A_1566 = tpu.memref_squeeze %dma_wait3A_1565 : memref<1x32x128xf32, #tpu.memory_space<vmem>> -> memref<32x128xf32, #tpu.memory_space<vmem>>
      %dma_wait3A_1567 = arith.constant 0 : i32
      %dma_wait3A_1568 = arith.constant 0 : i32
      %dma_wait3A_1569 = tpu.memref_slice %arg3[%dma_wait3A_1567, %dma_wait3A_1568] : memref<32x1000000xf32, #tpu.memory_space<hbm>> -> memref<32x128xf32, #tpu.memory_space<hbm>>
      tpu.wait_dma2 semaphore(%arg23 : memref<!tpu.dma_semaphore, #tpu.memory_space<semaphore_mem>>) src(%dma_wait3A_1569 : memref<32x128xf32, #tpu.memory_space<hbm>>) dst(%dma_wait3A_1566 : memref<32x128xf32, #tpu.memory_space<vmem>>)
      %eq3A_1570 = arith.constant 15 : i32
      %eq3A_1571 = vector.broadcast %eq3A_1570 : i32 to vector<16xi32>
      %eq3A_1572 = arith.cmpi eq, %iota3A, %eq3A_1571 : vector<16xi32>
      %jit3A_1573 = arith.constant 0 : i32
      %broadcast_in_dim3A_1574 = vector.broadcast %jit3A_1573 : i32 to vector<16xi32>
      %select_n3A_1575 = arith.select %eq3A_1572, %scan3A_515, %broadcast_in_dim3A_1574 : vector<16xi1>, vector<16xi32>
      %reduce_max3A_1576 = arith.constant true
      %reduce_max3A_1577 = vector.broadcast %reduce_max3A_1576 : i1 to vector<16xi1>
      %reduce_max3A_1578 = arith.constant -2147483648 : i32
      %reduce_max3A_1579 = vector.broadcast %reduce_max3A_1578 : i32 to vector<16xi32>
      %reduce_max3A_1580 = arith.xori %select_n3A_1575, %reduce_max3A_1579 : vector<16xi32>
      %reduce_max3A_1581 = tpu.scan <max>, %reduce_max3A_1580 masked %reduce_max3A_1577 : vector<16xi32>, vector<16xi1> -> vector<16xi32>
      %reduce_max3A_1582 = arith.xori %reduce_max3A_1581, %reduce_max3A_1579 : vector<16xi32>
      %reduce_max3A_1583 = vector.extract %reduce_max3A_1582[15] : i32 from vector<16xi32>
      %broadcast_in_dim3A_1584 = arith.constant 1 : i32
      %broadcast_in_dim3A_1585 = vector.broadcast %broadcast_in_dim3A_1584 : i32 to vector<16xi32>
      %and3A_1586 = arith.constant 127 : i32
      %and3A_1587 = arith.andi %reduce_max3A_1583, %and3A_1586 : i32
      %mul3A_1588 = vector.broadcast %and3A_1587 : i32 to vector<16xi32>
      %mul3A_1589 = arith.muli %broadcast_in_dim3A_1585, %mul3A_1588 : vector<16xi32>
      %gather3A_1590 = arith.constant 15 : i32
      %gather3A_1591 = arith.constant 0 : i32
      %gather3A_1592 = arith.constant 0 : i32
      %gather3A_1593 = tpu.memref_slice %arg6[%gather3A_1590, %gather3A_1591, %gather3A_1592] : memref<16x32x128xf32, #tpu.memory_space<vmem>> -> memref<1x32x128xf32, #tpu.memory_space<vmem>>
      %gather3A_1594 = tpu.memref_squeeze %gather3A_1593 : memref<1x32x128xf32, #tpu.memory_space<vmem>> -> memref<32x128xf32, #tpu.memory_space<vmem>>
      %gather3A_1595 = tpu.vector_load_idx %gather3A_1594[%iota3A, %mul3A_1589] : memref<32x128xf32, #tpu.memory_space<vmem>>[vector<16xi32>, vector<16xi32>], vector<16xf32>,
      %add3A_1596 = arith.constant 16 : i32
      %add3A_1597 = vector.broadcast %add3A_1596 : i32 to vector<16xi32>
      %add3A_1598 = arith.addi %iota3A, %add3A_1597 : vector<16xi32>
      %gather3A_1599 = arith.constant 15 : i32
      %gather3A_1600 = arith.constant 0 : i32
      %gather3A_1601 = arith.constant 0 : i32
      %gather3A_1602 = tpu.memref_slice %arg6[%gather3A_1599, %gather3A_1600, %gather3A_1601] : memref<16x32x128xf32, #tpu.memory_space<vmem>> -> memref<1x32x128xf32, #tpu.memory_space<vmem>>
      %gather3A_1603 = tpu.memref_squeeze %gather3A_1602 : memref<1x32x128xf32, #tpu.memory_space<vmem>> -> memref<32x128xf32, #tpu.memory_space<vmem>>
      %gather3A_1604 = tpu.vector_load_idx %gather3A_1603[%add3A_1598, %mul3A_1589] : memref<32x128xf32, #tpu.memory_space<vmem>>[vector<16xi32>, vector<16xi32>], vector<16xf32>,
      %mul3A_1605 = arith.constant 32 : i32
      %mul3A_1606 = arith.muli %add3A_1554, %mul3A_1605 : i32
      %swap3A_1607 = arith.index_cast %mul3A_1606 : i32 to index
      %swap3A_1608 = tpu.vector_load %arg7[%swap3A_1607] {strides = array<i32>} : memref<16384xf32, #tpu.memory_space<vmem>>, vector<16xf32>,
      tpu.vector_store %arg7[%swap3A_1607], %gather3A_1595 {strides = array<i32>} : memref<16384xf32, #tpu.memory_space<vmem>>, vector<16xf32>,
      %mul3A_1609 = arith.constant 32 : i32
      %mul3A_1610 = arith.muli %add3A_1554, %mul3A_1609 : i32
      %add3A_1611 = arith.constant 16 : i32
      %add3A_1612 = arith.addi %mul3A_1610, %add3A_1611 : i32
      %swap3A_1613 = arith.index_cast %add3A_1612 : i32 to index
      %swap3A_1614 = tpu.vector_load %arg7[%swap3A_1613] {strides = array<i32>} : memref<16384xf32, #tpu.memory_space<vmem>>, vector<16xf32>,
      tpu.vector_store %arg7[%swap3A_1613], %gather3A_1604 {strides = array<i32>} : memref<16384xf32, #tpu.memory_space<vmem>>, vector<16xf32>,
      %lt3A_1615 = arith.constant 31 : i32
      %lt3A_1616 = arith.cmpi slt, %scan3A_514, %lt3A_1615 : i32
      %convert_element_type3A_1617 = arith.extui %lt3A_1616 : i1 to i32
      %cond3A_1618 = arith.constant 0 : i32
      %cond3A_1619 = arith.cmpi ne, %convert_element_type3A_1617, %cond3A_1618 : i32
      scf.if %cond3A_1619 {
        %eq3A_1620 = arith.constant 15 : i32
        %eq3A_1621 = vector.broadcast %eq3A_1620 : i32 to vector<16xi32>
        %eq3A_1622 = arith.cmpi eq, %iota3A, %eq3A_1621 : vector<16xi32>
        %jit3A_1623 = arith.constant 0 : i32
        %broadcast_in_dim3A_1624 = vector.broadcast %jit3A_1623 : i32 to vector<16xi32>
        %select_n3A_1625 = arith.select %eq3A_1622, %get3A_522, %broadcast_in_dim3A_1624 : vector<16xi1>, vector<16xi32>
        %reduce_max3A_1626 = arith.constant true
        %reduce_max3A_1627 = vector.broadcast %reduce_max3A_1626 : i1 to vector<16xi1>
        %reduce_max3A_1628 = arith.constant -2147483648 : i32
        %reduce_max3A_1629 = vector.broadcast %reduce_max3A_1628 : i32 to vector<16xi32>
        %reduce_max3A_1630 = arith.xori %select_n3A_1625, %reduce_max3A_1629 : vector<16xi32>
        %reduce_max3A_1631 = tpu.scan <max>, %reduce_max3A_1630 masked %reduce_max3A_1627 : vector<16xi32>, vector<16xi1> -> vector<16xi32>
        %reduce_max3A_1632 = arith.xori %reduce_max3A_1631, %reduce_max3A_1629 : vector<16xi32>
        %reduce_max3A_1633 = vector.extract %reduce_max3A_1632[15] : i32 from vector<16xi32>
        %shift_right_arithmetic3A_1634 = arith.constant 7 : i32
        %shift_right_arithmetic3A_1635 = arith.shrsi %reduce_max3A_1633, %shift_right_arithmetic3A_1634 : i32
        %shift_left3A_1636 = arith.constant 7 : i32
        %shift_left3A_1637 = arith.shli %shift_right_arithmetic3A_1635, %shift_left3A_1636 : i32
        %multiple_of3A_1638 = tpu.assume_multiple %shift_left3A_1637, 128 : i32
        %dma_start3A_1639 = arith.constant 15 : i32
        %dma_start3A_1640 = arith.constant 0 : i32
        %dma_start3A_1641 = arith.constant 0 : i32
        %dma_start3A_1642 = tpu.memref_slice %arg6[%dma_start3A_1639, %dma_start3A_1640, %dma_start3A_1641] : memref<16x32x128xf32, #tpu.memory_space<vmem>> -> memref<1x32x128xf32, #tpu.memory_space<vmem>>
        %dma_start3A_1643 = tpu.memref_squeeze %dma_start3A_1642 : memref<1x32x128xf32, #tpu.memory_space<vmem>> -> memref<32x128xf32, #tpu.memory_space<vmem>>
        %dma_start3A_1644 = arith.constant 0 : i32
        %dma_start3A_1645 = tpu.memref_slice %arg3[%dma_start3A_1644, %multiple_of3A_1638] : memref<32x1000000xf32, #tpu.memory_space<hbm>> -> memref<32x128xf32, #tpu.memory_space<hbm>>
        %dma_start3A_1646 = arith.constant 0 : i32
        %dma_start3A_1647 = arith.constant 0 : i32
        %dma_start3A_1648 = tpu.memref_slice %arg6[%dma_start3A_1639, %dma_start3A_1646, %dma_start3A_1647] : memref<16x32x128xf32, #tpu.memory_space<vmem>> -> memref<1x32x128xf32, #tpu.memory_space<vmem>>
        %dma_start3A_1649 = tpu.memref_squeeze %dma_start3A_1648 : memref<1x32x128xf32, #tpu.memory_space<vmem>> -> memref<32x128xf32, #tpu.memory_space<vmem>>
        %dma_start3A_1650 = arith.constant 0 : i32
        %dma_start3A_1651 = tpu.memref_slice %arg3[%dma_start3A_1650, %multiple_of3A_1638] : memref<32x1000000xf32, #tpu.memory_space<hbm>> -> memref<32x128xf32, #tpu.memory_space<hbm>>
        tpu.enqueue_dma source(%dma_start3A_1651 : memref<32x128xf32, #tpu.memory_space<hbm>>) target(%dma_start3A_1649 : memref<32x128xf32, #tpu.memory_space<vmem>>) target_semaphore(%arg23 : memref<!tpu.dma_semaphore, #tpu.memory_space<semaphore_mem>>)
      } else {
      }
      scf.yield %get3A_522 : vector<16xi32>
    }
    %scan3A_511 = arith.constant 32 : i32
    %mul3A_512 = arith.constant 32 : i32
    %mul3A_513 = arith.muli %mul3A_2, %mul3A_512 : i32
    "tpu.region"() ({
      %run_scoped3A = tpu.sem_alloc : memref<!tpu.dma_semaphore, #tpu.memory_space<semaphore_mem>>
      %dma_start3A_514 = tpu.memref_slice %arg4[%mul3A_513] : memref<524288xf32, #tpu.memory_space<hbm>> -> memref<16384xf32, #tpu.memory_space<hbm>>
      %dma_start3A_515 = tpu.memref_slice %arg4[%mul3A_513] : memref<524288xf32, #tpu.memory_space<hbm>> -> memref<16384xf32, #tpu.memory_space<hbm>>
      tpu.enqueue_dma source(%arg7 : memref<16384xf32, #tpu.memory_space<vmem>>) target(%dma_start3A_515 : memref<16384xf32, #tpu.memory_space<hbm>>) target_semaphore(%run_scoped3A : memref<!tpu.dma_semaphore, #tpu.memory_space<semaphore_mem>>)
      %dma_wait3A = tpu.memref_slice %arg4[%mul3A_513] : memref<524288xf32, #tpu.memory_space<hbm>> -> memref<16384xf32, #tpu.memory_space<hbm>>
      %dma_wait3A_516 = tpu.memref_slice %arg4[%mul3A_513] : memref<524288xf32, #tpu.memory_space<hbm>> -> memref<16384xf32, #tpu.memory_space<hbm>>
      tpu.wait_dma2 semaphore(%run_scoped3A : memref<!tpu.dma_semaphore, #tpu.memory_space<semaphore_mem>>) src(%arg7 : memref<16384xf32, #tpu.memory_space<vmem>>) dst(%dma_wait3A_516 : memref<16384xf32, #tpu.memory_space<hbm>>)
      tpu.yield
    }) : () -> ()
    return
  }
}

</mosaic_0001>

<sc_bundles>
// kernel: kernel.3.cloned.1.call-start
scs
__scs_entry_jumppad:
0x0: {  	(pc) =	sbr.rel $0x88, $3  }
0x1: {  	(tag) =	ssettag $0x0;
	lr =	simm.s32 $0x1  }
0x2: {  	[smem:$0x3F9F] =	sst lr;
	_ =	strace $0xD0000000  }
0x3: {  	_ = 	snop  }
0x4: {  	_ = 	snop  }
0x5: {  	_ = 	snop  }
0x6: {  	_ = 	snop  }
0x7: {  	_ = 	snop  }
__scs_overlays_trampoline_lowered:
0x8: {  	[smem:$0x3FAE] =	sst s0  }
0x9: {  	[smem:$0x3FAF] =	sst s1  }
0xa: {  	[smem:$0x3FB0] =	sst s2  }
0xb: {  	[smem:$0x3FB1] =	sst s3  }
0xc: {  	[smem:$0x3FB2] =	sst s4  }
0xd: {  	[smem:$0x3FB3] =	sst s5  }
0xe: {  	[smem:$0x3FB4] =	sst s6  }
0xf: {  	[smem:$0x3FB5] =	sst s7  }
0x10: {  	[smem:$0x3FB6] =	sst s8  }
0x11: {  	[smem:$0x3FB7] =	sst s9;
	s0 =	simm.s32 @!p0 $0x0  }
0x12: {  	s1 =	sld [smem:$0x3F9D];
	s0 =	simm.s32 @p0 $0x1  }
0x13: {  	[smem:$0x3FB8] =	sst s0;
	s0 =	simm.s32 @!p1 $0x0  }
0x14: {  	s2 =	sld [smem:$0x3F9C];
	s0 =	simm.s32 @p1 $0x1  }
0x15: {  	[smem:$0x3FB9] =	sst s0;
	s0 =	simm.s32 @!p2 $0x0  }
0x16: {  	s3 =	sld [smem:$0x3FDB];
	s0 =	simm.s32 @p2 $0x1  }
0x17: {  	s4 =	simm.s32 $0x1BF5;
	[smem:$0x3FBB] =	sst s0  }
0x18: {  	s0 =	sld [smem:$0x3F9E];
	_ =	swait.ge [sflag:s4], $0x0  }
0x19: {  	s7 =	sld [smem:$0x3F9F]  }
0x1a: {  	s8 =	sadd.s32 $0xFFFFE003, lr  }
0x1b: {  	s9 =	sadd.s32 $0xFFFFFEF7, lr;
	s5 =	simm.s32 $0xFFFFFFFF;
	p2 =	slt.u32 s8, $0xFFFFF086  }
0x1c: {  	p1 =	slt.u32 s9, $0xF7A;
	s5 =	simm.s32 @!p2 $0x0  }
0x1d: {  	s5 =	simm.s32 @p1 $0x1;
	p0 =	seq.s32 s7, s2  }
0x1e: {  	s7 =	smul.u32 @!p0 $0xF7A, s2;
	p2 =	seq.s32 @!p0 s5, $0x0  }
0x1f: {  	s9 =	smul.u32 $0xF7A, s1;
	s8 =	simm.s32 @!p0 $0x1BF5;
	p2 =	por !p2, p0  }
0x20: {  	[sflag:s8] =	ssyncset.s32 @!p0 $0xFFFFF086;
	s6 =	sadd.s32 @!p0 s3, s7;
	s7 =	simm.s32 @!p0 $0x108  }
0x21: {  	s3 =	sadd.s32 s3, s9;
	s6 =	sadd.s32 @!p0 $0x88, s6;
	s7 =	simm.s32 @p2 $0x1082  }
0x22: {  	[simem:s7], [sflag:s8] =	dma.local @!p0 [hbm:s6], $0xF7A  }
0x23: {  	s9 =	sor.u32 $0xD0000000, s2;
	s6 =	simm.s32 $0x108;
	_ =	swait.ge @!p0 [sflag:s8], $0x0  }
0x24: {  	s3 =	sadd.s32 $0x88, s3;
	s6 =	simm.s32 @!p1 $0x1082;
	[sflag:s4] =	ssyncset.s32 $0xFFFFF086  }
0x25: {  	[simem:s6], [sflag:s4] =	dma.local [hbm:s3], $0xF7A  }
0x26: {  	[smem:$0x3F9F] =	sst s1;
	(tag) =	ssettag s2;
	_ =	strace s9  }
0x27: {  	s1 =	sld [smem:$0x3FAF]  }
0x28: {  	s2 =	sld [smem:$0x3FB0]  }
0x29: {  	s4 =	sld [smem:$0x3FB2]  }
0x2a: {  	p0 =	seq.s32 s5, $0x0;
	s5 =	sld [smem:$0x3FB3]  }
0x2b: {  	s6 =	sld [smem:$0x3FB4]  }
0x2c: {  	s7 =	sld [smem:$0x3FB5]  }
0x2d: {  	s3 =	simm.s32 $0x108;
	s8 =	sld [smem:$0x3FB6]  }
0x2e: {  	s3 =	simm.s32 @!p0 $0x1082;
	s9 =	sld [smem:$0x3FB7]  }
0x2f: {  	lr =	sadd.s32 s0, s3;
	s0 =	sld [smem:$0x3FAE]  }
0x30: {  	s3 =	sld [smem:$0x3FB1]  }
0x31: {  	[smem:$0x3FBA] =	sst s10  }
0x32: {  	s10 =	sld [smem:$0x3FB8];
	_ =	sdelay $0x3  }
0x33: {  	p0 =	seq.s32 s10, $0x1;
	s10 =	sld [smem:$0x3FBA];
	_ =	sdelay $0x3  }
0x34: {  	[smem:$0x3FBA] =	sst s10  }
0x35: {  	s10 =	sld [smem:$0x3FB9];
	_ =	sdelay $0x3  }
0x36: {  	p1 =	seq.s32 s10, $0x1;
	s10 =	sld [smem:$0x3FBA];
	_ =	sdelay $0x3  }
0x37: {  	[smem:$0x3FBA] =	sst s10  }
0x38: {  	s10 =	sld [smem:$0x3FBB]  }
0x39: {  	_ = 	snop;
	(pc) =	sbr.ind lr, $3  }
0x3a: {  	_ = 	snop  }
0x3b: {  	_ = 	snop  }
0x3c: {  	p2 =	seq.s32 s10, $0x1;
	s10 =	sld [smem:$0x3FBA]  }
0x3d: {  	_ =	shalt  }
0x3e: {  	_ =	shalt  }
0x3f: {  	_ =	shalt  }
0x40: {  	_ =	shalt  }
0x41: {  	_ =	shalt  }
0x42: {  	_ =	shalt  }
0x43: {  	_ =	shalt  }
0x44: {  	_ =	shalt  }
0x45: {  	_ =	shalt  }
0x46: {  	_ =	shalt  }
0x47: {  	_ =	shalt  }
0x48: {  	_ =	shalt  }
0x49: {  	_ =	shalt  }
0x4a: {  	_ =	shalt  }
0x4b: {  	_ =	shalt  }
0x4c: {  	_ =	shalt  }
0x4d: {  	_ =	shalt  }
0x4e: {  	_ =	shalt  }
0x4f: {  	_ =	shalt  }
0x50: {  	_ =	shalt  }
0x51: {  	_ =	shalt  }
0x52: {  	_ =	shalt  }
0x53: {  	_ =	shalt  }
0x54: {  	_ =	shalt  }
0x55: {  	_ =	shalt  }
0x56: {  	_ =	shalt  }
0x57: {  	_ =	shalt  }
0x58: {  	_ =	shalt  }
0x59: {  	_ =	shalt  }
0x5a: {  	_ =	shalt  }
0x5b: {  	_ =	shalt  }
0x5c: {  	_ =	shalt  }
0x5d: {  	_ =	shalt  }
0x5e: {  	_ =	shalt  }
0x5f: {  	_ =	shalt  }
0x60: {  	_ =	shalt  }
0x61: {  	_ =	shalt  }
0x62: {  	_ =	shalt  }
0x63: {  	_ =	shalt  }
0x64: {  	_ =	shalt  }
0x65: {  	_ =	shalt  }
0x66: {  	_ =	shalt  }
0x67: {  	_ =	shalt  }
0x68: {  	_ =	shalt  }
0x69: {  	_ =	shalt  }
0x6a: {  	_ =	shalt  }
0x6b: {  	_ =	shalt  }
0x6c: {  	_ =	shalt  }
0x6d: {  	_ =	shalt  }
0x6e: {  	_ =	shalt  }
0x6f: {  	_ =	shalt  }
0x70: {  	_ =	shalt  }
0x71: {  	_ =	shalt  }
0x72: {  	_ =	shalt  }
0x73: {  	_ =	shalt  }
0x74: {  	_ =	shalt  }
0x75: {  	_ =	shalt  }
0x76: {  	_ =	shalt  }
0x77: {  	_ =	shalt  }
0x78: {  	_ =	shalt  }
0x79: {  	_ =	shalt  }
0x7a: {  	_ =	shalt  }
0x7b: {  	_ =	shalt  }
0x7c: {  	_ =	shalt  }
0x7d: {  	_ =	shalt  }
0x7e: {  	_ =	shalt  }
0x7f: {  	_ =	shalt  }
0x80: {  	_ =	shalt  }
0x81: {  	_ =	shalt  }
0x82: {  	_ =	shalt  }
0x83: {  	_ =	shalt  }
0x84: {  	_ =	shalt  }
0x85: {  	_ =	shalt  }
0x86: {  	_ =	shalt  }
0x87: {  	_ =	shalt  }
.Lfunc_end0:
.L_simem_size_0:
called_computation_lowered:
.L_overlay_start_0:
0x88: {  	s2 =	sld [smem:$0x3FD9]  }
0x89: {  	s3 =	sld [smem:$0x3FFE];
	_ =	sdelay $0x1  }
0x8a: {  	s1 =	srdreg.scid  }
0x8b: {  	s0 =	sand.u32 $0x1, s1  }
0x8c: {  	s17 =	sshll.u32 s0, $0xA;
	s2 =	sadd.s32 s3, s2  }
0x8d: {  	s2 =	sadd.s32 s2, s17  }
0x8e: {  	[smem:$0x3FC6] =	sst s2  }
0x8f: {  	_ = 	snop  }
0x90: {  	s2 =	sld [smem:$0x3FC8]  }
0x91: {  	s18 =	sld [smem:$0x3FD0];
	(tm) =	ssettm $0x1  }
0x92: {  	s4 =	sld [smem:$0x3FFB];
	_ =	sdelay $0x3  }
0x93: {  	_ =	strace s4  }
0x94: {  	s4 =	sld [smem:$0x3FFC];
	_ =	sdelay $0x3  }
0x95: {  	_ =	strace s4  }
0x96: {  	s4 =	sld [smem:$0x3FFD];
	_ =	sdelay $0x3  }
0x97: {  	_ =	strace s4  }
0x98: {  	_ =	strace $0x8FFFFFFF  }
0x99: {  	s19 =	sld [smem:$0x3FDB];
	_ =	sdelay $0x1  }
0x9a: {  	s5 =	simm.s32 $_scs_section_size  }
0x9b: {  	s6 =	simm.s32 $_size__tile_overlayer_lowered;
	s7 =	simm.s32 $_tile_overlayer_lowered  }
0x9c: {  	s22 =	simm.s32 $0x1BFF;
	s21 =	sshll.u32 s7, $0x1;
	s4 =	sadd.s32 s5, s19  }
0x9d: {  	s8 =	simm.s32 $0x0;
	s20 =	sshll.u32 s6, $0x1;
	s6 =	sadd.s32 s21, s4  }
0x9e: {  	[timem:s8], [sflag:s22] =	dma.local [hbm:s6], s20  }
0x9f: {  	_ =	swait.ge [sflag:s22], s20  }
0xa0: {  	s5 =	ssub.s32 $0x0, s20;
	[sflag:s22] =	ssyncset.done $0x0  }
0xa1: {  	[sflag:s22] =	ssyncadd.s32 s5;
	_ =	sdelay $0x1  }
0xa2: {  	s23 =	simm.s32 $0x1B8B  }
0xa3: {  	_ =	swait.ge [sflag:s23], $0x1  }
0xa4: {  	[sflag:s23] =	ssyncset.done $0x0  }
0xa5: {  	s25 =	simm.s32 $0x1B8E;
	s24 =	sld [smem:$0x3FFE];
	[sflag:s23] =	ssyncadd.s32 $0xFFFFFFFF  }
0xa6: {  	s26 =	simm.s32 $execute0_lowered;
	[smem:$0x3FD2] =	sst s25  }
0xa7: {  	s6 =	sshll.u32 s26, $0x1;
	_ =	strace $0x80000046;
	[dreg:$0x1] =	wrdreg $0xFFFFFFFF  }
0xa8: {  	s28 =	simm.s32 $_size_execute0_lowered;
	s4 =	sadd.s32 s4, s6;
	[dreg:$0x0] =	wrdreg $0x0  }
0xa9: {  	s6 =	sshll.u32 s28, $0x1;
	[dreg:$0x2] =	wrdreg s4  }
0xaa: {  	[dreg:$0x3] =	wrdreg s6  }
0xab: {  	[dreg:$0x4] =	wrdreg $0xC0  }
0xac: {  	_ =	task [dreg:s8], $0x5FFFF  }
0xad: {  	[dreg:$0x1] =	wrdreg $0xFFFFFFFF  }
0xae: {  	[dreg:$0x0] =	wrdreg $0x60  }
0xaf: {  	[dreg:$0x2] =	wrdreg s24  }
0xb0: {  	[dreg:$0x3] =	wrdreg s2  }
0xb1: {  	[dreg:$0x4] =	wrdreg s18  }
0xb2: {  	[dreg:$0x5] =	wrdreg $0x9  }
0xb3: {  	_ =	task.clear_ibuf [dreg:s8], $0x6FFFF;
	_ =	strace $0x90000046  }
0xb4: {  	s29 =	simm.s32 $0x9;
	_ =	strace $0x80000048  }
0xb5: {  	_ =	swait.ge [sflag:s29], $0x1  }
0xb6: {  	[sflag:s29] =	ssyncadd.s32 $0xFFFFFFFF  }
0xb7: {  	_ =	strace $0x90000048  }
0xb8: {  	_ =	sfence  }
0xb9: {  	s30 =	sld [smem:$0x0];
	_ =	sdelay $0x2  }
0xba: {  	s31 =	sshll.u32 s1, $0xD;
	s1 =	sshrl.u32 s1, $0x2  }
0xbb: {  	s3 =	sand.u32 $0x4000, s31;
	s1 =	sadd.s32 s1, s30  }
0xbc: {  	s0 =	sor.u32 s3, s0;
	s1 =	sshll.u32 s1, $0x11  }
0xbd: {  	s0 =	sor.u32 s1, s0  }
0xbe: {  	s0 =	sadd.s32 $0x8F2B, s0  }
0xbf: {  	[sflag:s0] =	ssyncadd.remote.s32 $0x1  }
0xc0: {  	_ =	sfence.sel $0xFFFF  }
0xc1: {  	[dreg:$0x0] =	wrdreg $0xFFFFFFFF;
	(pc) =	sbr.abs _section_cstart, $3  }
0xc2: {  	[dreg:$0x1] =	wrdreg $0xFFFFFFFF  }
0xc3: {  	_ =	task.clear_ibuf [dreg:s8], $0x2FFFF;
	_ =	strace $0x9FFFFFFF  }
0xc4: {  	(tm) =	ssettm $0x7FFFFFFF  }
0xc5: {  	_ =	shalt  }
tec
execute0_lowered:
.L_overlay_start_1:
0x0: {  	(tag) =	ssettag $0x1  }
0x1: {  	s0 =	rddreg [dreg:$0x0]  }
0x2: {  	s2 =	rddreg [dreg:$0x1];
	s1 =	srdreg.scid  }
0x3: {  	s4 =	stileid.u32;
	s3 =	rddreg [dreg:$0x2];
	s12 =	simm.s32 $0x0  }
0x4: {  	s14 =	simm.s32 $0x11;
	s16 =	simm.s32 $0x200;
	s17 =	simm.s32 $0x1200  }
0x5: {  	s18 =	simm.s32 $0x2200;
	s19 =	simm.s32 $0x3200;
	s20 =	simm.s32 $0x4200  }
0x6: {  	s21 =	simm.s32 $0x5200;
	s22 =	simm.s32 $0x6200;
	s23 =	simm.s32 $0x7200  }
0x7: {  	s28 =	simm.s32 $0x2;
	s29 =	simm.s32 $0x3;
	s30 =	simm.s32 $0x4  }
0x8: {  	s31 =	simm.s32 $0x5;
	s6 =	simm.s32 $0xB;
	s7 =	simm.s32 $0xC  }
0x9: {  	s8 =	simm.s32 $0xD;
	s9 =	simm.s32 $0xE;
	s10 =	simm.s32 $0xF  }
0xa: {  	s11 =	simm.s32 $0x10;
	s1 =	sand.u32 $0x1, s1;
	s4 =	sshll.u32 s4, $0x1  }
0xb: {  	s15 =	simm.s32 $0x0;
	[smem:$0x7FF] =	sst s12;
	s4 =	sor.u32 s1, s4  }
0xc: {  	vm15 =	vmmov $0x1;
	vm2 =	vcmask $0x308;
	vm3 =	vcmask $0x70C;
	s1 =	ssub.s32 $0x2, s1;
	_ =	strace $0x80000047;
	s5 =	sshll.u32 s4, $0x6  }
0xd: {  	vm4 =	vcmask $0xB10;
	vm5 =	vcmask $0xF14;
	vm6 =	vcmask $0x1318;
	s24 =	sshrl.u32 s1, $0x1;
	s25 =	sshll.u32 s4, $0xB;
	s4 =	simm.s32 $0x9  }
0xe: {  	vm7 =	vcmask $0x171C;
	vm8 =	vcmask $0x1B20;
	vm9 =	vcmask $0x1F24;
	s0 =	sadd.s32 s5, s0;
	s1 =	ssub.s32 s1, s24;
	s24 =	simm.s32 $0x8200  }
0xf: {  	v0 =	vlaneseq.u32;
	vm10 =	vcmask $0x2328;
	vm11 =	vcmask $0x272C;
	s5 =	simm.s32 $0xA;
	s0 =	sadd.s32 $0x600, s0;
	s26 =	smax.u32 s1, $0x1  }
0x10: {  	vm1 =	vmmov $0x7fff;
	v2 =	vimm.s32 $0x0;
	v0 =	vmul.u32 $0x80, v0;
	s1 =	simm.s32 $0x6;
	[dreg:$0x4] =	wrdreg s0;
	s0 =	sadd.s32 s3, s25  }
0x11: {  	vm12 =	vcmask $0x2B30;
	vm13 =	vcmask $0x2F34;
	v2 =	vsel vm1, $0xFFFFFFFF, v2;
	[dreg:$0x6] =	wrdreg s26;
	s25 =	simm.s32 $0x9200;
	s26 =	simm.s32 $0x1  }
0x12: {  	vm14 =	vcmask $0x3338;
	vm0 =	vcmask $0x373C;
	[tilespmem:$0x1FFF0] =	vst v2;
	v1 =	vor.u32 $0x800, v0;
	s3 =	simm.s32 $0x8;
	[dreg:$0x5] =	wrdreg s0;
	s0 =	simm.s32 $0x7  }
.LBB2_1:
0x13: {  	[dreg:$0x7] =	wrdreg s15  }
0x14: {  	s13 =	rddreg [dreg:$0x4]  }
0x15: {  	[tilespmem:s12], [sflag:$0x11] =	stream.linear.gather [hbm4b:s13+s12], $0x200, $0x38;
	[tilespmem:$0x14200] =	vst v63  }
0x16: {  	_ =	swait.ge [sflag:s14], $0x200  }
0x17: {  	[sflag:s14] =	ssyncset.done $0x0  }
0x18: {  	[sflag:s14] =	ssyncadd.s32 $0xFFFFFE00  }
0x19: {  	v2 =	vld [tilespmem:$0x0];
	_ =	sdelay $0x4  }
0x1a: {  	v3 =	vnsel vm15, $0x0, v2  }
0x1b: {  	v3 =	vxor.u32 $0x80000000, v3  }
0x1c: {  	(xrf0) =	vmax.scan.msk.u32 $0xffff, v3;
	_ =	sdelay $0x1  }
0x1d: {  	v3 =	vsel vm2, $0x0, v2  }
0x1e: {  	v3 =	vxor.u32 $0x80000000, v3  }
0x1f: {  	(xrf0) =	vmax.scan.msk.u32 $0xffff, v3;
	_ =	sdelay $0x1  }
0x20: {  	v4 =	vsel vm3, $0x0, v2;
	v3, _, _ =	vpop (xrf0)  }
0x21: {  	(v2sf) =	vpush v3, $0xF;
	v3 =	vxor.u32 $0x80000000, v4  }
0x22: {  	(xrf0) =	vmax.scan.msk.u32 $0xffff, v3;
	_ =	sdelay $0x1  }
0x23: {  	v54 =	vsel vm4, $0x0, v2;
	v3, _, _ =	vpop (xrf0)  }
0x24: {  	(v2sf) =	vpush v3, $0xF;
	v3 =	vxor.u32 $0x80000000, v54  }
0x25: {  	(xrf0) =	vmax.scan.msk.u32 $0xffff, v3;
	_ =	sdelay $0x1  }
0x26: {  	v55 =	vsel vm5, $0x0, v2;
	v3, _, _ =	vpop (xrf0)  }
0x27: {  	(v2sf) =	vpush v3, $0xF;
	v3 =	vxor.u32 $0x80000000, v55;
	_ =	sdelay $0x1  }
0x28: {  	(xrf0) =	vmax.scan.msk.u32 $0xffff, v3  }
0x29: {  	v3, _, _ =	vpop (xrf0)  }
0x2a: {  	(v2sf) =	vpush v3, $0xF;
	v3 =	vsel vm6, $0x0, v2  }
0x2b: {  	v3 =	vxor.u32 $0x80000000, v3;
	_ =	sdelay $0x1  }
0x2c: {  	(xrf0) =	vmax.scan.msk.u32 $0xffff, v3  }
0x2d: {  	s15 =	spop (v2sf);
	v3, _, _ =	vpop (xrf0)  }
0x2e: {  	s12 =	sand.u32 $0x1FFFFF80, s15;
	(v2sf) =	vpush v3, $0xF;
	v3 =	vsel vm7, $0x0, v2  }
0x2f: {  	s14 =	simm.s32 $0x400;
	s15 =	simm.s32 $0x7A1400;
	s12 =	sadd.s32 s2, s12;
	v3 =	vxor.u32 $0x80000000, v3  }
0x30: {  	[tilespmem:s16], [sflag:$0x1] =	stream.strided.gather [hbm4b:s12+s14], $0x1000, s15, s14, $0x38;
	[tilespmem:$0x14200] =	vst v63  }
0x31: {  	s13 =	spop (v2sf);
	(xrf0) =	vmax.scan.msk.u32 $0xffff, v3  }
0x32: {  	s12 =	sand.u32 $0x1FFFFF80, s13;
	v3, _, _ =	vpop (xrf0)  }
0x33: {  	s12 =	sadd.s32 s2, s12;
	(v2sf) =	vpush v3, $0xF;
	v3 =	vsel vm8, $0x0, v2  }
0x34: {  	[tilespmem:s17], [sflag:$0x2] =	stream.strided.gather [hbm4b:s12+s14], $0x1000, s15, s14, $0x38;
	v3 =	vxor.u32 $0x80000000, v3;
	[tilespmem:$0x14200] =	vst v63  }
0x35: {  	s17 =	spop (v2sf);
	(xrf0) =	vmax.scan.msk.u32 $0xffff, v3  }
0x36: {  	s12 =	sand.u32 $0x1FFFFF80, s17  }
0x37: {  	v56 =	vsel vm9, $0x0, v2;
	s12 =	sadd.s32 s2, s12;
	v3, _, _ =	vpop (xrf0)  }
0x38: {  	[tilespmem:s18], [sflag:$0x3] =	stream.strided.gather [hbm4b:s12+s14], $0x1000, s15, s14, $0x38;
	(v2sf) =	vpush v3, $0xF;
	v3 =	vxor.u32 $0x80000000, v56;
	[tilespmem:$0x14200] =	vst v63  }
0x39: {  	s18 =	spop (v2sf);
	(xrf0) =	vmax.scan.msk.u32 $0xffff, v3  }
0x3a: {  	s12 =	sand.u32 $0x1FFFFF80, s18  }
0x3b: {  	v57 =	vsel vm10, $0x0, v2;
	s12 =	sadd.s32 s2, s12;
	v3, _, _ =	vpop (xrf0)  }
0x3c: {  	[tilespmem:s19], [sflag:$0x4] =	stream.strided.gather [hbm4b:s12+s14], $0x1000, s15, s14, $0x38;
	(v2sf) =	vpush v3, $0xF;
	v3 =	vxor.u32 $0x80000000, v57;
	[tilespmem:$0x14200] =	vst v63  }
0x3d: {  	s19 =	spop (v2sf);
	(xrf0) =	vmax.scan.msk.u32 $0xffff, v3  }
0x3e: {  	s12 =	sand.u32 $0x1FFFFF80, s19  }
0x3f: {  	v58 =	vsel vm11, $0x0, v2;
	s12 =	sadd.s32 s2, s12;
	v3, _, _ =	vpop (xrf0)  }
0x40: {  	[tilespmem:s20], [sflag:$0x5] =	stream.strided.gather [hbm4b:s12+s14], $0x1000, s15, s14, $0x38;
	(v2sf) =	vpush v3, $0xF;
	v3 =	vxor.u32 $0x80000000, v58;
	[tilespmem:$0x14200] =	vst v63  }
0x41: {  	(xrf0) =	vmax.scan.msk.u32 $0xffff, v3;
	v3 =	vsel vm12, $0x0, v2  }
0x42: {  	s20 =	spop (v2sf);
	v3 =	vxor.u32 $0x80000000, v3  }
0x43: {  	s12 =	sand.u32 $0x1FFFFF80, s20;
	v59, _, _ =	vpop (xrf0);
	(xrf0) =	vmax.scan.msk.u32 $0xffff, v3;
	v3 =	vsel vm13, $0x0, v2  }
0x44: {  	s12 =	sadd.s32 s2, s12;
	(v2sf) =	vpush v59, $0xF;
	v3 =	vxor.u32 $0x80000000, v3  }
0x45: {  	[tilespmem:s21], [sflag:$0x6] =	stream.strided.gather [hbm4b:s12+s14], $0x1000, s15, s14, $0x38;
	[tilespmem:$0x14200] =	vst v63  }
0x46: {  	(xrf0) =	vmax.scan.msk.u32 $0xffff, v3  }
0x47: {  	v3, _, _ =	vpop (xrf0);
	s13 =	spop (v2sf)  }
0x48: {  	s12 =	sand.u32 $0x1FFFFF80, s13;
	(v2sf) =	vpush v3, $0xF  }
0x49: {  	v60 =	vsel vm14, $0x0, v2;
	s12 =	sadd.s32 s2, s12;
	v61, _, _ =	vpop (xrf0)  }
0x4a: {  	v3 =	vxor.u32 $0x80000000, v60;
	[tilespmem:s22], [sflag:$0x7] =	stream.strided.gather [hbm4b:s12+s14], $0x1000, s15, s14, $0x38;
	(v2sf) =	vpush v61, $0xF;
	[tilespmem:$0x14200] =	vst v63  }
0x4b: {  	(xrf0) =	vmax.scan.msk.u32 $0xffff, v3;
	s17 =	spop (v2sf)  }
0x4c: {  	v62, _, _ =	vpop (xrf0);
	s12 =	sand.u32 $0x1FFFFF80, s17  }
0x4d: {  	v3 =	vsel vm0, $0x0, v2;
	(v2sf) =	vpush v62, $0xF;
	s12 =	sadd.s32 s2, s12  }
0x4e: {  	v3 =	vxor.u32 $0x80000000, v3;
	[tilespmem:s23], [sflag:$0x8] =	stream.strided.gather [hbm4b:s12+s14], $0x1000, s15, s14, $0x38;
	[tilespmem:$0x14200] =	vst v63  }
0x4f: {  	(xrf0) =	vmax.scan.msk.u32 $0xffff, v3;
	s18 =	spop (v2sf)  }
0x50: {  	s12 =	sand.u32 $0x1FFFFF80, s18  }
0x51: {  	v63 =	vsel vm1, $0x0, v2;
	v3, _, _ =	vpop (xrf0);
	s12 =	sadd.s32 s2, s12  }
0x52: {  	(v2sf) =	vpush v3, $0xF;
	v3 =	vxor.u32 $0x80000000, v63;
	[tilespmem:s24], [sflag:$0x9] =	stream.strided.gather [hbm4b:s12+s14], $0x1000, s15, s14, $0x38;
	[tilespmem:$0x14200] =	vst v63  }
0x53: {  	(xrf0) =	vmax.scan.msk.u32 $0xffff, v3;
	s19 =	spop (v2sf)  }
0x54: {  	s12 =	sand.u32 $0x1FFFFF80, s19  }
0x55: {  	v3, _, _ =	vpop (xrf0);
	s12 =	sadd.s32 s2, s12  }
0x56: {  	(v2sf) =	vpush v3, $0xF;
	[tilespmem:s25], [sflag:$0xA] =	stream.strided.gather [hbm4b:s12+s14], $0x1000, s15, s14, $0x38;
	[tilespmem:$0x14200] =	vst v63  }
0x57: {  	s20 =	spop (v2sf)  }
0x58: {  	s12 =	sand.u32 $0x1FFFFF80, s20  }
0x59: {  	s22 =	simm.s32 $0xA200;
	v3, _, _ =	vpop (xrf0);
	s21 =	spop (v2sf);
	s12 =	sadd.s32 s2, s12  }
0x5a: {  	(v2sf) =	vpush v3, $0xF;
	[tilespmem:s22], [sflag:$0xB] =	stream.strided.gather [hbm4b:s12+s14], $0x1000, s15, s14, $0x38;
	[tilespmem:$0x14200] =	vst v63  }
0x5b: {  	s23 =	sand.u32 $0x1FFFFF80, s21  }
0x5c: {  	s25 =	simm.s32 $0xB200;
	s24 =	spop (v2sf);
	s12 =	sadd.s32 s2, s23  }
0x5d: {  	[tilespmem:s25], [sflag:$0xC] =	stream.strided.gather [hbm4b:s12+s14], $0x1000, s15, s14, $0x38;
	[tilespmem:$0x14200] =	vst v63  }
0x5e: {  	s18 =	sand.u32 $0x1FFFFF80, s24  }
0x5f: {  	s20 =	simm.s32 $0xC200;
	s12 =	sadd.s32 s2, s18  }
0x60: {  	[tilespmem:s20], [sflag:$0xD] =	stream.strided.gather [hbm4b:s12+s14], $0x1000, s15, s14, $0x38;
	[tilespmem:$0x14200] =	vst v63  }
0x61: {  	s19 =	spop (v2sf)  }
0x62: {  	s21 =	sand.u32 $0x1FFFFF80, s19  }
0x63: {  	s23 =	simm.s32 $0xD200;
	s12 =	sadd.s32 s2, s21  }
0x64: {  	[tilespmem:s23], [sflag:$0xE] =	stream.strided.gather [hbm4b:s12+s14], $0x1000, s15, s14, $0x38;
	[tilespmem:$0x14200] =	vst v63  }
0x65: {  	s22 =	spop (v2sf)  }
0x66: {  	s24 =	sand.u32 $0x1FFFFF80, s22  }
0x67: {  	s21 =	simm.s32 $0xE200;
	s12 =	sadd.s32 s2, s24  }
0x68: {  	[tilespmem:s21], [sflag:$0xF] =	stream.strided.gather [hbm4b:s12+s14], $0x1000, s15, s14, $0x38;
	[tilespmem:$0x14200] =	vst v63  }
0x69: {  	s13 =	simm.s32 $0x10300;
	s18 =	simm.s32 $0x1200;
	s25 =	spop (v2sf)  }
0x6a: {  	s20 =	simm.s32 $0x3200;
	s19 =	simm.s32 $0x9200;
	s12 =	sand.u32 $0x1FFFFF80, s25  }
0x6b: {  	s23 =	simm.s32 $0xF200;
	s22 =	simm.s32 $0x5200;
	s12 =	sadd.s32 s2, s12  }
0x6c: {  	[tilespmem:s23], [sflag:$0x10] =	stream.strided.gather [hbm4b:s12+s14], $0x1000, s15, s14, $0x38;
	[tilespmem:$0x14200] =	vst v63  }
0x6d: {  	s24 =	simm.s32 $0x7200;
	s25 =	simm.s32 $0x8200;
	s12 =	simm.s32 $0xFFFFFFE0  }
.LBB2_2:
0x6e: {  	s14 =	sadd.s32 $0x21, s12  }
0x6f: {  	s14 =	smin.u32 s14, $0x1F  }
0x70: {  	v4 =	vnsel vm15, $0x0, v2;
	s14 =	sshll.u32 s14, $0x4  }
0x71: {  	v4 =	vxor.u32 $0x80000000, v4;
	v3 =	vld [tilespmem:s14+$0x0];
	_ =	swait.ge [sflag:s26], $0x1000  }
0x72: {  	(xrf0) =	vmax.scan.msk.u32 $0xffff, v4;
	_ =	sdelay $0x5  }
0x73: {  	v4, _, _ =	vpop (xrf0)  }
0x74: {  	p0 =	seq.s32 s12, $0xFFFFFFFF;
	(v2sf) =	vpush v4, $0xF  }
0x75: {  	vm1 =	vmmov @!p0 $0x1  }
0x76: {  	v4 =	vnsel @!p0 vm1, $0x0, v3  }
0x77: {  	v4 =	vxor.u32 @!p0 $0x80000000, v4  }
0x78: {  	(xrf0) =	vmax.scan.msk.u32 @!p0 $0xffff, v4;
	_ =	sdelay $0x5  }
0x79: {  	v4, _, _ =	vpop @!p0 (xrf0)  }
0x7a: {  	(v2sf) =	vpush @!p0 v4, $0xF;
	_ =	sdelay $0x3  }
0x7b: {  	s15 =	spop (v2sf)  }
0x7c: {  	s14 =	sand.u32 $0x7F, s15  }
0x7d: {  	v19 =	vor.u32 s14, v0  }
0x7e: {  	v5 =	vor.u32 s14, v1;
	_ =	sdelay $0x1  }
0x7f: {  	[sflag:s26] =	ssyncset.done $0x0  }
0x80: {  	[sflag:s26] =	ssyncadd.s32 $0xFFFFF000  }
0x81: {  	v4 =	vld.idx.msk [tilespmem:v19+s16+$0x0], $0xffff  }
0x82: {  	v5 =	vld.idx.msk [tilespmem:v5+s16+$0x0], $0xffff;
	_ =	sdelay $0x2  }
0x83: {  	s14 =	spop @!p0 (v2sf)  }
0x84: {  	s17 =	simm.s32 @!p0 $0x200;
	s14 =	sand.u32 @!p0 $0x1FFFFF80, s14;
	[tilespmem:s13+$0xFFFFFF00] =	vst v4  }
0x85: {  	s15 =	simm.s32 @!p0 $0x7A1400;
	s16 =	sadd.s32 @!p0 s2, s14;
	s14 =	simm.s32 @!p0 $0x400;
	[tilespmem:s13+$0xFFFFFF10] =	vst v5  }
0x86: {  	v20 =	vsel vm2, $0x0, v2;
	[tilespmem:s17], [sflag:$0x1] =	stream.strided.gather @!p0 [hbm4b:s16+s14], $0x1000, s15, s14, $0x38;
	[tilespmem:$0x14200] =	vst v63  }
0x87: {  	v4 =	vxor.u32 $0x80000000, v20;
	_ =	swait.ge [sflag:s28], $0x1000  }
0x88: {  	(xrf0) =	vmax.scan.msk.u32 $0xffff, v4;
	_ =	sdelay $0x5  }
0x89: {  	v4, _, _ =	vpop (xrf0)  }
0x8a: {  	(v2sf) =	vpush v4, $0xF  }
0x8b: {  	vm1 =	vcmask @!p0 $0x308  }
0x8c: {  	v4 =	vsel @!p0 vm1, $0x0, v3  }
0x8d: {  	v4 =	vxor.u32 @!p0 $0x80000000, v4  }
0x8e: {  	(xrf0) =	vmax.scan.msk.u32 @!p0 $0xffff, v4;
	_ =	sdelay $0x5  }
0x8f: {  	v4, _, _ =	vpop @!p0 (xrf0)  }
0x90: {  	(v2sf) =	vpush @!p0 v4, $0xF;
	_ =	sdelay $0x3  }
0x91: {  	s17 =	spop (v2sf)  }
0x92: {  	s16 =	sand.u32 $0x7F, s17  }
0x93: {  	v21 =	vor.u32 s16, v0  }
0x94: {  	v22 =	vor.u32 s16, v1;
	_ =	sdelay $0x1  }
0x95: {  	[sflag:s28] =	ssyncset.done $0x0  }
0x96: {  	[sflag:s28] =	ssyncadd.s32 $0xFFFFF000  }
0x97: {  	v4 =	vld.idx.msk [tilespmem:v21+s18+$0x0], $0xffff  }
0x98: {  	v5 =	vld.idx.msk [tilespmem:v22+s18+$0x0], $0xffff;
	_ =	sdelay $0x2  }
0x99: {  	s16 =	spop @!p0 (v2sf)  }
0x9a: {  	s16 =	sand.u32 @!p0 $0x1FFFFF80, s16;
	[tilespmem:s13+$0xFFFFFF20] =	vst v4  }
0x9b: {  	s17 =	simm.s32 @!p0 $0x1200;
	s16 =	sadd.s32 @!p0 s2, s16;
	[tilespmem:s13+$0xFFFFFF30] =	vst v5  }
0x9c: {  	v23 =	vsel vm3, $0x0, v2;
	[tilespmem:s17], [sflag:$0x2] =	stream.strided.gather @!p0 [hbm4b:s16+s14], $0x1000, s15, s14, $0x38;
	[tilespmem:$0x14200] =	vst v63  }
0x9d: {  	v4 =	vxor.u32 $0x80000000, v23;
	_ =	swait.ge [sflag:s29], $0x1000  }
0x9e: {  	(xrf0) =	vmax.scan.msk.u32 $0xffff, v4;
	_ =	sdelay $0x5  }
0x9f: {  	v4, _, _ =	vpop (xrf0)  }
0xa0: {  	(v2sf) =	vpush v4, $0xF  }
0xa1: {  	vm1 =	vcmask @!p0 $0x70C  }
0xa2: {  	v4 =	vsel @!p0 vm1, $0x0, v3  }
0xa3: {  	v4 =	vxor.u32 @!p0 $0x80000000, v4  }
0xa4: {  	(xrf0) =	vmax.scan.msk.u32 @!p0 $0xffff, v4;
	_ =	sdelay $0x5  }
0xa5: {  	v4, _, _ =	vpop @!p0 (xrf0)  }
0xa6: {  	(v2sf) =	vpush @!p0 v4, $0xF;
	_ =	sdelay $0x3  }
0xa7: {  	s17 =	spop (v2sf)  }
0xa8: {  	s16 =	sand.u32 $0x7F, s17  }
0xa9: {  	v24 =	vor.u32 s16, v0  }
0xaa: {  	v25 =	vor.u32 s16, v1;
	_ =	sdelay $0x1  }
0xab: {  	[sflag:s29] =	ssyncset.done $0x0  }
0xac: {  	[sflag:s29] =	ssyncadd.s32 $0xFFFFF000;
	s17 =	simm.s32 $0x2200  }
0xad: {  	v4 =	vld.idx.msk [tilespmem:v24+s17+$0x0], $0xffff  }
0xae: {  	v5 =	vld.idx.msk [tilespmem:v25+s17+$0x0], $0xffff;
	_ =	sdelay $0x2  }
0xaf: {  	s16 =	spop @!p0 (v2sf)  }
0xb0: {  	s16 =	sand.u32 @!p0 $0x1FFFFF80, s16;
	[tilespmem:s13+$0xFFFFFF40] =	vst v4  }
0xb1: {  	s17 =	simm.s32 @!p0 $0x2200;
	s16 =	sadd.s32 @!p0 s2, s16;
	[tilespmem:s13+$0xFFFFFF50] =	vst v5  }
0xb2: {  	v26 =	vsel vm4, $0x0, v2;
	[tilespmem:s17], [sflag:$0x3] =	stream.strided.gather @!p0 [hbm4b:s16+s14], $0x1000, s15, s14, $0x38;
	[tilespmem:$0x14200] =	vst v63  }
0xb3: {  	v4 =	vxor.u32 $0x80000000, v26;
	_ =	swait.ge [sflag:s30], $0x1000  }
0xb4: {  	(xrf0) =	vmax.scan.msk.u32 $0xffff, v4;
	_ =	sdelay $0x5  }
0xb5: {  	v4, _, _ =	vpop (xrf0)  }
0xb6: {  	(v2sf) =	vpush v4, $0xF  }
0xb7: {  	vm1 =	vcmask @!p0 $0xB10  }
0xb8: {  	v4 =	vsel @!p0 vm1, $0x0, v3  }
0xb9: {  	v4 =	vxor.u32 @!p0 $0x80000000, v4  }
0xba: {  	(xrf0) =	vmax.scan.msk.u32 @!p0 $0xffff, v4;
	_ =	sdelay $0x5  }
0xbb: {  	v4, _, _ =	vpop @!p0 (xrf0)  }
0xbc: {  	(v2sf) =	vpush @!p0 v4, $0xF;
	_ =	sdelay $0x3  }
0xbd: {  	s17 =	spop (v2sf)  }
0xbe: {  	s16 =	sand.u32 $0x7F, s17  }
0xbf: {  	v27 =	vor.u32 s16, v0  }
0xc0: {  	v28 =	vor.u32 s16, v1;
	_ =	sdelay $0x1  }
0xc1: {  	[sflag:s30] =	ssyncset.done $0x0  }
0xc2: {  	[sflag:s30] =	ssyncadd.s32 $0xFFFFF000  }
0xc3: {  	v4 =	vld.idx.msk [tilespmem:v27+s20+$0x0], $0xffff  }
0xc4: {  	v5 =	vld.idx.msk [tilespmem:v28+s20+$0x0], $0xffff;
	_ =	sdelay $0x2  }
0xc5: {  	s16 =	spop @!p0 (v2sf)  }
0xc6: {  	s16 =	sand.u32 @!p0 $0x1FFFFF80, s16;
	[tilespmem:s13+$0xFFFFFF60] =	vst v4  }
0xc7: {  	s17 =	simm.s32 @!p0 $0x3200;
	s16 =	sadd.s32 @!p0 s2, s16;
	[tilespmem:s13+$0xFFFFFF70] =	vst v5  }
0xc8: {  	v29 =	vsel vm5, $0x0, v2;
	[tilespmem:s17], [sflag:$0x4] =	stream.strided.gather @!p0 [hbm4b:s16+s14], $0x1000, s15, s14, $0x38;
	[tilespmem:$0x14200] =	vst v63  }
0xc9: {  	v4 =	vxor.u32 $0x80000000, v29;
	_ =	swait.ge [sflag:s31], $0x1000  }
0xca: {  	(xrf0) =	vmax.scan.msk.u32 $0xffff, v4;
	_ =	sdelay $0x5  }
0xcb: {  	v4, _, _ =	vpop (xrf0)  }
0xcc: {  	(v2sf) =	vpush v4, $0xF  }
0xcd: {  	vm1 =	vcmask @!p0 $0xF14  }
0xce: {  	v4 =	vsel @!p0 vm1, $0x0, v3  }
0xcf: {  	v4 =	vxor.u32 @!p0 $0x80000000, v4  }
0xd0: {  	(xrf0) =	vmax.scan.msk.u32 @!p0 $0xffff, v4;
	_ =	sdelay $0x5  }
0xd1: {  	v4, _, _ =	vpop @!p0 (xrf0)  }
0xd2: {  	(v2sf) =	vpush @!p0 v4, $0xF;
	_ =	sdelay $0x3  }
0xd3: {  	s17 =	spop (v2sf)  }
0xd4: {  	s16 =	sand.u32 $0x7F, s17  }
0xd5: {  	v30 =	vor.u32 s16, v0  }
0xd6: {  	v31 =	vor.u32 s16, v1;
	_ =	sdelay $0x1  }
0xd7: {  	[sflag:s31] =	ssyncset.done $0x0  }
0xd8: {  	[sflag:s31] =	ssyncadd.s32 $0xFFFFF000;
	s17 =	simm.s32 $0x4200  }
0xd9: {  	v4 =	vld.idx.msk [tilespmem:v30+s17+$0x0], $0xffff  }
0xda: {  	v5 =	vld.idx.msk [tilespmem:v31+s17+$0x0], $0xffff;
	_ =	sdelay $0x2  }
0xdb: {  	s16 =	spop @!p0 (v2sf)  }
0xdc: {  	s16 =	sand.u32 @!p0 $0x1FFFFF80, s16;
	[tilespmem:s13+$0xFFFFFF80] =	vst v4  }
0xdd: {  	s17 =	simm.s32 @!p0 $0x4200;
	s16 =	sadd.s32 @!p0 s2, s16;
	[tilespmem:s13+$0xFFFFFF90] =	vst v5  }
0xde: {  	v32 =	vsel vm6, $0x0, v2;
	[tilespmem:s17], [sflag:$0x5] =	stream.strided.gather @!p0 [hbm4b:s16+s14], $0x1000, s15, s14, $0x38;
	[tilespmem:$0x14200] =	vst v63  }
0xdf: {  	v4 =	vxor.u32 $0x80000000, v32;
	_ =	swait.ge [sflag:s1], $0x1000  }
0xe0: {  	(xrf0) =	vmax.scan.msk.u32 $0xffff, v4;
	_ =	sdelay $0x5  }
0xe1: {  	v4, _, _ =	vpop (xrf0)  }
0xe2: {  	(v2sf) =	vpush v4, $0xF  }
0xe3: {  	vm1 =	vcmask @!p0 $0x1318  }
0xe4: {  	v4 =	vsel @!p0 vm1, $0x0, v3  }
0xe5: {  	v4 =	vxor.u32 @!p0 $0x80000000, v4  }
0xe6: {  	(xrf0) =	vmax.scan.msk.u32 @!p0 $0xffff, v4;
	_ =	sdelay $0x5  }
0xe7: {  	v4, _, _ =	vpop @!p0 (xrf0)  }
0xe8: {  	(v2sf) =	vpush @!p0 v4, $0xF;
	_ =	sdelay $0x3  }
0xe9: {  	s17 =	spop (v2sf)  }
0xea: {  	s16 =	sand.u32 $0x7F, s17  }
0xeb: {  	v33 =	vor.u32 s16, v0  }
0xec: {  	v34 =	vor.u32 s16, v1;
	_ =	sdelay $0x1  }
0xed: {  	[sflag:s1] =	ssyncset.done $0x0  }
0xee: {  	[sflag:s1] =	ssyncadd.s32 $0xFFFFF000  }
0xef: {  	v4 =	vld.idx.msk [tilespmem:v33+s22+$0x0], $0xffff  }
0xf0: {  	v5 =	vld.idx.msk [tilespmem:v34+s22+$0x0], $0xffff;
	_ =	sdelay $0x2  }
0xf1: {  	s16 =	spop @!p0 (v2sf)  }
0xf2: {  	s16 =	sand.u32 @!p0 $0x1FFFFF80, s16;
	[tilespmem:s13+$0xFFFFFFA0] =	vst v4  }
0xf3: {  	s17 =	simm.s32 @!p0 $0x5200;
	s16 =	sadd.s32 @!p0 s2, s16;
	[tilespmem:s13+$0xFFFFFFB0] =	vst v5  }
0xf4: {  	v35 =	vsel vm7, $0x0, v2;
	[tilespmem:s17], [sflag:$0x6] =	stream.strided.gather @!p0 [hbm4b:s16+s14], $0x1000, s15, s14, $0x38;
	[tilespmem:$0x14200] =	vst v63  }
0xf5: {  	v4 =	vxor.u32 $0x80000000, v35;
	_ =	swait.ge [sflag:s0], $0x1000  }
0xf6: {  	(xrf0) =	vmax.scan.msk.u32 $0xffff, v4;
	_ =	sdelay $0x5  }
0xf7: {  	v4, _, _ =	vpop (xrf0)  }
0xf8: {  	(v2sf) =	vpush v4, $0xF  }
0xf9: {  	vm1 =	vcmask @!p0 $0x171C  }
0xfa: {  	v4 =	vsel @!p0 vm1, $0x0, v3  }
0xfb: {  	v4 =	vxor.u32 @!p0 $0x80000000, v4  }
0xfc: {  	(xrf0) =	vmax.scan.msk.u32 @!p0 $0xffff, v4;
	_ =	sdelay $0x5  }
0xfd: {  	v4, _, _ =	vpop @!p0 (xrf0)  }
0xfe: {  	(v2sf) =	vpush @!p0 v4, $0xF;
	_ =	sdelay $0x3  }
0xff: {  	s17 =	spop (v2sf)  }
0x100: {  	s16 =	sand.u32 $0x7F, s17  }
0x101: {  	v36 =	vor.u32 s16, v0  }
0x102: {  	v37 =	vor.u32 s16, v1;
	_ =	sdelay $0x1  }
0x103: {  	[sflag:s0] =	ssyncset.done $0x0  }
0x104: {  	[sflag:s0] =	ssyncadd.s32 $0xFFFFF000;
	s17 =	simm.s32 $0x6200  }
0x105: {  	v4 =	vld.idx.msk [tilespmem:v36+s17+$0x0], $0xffff  }
0x106: {  	v5 =	vld.idx.msk [tilespmem:v37+s17+$0x0], $0xffff;
	_ =	sdelay $0x2  }
0x107: {  	s16 =	spop @!p0 (v2sf)  }
0x108: {  	s16 =	sand.u32 @!p0 $0x1FFFFF80, s16;
	[tilespmem:s13+$0xFFFFFFC0] =	vst v4  }
0x109: {  	s17 =	simm.s32 @!p0 $0x6200;
	s16 =	sadd.s32 @!p0 s2, s16;
	[tilespmem:s13+$0xFFFFFFD0] =	vst v5  }
0x10a: {  	v38 =	vsel vm8, $0x0, v2;
	[tilespmem:s17], [sflag:$0x7] =	stream.strided.gather @!p0 [hbm4b:s16+s14], $0x1000, s15, s14, $0x38;
	[tilespmem:$0x14200] =	vst v63  }
0x10b: {  	v4 =	vxor.u32 $0x80000000, v38;
	_ =	swait.ge [sflag:s3], $0x1000  }
0x10c: {  	(xrf0) =	vmax.scan.msk.u32 $0xffff, v4;
	_ =	sdelay $0x5  }
0x10d: {  	v4, _, _ =	vpop (xrf0)  }
0x10e: {  	(v2sf) =	vpush v4, $0xF  }
0x10f: {  	vm1 =	vcmask @!p0 $0x1B20  }
0x110: {  	v4 =	vsel @!p0 vm1, $0x0, v3  }
0x111: {  	v4 =	vxor.u32 @!p0 $0x80000000, v4  }
0x112: {  	(xrf0) =	vmax.scan.msk.u32 @!p0 $0xffff, v4;
	_ =	sdelay $0x5  }
0x113: {  	v4, _, _ =	vpop @!p0 (xrf0)  }
0x114: {  	(v2sf) =	vpush @!p0 v4, $0xF;
	_ =	sdelay $0x3  }
0x115: {  	s17 =	spop (v2sf)  }
0x116: {  	s16 =	sand.u32 $0x7F, s17  }
0x117: {  	v39 =	vor.u32 s16, v0  }
0x118: {  	v40 =	vor.u32 s16, v1;
	_ =	sdelay $0x1  }
0x119: {  	[sflag:s3] =	ssyncset.done $0x0  }
0x11a: {  	[sflag:s3] =	ssyncadd.s32 $0xFFFFF000  }
0x11b: {  	v4 =	vld.idx.msk [tilespmem:v39+s24+$0x0], $0xffff  }
0x11c: {  	v5 =	vld.idx.msk [tilespmem:v40+s24+$0x0], $0xffff;
	_ =	sdelay $0x2  }
0x11d: {  	s16 =	spop @!p0 (v2sf)  }
0x11e: {  	s16 =	sand.u32 @!p0 $0x1FFFFF80, s16;
	[tilespmem:s13+$0xFFFFFFE0] =	vst v4  }
0x11f: {  	s17 =	simm.s32 @!p0 $0x7200;
	s16 =	sadd.s32 @!p0 s2, s16;
	[tilespmem:s13+$0xFFFFFFF0] =	vst v5  }
0x120: {  	v41 =	vsel vm9, $0x0, v2;
	[tilespmem:s17], [sflag:$0x8] =	stream.strided.gather @!p0 [hbm4b:s16+s14], $0x1000, s15, s14, $0x38;
	[tilespmem:$0x14200] =	vst v63  }
0x121: {  	v4 =	vxor.u32 $0x80000000, v41;
	_ =	swait.ge [sflag:s4], $0x1000  }
0x122: {  	(xrf0) =	vmax.scan.msk.u32 $0xffff, v4;
	_ =	sdelay $0x5  }
0x123: {  	v4, _, _ =	vpop (xrf0)  }
0x124: {  	(v2sf) =	vpush v4, $0xF  }
0x125: {  	vm1 =	vcmask @!p0 $0x1F24  }
0x126: {  	v4 =	vsel @!p0 vm1, $0x0, v3  }
0x127: {  	v4 =	vxor.u32 @!p0 $0x80000000, v4  }
0x128: {  	(xrf0) =	vmax.scan.msk.u32 @!p0 $0xffff, v4;
	_ =	sdelay $0x5  }
0x129: {  	v4, _, _ =	vpop @!p0 (xrf0)  }
0x12a: {  	(v2sf) =	vpush @!p0 v4, $0xF;
	_ =	sdelay $0x3  }
0x12b: {  	s17 =	spop (v2sf)  }
0x12c: {  	s16 =	sand.u32 $0x7F, s17  }
0x12d: {  	v42 =	vor.u32 s16, v0  }
0x12e: {  	v43 =	vor.u32 s16, v1;
	_ =	sdelay $0x1  }
0x12f: {  	[sflag:s4] =	ssyncset.done $0x0  }
0x130: {  	[sflag:s4] =	ssyncadd.s32 $0xFFFFF000  }
0x131: {  	v4 =	vld.idx.msk [tilespmem:v42+s25+$0x0], $0xffff  }
0x132: {  	v5 =	vld.idx.msk [tilespmem:v43+s25+$0x0], $0xffff;
	_ =	sdelay $0x2  }
0x133: {  	s16 =	spop @!p0 (v2sf)  }
0x134: {  	s16 =	sand.u32 @!p0 $0x1FFFFF80, s16;
	[tilespmem:s13+$0x0] =	vst v4  }
0x135: {  	s17 =	simm.s32 @!p0 $0x8200;
	s16 =	sadd.s32 @!p0 s2, s16;
	[tilespmem:s13+$0x10] =	vst v5  }
0x136: {  	v44 =	vsel vm10, $0x0, v2;
	[tilespmem:s17], [sflag:$0x9] =	stream.strided.gather @!p0 [hbm4b:s16+s14], $0x1000, s15, s14, $0x38;
	[tilespmem:$0x14200] =	vst v63  }
0x137: {  	v4 =	vxor.u32 $0x80000000, v44;
	_ =	swait.ge [sflag:s5], $0x1000  }
0x138: {  	(xrf0) =	vmax.scan.msk.u32 $0xffff, v4;
	_ =	sdelay $0x5  }
0x139: {  	v4, _, _ =	vpop (xrf0)  }
0x13a: {  	(v2sf) =	vpush v4, $0xF  }
0x13b: {  	vm1 =	vcmask @!p0 $0x2328  }
0x13c: {  	v4 =	vsel @!p0 vm1, $0x0, v3  }
0x13d: {  	v4 =	vxor.u32 @!p0 $0x80000000, v4  }
0x13e: {  	(xrf0) =	vmax.scan.msk.u32 @!p0 $0xffff, v4;
	_ =	sdelay $0x5  }
0x13f: {  	v4, _, _ =	vpop @!p0 (xrf0)  }
0x140: {  	(v2sf) =	vpush @!p0 v4, $0xF;
	_ =	sdelay $0x3  }
0x141: {  	s17 =	spop (v2sf)  }
0x142: {  	s16 =	sand.u32 $0x7F, s17  }
0x143: {  	v45 =	vor.u32 s16, v0  }
0x144: {  	v46 =	vor.u32 s16, v1;
	_ =	sdelay $0x1  }
0x145: {  	[sflag:s5] =	ssyncset.done $0x0  }
0x146: {  	[sflag:s5] =	ssyncadd.s32 $0xFFFFF000  }
0x147: {  	v4 =	vld.idx.msk [tilespmem:v45+s19+$0x0], $0xffff  }
0x148: {  	v5 =	vld.idx.msk [tilespmem:v46+s19+$0x0], $0xffff;
	_ =	sdelay $0x2  }
0x149: {  	s16 =	spop @!p0 (v2sf)  }
0x14a: {  	s16 =	sand.u32 @!p0 $0x1FFFFF80, s16;
	[tilespmem:s13+$0x20] =	vst v4  }
0x14b: {  	s17 =	simm.s32 @!p0 $0x9200;
	s16 =	sadd.s32 @!p0 s2, s16;
	[tilespmem:s13+$0x30] =	vst v5  }
0x14c: {  	v47 =	vsel vm11, $0x0, v2;
	[tilespmem:s17], [sflag:$0xA] =	stream.strided.gather @!p0 [hbm4b:s16+s14], $0x1000, s15, s14, $0x38;
	[tilespmem:$0x14200] =	vst v63  }
0x14d: {  	v4 =	vxor.u32 $0x80000000, v47;
	_ =	swait.ge [sflag:s6], $0x1000  }
0x14e: {  	(xrf0) =	vmax.scan.msk.u32 $0xffff, v4;
	_ =	sdelay $0x5  }
0x14f: {  	v4, _, _ =	vpop (xrf0)  }
0x150: {  	(v2sf) =	vpush v4, $0xF  }
0x151: {  	vm1 =	vcmask @!p0 $0x272C  }
0x152: {  	v4 =	vsel @!p0 vm1, $0x0, v3  }
0x153: {  	v4 =	vxor.u32 @!p0 $0x80000000, v4  }
0x154: {  	(xrf0) =	vmax.scan.msk.u32 @!p0 $0xffff, v4;
	_ =	sdelay $0x5  }
0x155: {  	v4, _, _ =	vpop @!p0 (xrf0)  }
0x156: {  	(v2sf) =	vpush @!p0 v4, $0xF;
	_ =	sdelay $0x3  }
0x157: {  	s17 =	spop (v2sf)  }
0x158: {  	s16 =	sand.u32 $0x7F, s17  }
0x159: {  	v48 =	vor.u32 s16, v0  }
0x15a: {  	v49 =	vor.u32 s16, v1;
	_ =	sdelay $0x1  }
0x15b: {  	[sflag:s6] =	ssyncset.done $0x0  }
0x15c: {  	[sflag:s6] =	ssyncadd.s32 $0xFFFFF000;
	s17 =	simm.s32 $0xA200  }
0x15d: {  	v4 =	vld.idx.msk [tilespmem:v48+s17+$0x0], $0xffff  }
0x15e: {  	v5 =	vld.idx.msk [tilespmem:v49+s17+$0x0], $0xffff;
	_ =	sdelay $0x2  }
0x15f: {  	s16 =	spop @!p0 (v2sf)  }
0x160: {  	s16 =	sand.u32 @!p0 $0x1FFFFF80, s16;
	[tilespmem:s13+$0x40] =	vst v4  }
0x161: {  	s17 =	simm.s32 @!p0 $0xA200;
	s16 =	sadd.s32 @!p0 s2, s16;
	[tilespmem:s13+$0x50] =	vst v5  }
0x162: {  	v50 =	vsel vm12, $0x0, v2;
	[tilespmem:s17], [sflag:$0xB] =	stream.strided.gather @!p0 [hbm4b:s16+s14], $0x1000, s15, s14, $0x38;
	[tilespmem:$0x14200] =	vst v63  }
0x163: {  	v4 =	vxor.u32 $0x80000000, v50;
	_ =	swait.ge [sflag:s7], $0x1000  }
0x164: {  	(xrf0) =	vmax.scan.msk.u32 $0xffff, v4;
	_ =	sdelay $0x5  }
0x165: {  	v4, _, _ =	vpop (xrf0)  }
0x166: {  	(v2sf) =	vpush v4, $0xF  }
0x167: {  	vm1 =	vcmask @!p0 $0x2B30  }
0x168: {  	v4 =	vsel @!p0 vm1, $0x0, v3  }
0x169: {  	v4 =	vxor.u32 @!p0 $0x80000000, v4  }
0x16a: {  	(xrf0) =	vmax.scan.msk.u32 @!p0 $0xffff, v4;
	_ =	sdelay $0x5  }
0x16b: {  	v4, _, _ =	vpop @!p0 (xrf0)  }
0x16c: {  	(v2sf) =	vpush @!p0 v4, $0xF;
	_ =	sdelay $0x3  }
0x16d: {  	s17 =	spop (v2sf)  }
0x16e: {  	s16 =	sand.u32 $0x7F, s17  }
0x16f: {  	v51 =	vor.u32 s16, v0  }
0x170: {  	v52 =	vor.u32 s16, v1;
	_ =	sdelay $0x1  }
0x171: {  	[sflag:s7] =	ssyncset.done $0x0  }
0x172: {  	[sflag:s7] =	ssyncadd.s32 $0xFFFFF000;
	s17 =	simm.s32 $0xB200  }
0x173: {  	v4 =	vld.idx.msk [tilespmem:v51+s17+$0x0], $0xffff  }
0x174: {  	v5 =	vld.idx.msk [tilespmem:v52+s17+$0x0], $0xffff;
	_ =	sdelay $0x2  }
0x175: {  	s16 =	spop @!p0 (v2sf)  }
0x176: {  	s16 =	sand.u32 @!p0 $0x1FFFFF80, s16;
	[tilespmem:s13+$0x60] =	vst v4  }
0x177: {  	s17 =	simm.s32 @!p0 $0xB200;
	s16 =	sadd.s32 @!p0 s2, s16;
	[tilespmem:s13+$0x70] =	vst v5  }
0x178: {  	v53 =	vsel vm13, $0x0, v2;
	[tilespmem:s17], [sflag:$0xC] =	stream.strided.gather @!p0 [hbm4b:s16+s14], $0x1000, s15, s14, $0x38;
	[tilespmem:$0x14200] =	vst v63  }
0x179: {  	v4 =	vxor.u32 $0x80000000, v53;
	_ =	swait.ge [sflag:s8], $0x1000  }
0x17a: {  	(xrf0) =	vmax.scan.msk.u32 $0xffff, v4;
	_ =	sdelay $0x5  }
0x17b: {  	v4, _, _ =	vpop (xrf0)  }
0x17c: {  	(v2sf) =	vpush v4, $0xF  }
0x17d: {  	vm1 =	vcmask @!p0 $0x2F34  }
0x17e: {  	v4 =	vsel @!p0 vm1, $0x0, v3  }
0x17f: {  	v4 =	vxor.u32 @!p0 $0x80000000, v4  }
0x180: {  	(xrf0) =	vmax.scan.msk.u32 @!p0 $0xffff, v4;
	_ =	sdelay $0x5  }
0x181: {  	v4, _, _ =	vpop @!p0 (xrf0)  }
0x182: {  	(v2sf) =	vpush @!p0 v4, $0xF;
	_ =	sdelay $0x3  }
0x183: {  	s17 =	spop (v2sf)  }
0x184: {  	s16 =	sand.u32 $0x7F, s17  }
0x185: {  	v54 =	vor.u32 s16, v0  }
0x186: {  	v55 =	vor.u32 s16, v1;
	_ =	sdelay $0x1  }
0x187: {  	[sflag:s8] =	ssyncset.done $0x0  }
0x188: {  	[sflag:s8] =	ssyncadd.s32 $0xFFFFF000;
	s17 =	simm.s32 $0xC200  }
0x189: {  	v4 =	vld.idx.msk [tilespmem:v54+s17+$0x0], $0xffff  }
0x18a: {  	v5 =	vld.idx.msk [tilespmem:v55+s17+$0x0], $0xffff;
	_ =	sdelay $0x2  }
0x18b: {  	s16 =	spop @!p0 (v2sf)  }
0x18c: {  	s16 =	sand.u32 @!p0 $0x1FFFFF80, s16;
	[tilespmem:s13+$0x80] =	vst v4  }
0x18d: {  	s17 =	simm.s32 @!p0 $0xC200;
	s16 =	sadd.s32 @!p0 s2, s16;
	[tilespmem:s13+$0x90] =	vst v5  }
0x18e: {  	v56 =	vsel vm14, $0x0, v2;
	[tilespmem:s17], [sflag:$0xD] =	stream.strided.gather @!p0 [hbm4b:s16+s14], $0x1000, s15, s14, $0x38;
	[tilespmem:$0x14200] =	vst v63  }
0x18f: {  	v4 =	vxor.u32 $0x80000000, v56;
	_ =	swait.ge [sflag:s9], $0x1000  }
0x190: {  	(xrf0) =	vmax.scan.msk.u32 $0xffff, v4;
	_ =	sdelay $0x5  }
0x191: {  	v4, _, _ =	vpop (xrf0)  }
0x192: {  	(v2sf) =	vpush v4, $0xF  }
0x193: {  	vm1 =	vcmask @!p0 $0x3338  }
0x194: {  	v4 =	vsel @!p0 vm1, $0x0, v3  }
0x195: {  	v4 =	vxor.u32 @!p0 $0x80000000, v4  }
0x196: {  	(xrf0) =	vmax.scan.msk.u32 @!p0 $0xffff, v4;
	_ =	sdelay $0x5  }
0x197: {  	v4, _, _ =	vpop @!p0 (xrf0)  }
0x198: {  	(v2sf) =	vpush @!p0 v4, $0xF;
	_ =	sdelay $0x3  }
0x199: {  	s17 =	spop (v2sf)  }
0x19a: {  	s16 =	sand.u32 $0x7F, s17  }
0x19b: {  	v57 =	vor.u32 s16, v0  }
0x19c: {  	v58 =	vor.u32 s16, v1;
	_ =	sdelay $0x1  }
0x19d: {  	[sflag:s9] =	ssyncset.done $0x0  }
0x19e: {  	[sflag:s9] =	ssyncadd.s32 $0xFFFFF000;
	s17 =	simm.s32 $0xD200  }
0x19f: {  	v4 =	vld.idx.msk [tilespmem:v57+s17+$0x0], $0xffff  }
0x1a0: {  	v5 =	vld.idx.msk [tilespmem:v58+s17+$0x0], $0xffff;
	_ =	sdelay $0x2  }
0x1a1: {  	s16 =	spop @!p0 (v2sf)  }
0x1a2: {  	s16 =	sand.u32 @!p0 $0x1FFFFF80, s16;
	[tilespmem:s13+$0xA0] =	vst v4  }
0x1a3: {  	s17 =	simm.s32 @!p0 $0xD200;
	s16 =	sadd.s32 @!p0 s2, s16;
	[tilespmem:s13+$0xB0] =	vst v5  }
0x1a4: {  	v59 =	vsel vm0, $0x0, v2;
	[tilespmem:s17], [sflag:$0xE] =	stream.strided.gather @!p0 [hbm4b:s16+s14], $0x1000, s15, s14, $0x38;
	[tilespmem:$0x14200] =	vst v63  }
0x1a5: {  	v4 =	vxor.u32 $0x80000000, v59;
	_ =	swait.ge [sflag:s10], $0x1000  }
0x1a6: {  	(xrf0) =	vmax.scan.msk.u32 $0xffff, v4;
	_ =	sdelay $0x5  }
0x1a7: {  	v4, _, _ =	vpop (xrf0)  }
0x1a8: {  	(v2sf) =	vpush v4, $0xF  }
0x1a9: {  	vm1 =	vcmask @!p0 $0x373C  }
0x1aa: {  	v4 =	vsel @!p0 vm1, $0x0, v3  }
0x1ab: {  	v4 =	vxor.u32 @!p0 $0x80000000, v4  }
0x1ac: {  	(xrf0) =	vmax.scan.msk.u32 @!p0 $0xffff, v4;
	_ =	sdelay $0x5  }
0x1ad: {  	v4, _, _ =	vpop @!p0 (xrf0)  }
0x1ae: {  	(v2sf) =	vpush @!p0 v4, $0xF;
	_ =	sdelay $0x3  }
0x1af: {  	s17 =	spop (v2sf)  }
0x1b0: {  	s16 =	sand.u32 $0x7F, s17  }
0x1b1: {  	v60 =	vor.u32 s16, v0  }
0x1b2: {  	v61 =	vor.u32 s16, v1;
	_ =	sdelay $0x1  }
0x1b3: {  	[sflag:s10] =	ssyncset.done $0x0  }
0x1b4: {  	v62 =	vld [tilespmem:$0x1FFF0];
	[sflag:s10] =	ssyncadd.s32 $0xFFFFF000  }
0x1b5: {  	v4 =	vld.idx.msk [tilespmem:v60+s21+$0x0], $0xffff  }
0x1b6: {  	v5 =	vld.idx.msk [tilespmem:v61+s21+$0x0], $0xffff;
	_ =	sdelay $0x2  }
0x1b7: {  	s16 =	spop @!p0 (v2sf)  }
0x1b8: {  	s16 =	sand.u32 @!p0 $0x1FFFFF80, s16;
	[tilespmem:s13+$0xC0] =	vst v4  }
0x1b9: {  	vm1 =	vnez.u8 v62;
	s17 =	simm.s32 @!p0 $0xE200;
	s16 =	sadd.s32 @!p0 s2, s16;
	[tilespmem:s13+$0xD0] =	vst v5  }
0x1ba: {  	v2 =	vsel vm1, $0x0, v2;
	[tilespmem:s17], [sflag:$0xF] =	stream.strided.gather @!p0 [hbm4b:s16+s14], $0x1000, s15, s14, $0x38;
	[tilespmem:$0x14200] =	vst v63  }
0x1bb: {  	v2 =	vxor.u32 $0x80000000, v2;
	_ =	swait.ge [sflag:s11], $0x1000  }
0x1bc: {  	(xrf0) =	vmax.scan.msk.u32 $0xffff, v2;
	_ =	sdelay $0x5  }
0x1bd: {  	v2, _, _ =	vpop (xrf0)  }
0x1be: {  	(v2sf) =	vpush v2, $0xF  }
0x1bf: {  	vm1 =	vmmov @!p0 $0x7fff  }
0x1c0: {  	v2 =	vsel @!p0 vm1, $0x0, v3  }
0x1c1: {  	v2 =	vxor.u32 @!p0 $0x80000000, v2  }
0x1c2: {  	(xrf0) =	vmax.scan.msk.u32 @!p0 $0xffff, v2;
	_ =	sdelay $0x5  }
0x1c3: {  	v2, _, _ =	vpop @!p0 (xrf0)  }
0x1c4: {  	(v2sf) =	vpush @!p0 v2, $0xF;
	_ =	sdelay $0x3  }
0x1c5: {  	s17 =	spop (v2sf)  }
0x1c6: {  	s16 =	sand.u32 $0x7F, s17  }
0x1c7: {  	v2 =	vor.u32 s16, v0  }
0x1c8: {  	v63 =	vor.u32 s16, v1;
	_ =	sdelay $0x1  }
0x1c9: {  	[sflag:s11] =	ssyncset.done $0x0  }
0x1ca: {  	[sflag:s11] =	ssyncadd.s32 $0xFFFFF000  }
0x1cb: {  	v2 =	vld.idx.msk [tilespmem:v2+s23+$0x0], $0xffff  }
0x1cc: {  	s12 =	sadd.s32 @!p0 $0x1, s12;
	v4 =	vld.idx.msk [tilespmem:v63+s23+$0x0], $0xffff  }
0x1cd: {  	p1 =	seq.s32 @!p0 s12, $0x0  }
0x1ce: {  	p1 =	por p0, p1  }
.Ltmp0:
0x1cf: {  	s16 =	spop @!p0 (v2sf);
	(pc) =	sbr.rel @!p1 .LBB2_2-.Ltmp0, $4  }
0x1d0: {  	s16 =	sand.u32 @!p0 $0x1FFFFF80, s16;
	[tilespmem:s13+$0xE0] =	vst v2  }
0x1d1: {  	s17 =	simm.s32 @!p0 $0xF200;
	s16 =	sadd.s32 @!p0 s2, s16;
	[tilespmem:s13+$0xF0] =	vst v4  }
0x1d2: {  	[tilespmem:s17], [sflag:$0x10] =	stream.strided.gather @!p0 [hbm4b:s16+s14], $0x1000, s15, s14, $0x38;
	[tilespmem:$0x14200] =	vst v63  }
0x1d3: {  	s13 =	sadd.s32 @!p0 $0x200, s13;
	v2 =	vmov v3;
	s16 =	simm.s32 $0x200  }
0x1d4: {  	s12 =	simm.s32 $0x0;
	s13 =	rddreg [dreg:$0x5];
	s14 =	simm.s32 $0x10200  }
0x1d5: {  	[hbm4b:s13+s12] =	stream.linear.scatter [tilespmem:s14], [sflag:$0x11], $0x4000, $0x38;
	[tilespmem:$0x14200] =	vst v63  }
0x1d6: {  	s14 =	simm.s32 $0x11  }
0x1d7: {  	_ =	swait.ge [sflag:s14], $0x4000  }
0x1d8: {  	s15 =	rddreg [dreg:$0x7]  }
0x1d9: {  	s25 =	rddreg [dreg:$0x6];
	s15 =	sadd.s32 $0x1, s15  }
0x1da: {  	v2 =	vld [tilespmem:$0x1FFF0];
	p0 =	sne.s32 s15, s25  }
.Ltmp1:
0x1db: {  	_ = 	snop;
	(pc) =	sbr.rel @p0 .LBB2_1-.Ltmp1, $4  }
0x1dc: {  	s17 =	simm.s32 $0x1200;
	s18 =	simm.s32 $0x2200  }
0x1dd: {  	s19 =	simm.s32 $0x3200;
	s20 =	simm.s32 $0x4200;
	s21 =	simm.s32 $0x5200  }
0x1de: {  	s22 =	simm.s32 $0x6200;
	s23 =	simm.s32 $0x7200;
	[sflag:s14] =	ssyncset.done $0x0  }
0x1df: {  	s24 =	simm.s32 $0x8200;
	[sflag:s14] =	ssyncadd.s32 $0xFFFFC000;
	s25 =	simm.s32 $0x9200;
	vm1 =	vnez.u8 v2  }
0x1e0: {  	_ =	sfence.sel $0x180000  }
0x1e1: {  	[bflag:$0x0] =	sbarrier.arrive $0xFFFF  }
0x1e2: {  	_ =	strace $0x90000047  }
0x1e3: {  	s0 =	stileid.u32;
	[bflag:$0x2] =	sbarrier.arrive $0xFFFF  }
0x1e4: {  	p0 =	sne.s32 s0, $0x0;
	s0 =	rddreg [dreg:$0x3]  }
0x1e5: {  	s0 =	sadd.s32 @!p0 $0x100000, s0  }
0x1e6: {  	[sflag:s0] =	ssyncadd.tile.s32 @!p0 $0x1;
	_ =	shalt  }
.Lfunc_end2:
_tile_overlayer_lowered:
.L_overlay_start_2:
0x1e7: {  	(tag) =	ssettag $0x2  }
0x1e8: {  	s0 =	rddreg [dreg:$0x0];
	s2 =	stileid.u32  }
0x1e9: {  	s1 =	rddreg [dreg:$0x1];
	p0 =	sne.s32 s2, $0x0  }
0x1ea: {  	s3 =	rddreg [dreg:$0x2];
	[bflag:$0x3] =	sbarrier.arrive $0xFFFF;
	s2 =	simm.s32 @!p0 $0x1C11  }
0x1eb: {  	[timem:s3], [sflag:s2] =	dma.local @!p0 [hbm:s0], s1  }
0x1ec: {  	s0 =	simm.s32 @!p0 $0x11  }
0x1ed: {  	_ =	swait.ge @!p0 [sflag:s0], s1  }
0x1ee: {  	s1 =	ssub.s32 @!p0 $0x0, s1;
	[sflag:s0] =	ssyncset.done @!p0 $0x0  }
0x1ef: {  	[sflag:s0] =	ssyncadd.s32 @!p0 s1  }
0x1f0: {  	[bflag:$0x3] =	sbarrier.arrive $0xFFFF  }
0x1f1: {  	_ =	shalt  }

</sc_bundles>
